<compile_context>
chip_gen: v7x
topology: tpu7x:2x2x1
jax: 0.10.2.dev20260603
libtpu: 0.0.44.dev20260713+nightly
codegen_flags: <defaults>
</compile_context>

<pallas_src>
import functools

import jax
import jax.numpy as jnp
from jax import lax
from jax.experimental import pallas as pl
from jax.experimental.pallas import tpu as pltpu
from jax.experimental.pallas import tpu_sc as plsc

SC_CORES = 2
SC_SUBCORES = 16
NW = SC_CORES * SC_SUBCORES

DIM = 768
HEADS = 12
DIM_HEAD = 64
EXPERTS = 8
HIDDEN = DIM * 4
TOP_K = 2
T = 2048
SI = 1024
BM = 256
S = TOP_K * T + EXPERTS * BM
NBLK = S // BM


def _bdot(a, b, dn=None):
    a16 = a.astype(jnp.bfloat16)
    b16 = b.astype(jnp.bfloat16)
    if dn is None:
        return jnp.dot(a16, b16, preferred_element_type=jnp.float32)
    return jax.lax.dot_general(a16, b16, dn,
                               preferred_element_type=jnp.float32)


def _ln(x, g):
    mu = jnp.mean(x, axis=-1, keepdims=True)
    xc = x - mu
    var = jnp.mean(xc * xc, axis=-1, keepdims=True)
    return xc / jnp.sqrt(var + 1e-5) * g


def _v_body(img_ref, wv_ref, v_ref):
    v_ref[...] = _bdot(img_ref[...], wv_ref[...])


def _v_proj(img, Wv):
    return pl.pallas_call(
        _v_body,
        grid=(4,),
        in_specs=[
            pl.BlockSpec((SI // 4, DIM), lambda i: (i, 0)),
            pl.BlockSpec((DIM, DIM), lambda i: (0, 0)),
        ],
        out_specs=pl.BlockSpec((SI // 4, DIM), lambda i: (i, 0)),
        out_shape=jax.ShapeDtypeStruct((SI, DIM), jnp.float32),
    )(img, Wv)


def _kt_body(wkt_ref, imgT_ref, kt_ref):
    kt_ref[...] = _bdot(wkt_ref[...], imgT_ref[...])


def _kt_proj(WkT, imgT):
    return pl.pallas_call(
        _kt_body,
        grid=(4,),
        in_specs=[
            pl.BlockSpec((DIM, DIM), lambda i: (0, 0)),
            pl.BlockSpec((DIM, SI // 4), lambda i: (0, i)),
        ],
        out_specs=pl.BlockSpec((DIM, SI // 4), lambda i: (0, i)),
        out_shape=jax.ShapeDtypeStruct((DIM, SI), jnp.float32),
    )(WkT, imgT)


def _attn_body(text_ref, kt_ref, v_ref, lnq_ref, wq_ref, nk_ref, nv_ref,
               wo_ref, lno_ref, gw_ref, act_ref, logits_ref):
    x = text_ref[...]
    xn = _ln(x, lnq_ref[...])
    scale = DIM_HEAD ** -0.5
    q = _bdot(xn, wq_ref[...]) * scale
    outs = []
    for h in range(HEADS):
        sl = slice(h * DIM_HEAD, (h + 1) * DIM_HEAD)
        q_h = q[:, sl]
        kt_h = kt_ref[sl, :]
        v_h = v_ref[:, sl]
        s = _bdot(q_h, kt_h)
        nl = _bdot(q_h, nk_ref[...])
        m = jnp.maximum(jnp.max(s, axis=1, keepdims=True), nl)
        p = jnp.exp(s - m)
        pn = jnp.exp(nl - m)
        den = jnp.sum(p, axis=1, keepdims=True) + pn
        attn = p / den
        attn_n = (pn / den).astype(jnp.bfloat16).astype(jnp.float32)
        nv16 = nv_ref[...].astype(jnp.bfloat16).astype(jnp.float32)
        o = _bdot(attn, v_h) + attn_n * nv16
        outs.append(o)
    out = jnp.concatenate(outs, axis=1)
    att = _ln(_bdot(out, wo_ref[...]), lno_ref[...])
    a = jnp.tanh(att) + x
    act_ref[...] = a
    logits_ref[...] = _bdot(a, gw_ref[...])


def _attention(text, kt, v, ln_q_g, Wq, null_k, null_v, Wo, ln_out_g, gate_W):
    BQ = 256
    return pl.pallas_call(
        _attn_body,
        grid=(T // BQ,),
        in_specs=[
            pl.BlockSpec((BQ, DIM), lambda i: (i, 0)),
            pl.BlockSpec((DIM, SI), lambda i: (0, 0)),
            pl.BlockSpec((SI, DIM), lambda i: (0, 0)),
            pl.BlockSpec((1, DIM), lambda i: (0, 0)),
            pl.BlockSpec((DIM, DIM), lambda i: (0, 0)),
            pl.BlockSpec((DIM_HEAD, 1), lambda i: (0, 0)),
            pl.BlockSpec((1, DIM_HEAD), lambda i: (0, 0)),
            pl.BlockSpec((DIM, DIM), lambda i: (0, 0)),
            pl.BlockSpec((1, DIM), lambda i: (0, 0)),
            pl.BlockSpec((DIM, EXPERTS), lambda i: (0, 0)),
        ],
        out_specs=[
            pl.BlockSpec((BQ, DIM), lambda i: (i, 0)),
            pl.BlockSpec((BQ, EXPERTS), lambda i: (i, 0)),
        ],
        out_shape=[
            jax.ShapeDtypeStruct((T, DIM), jnp.float32),
            jax.ShapeDtypeStruct((T, EXPERTS), jnp.float32),
        ],
    )(text, kt, v, ln_q_g, Wq, null_k, null_v, Wo, ln_out_g, gate_W)


def _routemath_body(logits_ref, slot_ref, w_ref, be_ref):
    x = logits_ref[...]
    m = jnp.max(x, axis=1, keepdims=True)
    eu = jnp.exp(x - m)
    z = jnp.sum(eu, axis=1, keepdims=True)
    g = eu / z
    b1 = g[:, 0:1]
    i1 = jnp.zeros_like(b1)
    b2 = jnp.full_like(b1, -1.0)
    i2 = jnp.zeros_like(b1)
    for e in range(1, EXPERTS):
        gc = g[:, e:e + 1]
        is1 = gc > b1
        is2 = jnp.logical_and(jnp.logical_not(is1), gc > b2)
        ef = jnp.full_like(b1, float(e))
        i2 = jnp.where(is1, i1, jnp.where(is2, ef, i2))
        b2 = jnp.where(is1, b1, jnp.where(is2, gc, b2))
        i1 = jnp.where(is1, ef, i1)
        b1 = jnp.where(is1, gc, b1)
    wsum = b1 + b2 + 1e-9
    w0 = b1 / wsum
    w1 = b2 / wsum
    er = jax.lax.broadcasted_iota(jnp.int32, (1, EXPERTS), 1).astype(jnp.float32)
    oh0 = (i1 == er).astype(jnp.float32)
    oh1 = (i2 == er).astype(jnp.float32)
    counts = (jnp.sum(oh0, axis=0, keepdims=True)
              + jnp.sum(oh1, axis=0, keepdims=True))
    padded = jnp.floor((counts + (BM - 1)) * (1.0 / BM)) * float(BM)
    offs = []
    run = jnp.zeros((1, 1), jnp.float32)
    for e in range(EXPERTS):
        offs.append(run)
        run = run + padded[:, e:e + 1]
    pad_off = jnp.concatenate(offs, axis=1)
    CB = 256
    r = jax.lax.broadcasted_iota(jnp.int32, (CB, CB), 0)
    c = jax.lax.broadcasted_iota(jnp.int32, (CB, CB), 1)
    tril = (r >= c).astype(jnp.float32)
    carry = jnp.zeros((1, EXPERTS), jnp.float32)
    for blk in range(2 * T // CB):
        oh = oh0 if blk < T // CB else oh1
        wv = w0 if blk < T // CB else w1
        rel = blk % (T // CB)
        ohb = oh[rel * CB:(rel + 1) * CB, :]
        incl = _bdot(tril, ohb) + carry
        rank = jnp.sum((incl - 1.0) * ohb, axis=1, keepdims=True)
        slot = jnp.sum(pad_off * ohb, axis=1, keepdims=True) + rank
        slot_ref[blk * CB:(blk + 1) * CB, :] = slot.astype(jnp.int32)
        w_ref[blk * CB:(blk + 1) * CB, :] = wv[rel * CB:(rel + 1) * CB, :]
        carry = carry + jnp.sum(ohb, axis=0, keepdims=True)
    bstart = (jax.lax.broadcasted_iota(jnp.int32, (1, 48), 1)
              .astype(jnp.float32) * float(BM))
    acc = jnp.zeros((1, 48), jnp.float32)
    for e in range(EXPERTS):
        acc = acc + (bstart >= pad_off[:, e:e + 1]).astype(jnp.float32)
    be_ref[...] = (acc - 1.0).astype(jnp.int32)


def _route_math(logits):
    return pl.pallas_call(
        _routemath_body,
        out_shape=[
            jax.ShapeDtypeStruct((2 * T, 1), jnp.int32),
            jax.ShapeDtypeStruct((2 * T, 1), jnp.float32),
            jax.ShapeDtypeStruct((1, 48), jnp.int32),
        ],
    )(logits)


def _make_scatter_rows():
    PPW = 2 * T // NW
    mesh = plsc.VectorSubcoreMesh(
        core_axis_name="c", subcore_axis_name="s",
        num_cores=SC_CORES, num_subcores=SC_SUBCORES)

    @functools.partial(
        pl.kernel, mesh=mesh,
        out_type=jax.ShapeDtypeStruct((S, DIM), jnp.float32),
        scratch_types=[
            pltpu.VMEM((PPW,), jnp.int32),
            pltpu.VMEM((PPW, DIM), jnp.float32),
            pltpu.SemaphoreType.DMA,
        ],
    )
    def scat(act_hbm, slots_hbm, xs_hbm, slotv, rows, sem):
        wid = lax.axis_index("s") * SC_CORES + lax.axis_index("c")
        pbase = wid * PPW
        toff = lax.shift_right_arithmetic(wid, 4) * T
        pltpu.sync_copy(act_hbm.at[pl.ds(pbase - toff, PPW)], rows)
        pltpu.sync_copy(slots_hbm.at[pl.ds(pbase, PPW)], slotv)
        pltpu.async_copy(rows, xs_hbm.at[slotv], sem).wait()

    return scat


_scatter_rows = _make_scatter_rows()


def _make_row_gather(n_rows, n_tables):
    rpw = n_rows // NW
    mesh = plsc.VectorSubcoreMesh(
        core_axis_name="c", subcore_axis_name="s",
        num_cores=SC_CORES, num_subcores=SC_SUBCORES)

    @functools.partial(
        pl.kernel, mesh=mesh,
        out_type=[jax.ShapeDtypeStruct((n_rows, DIM), jnp.float32)
                  ] * n_tables,
        scratch_types=[
            pltpu.VMEM((rpw,), jnp.int32),
            pltpu.VMEM((rpw, DIM), jnp.float32),
            pltpu.SemaphoreType.DMA,
        ],
    )
    def gather(*refs):
        ins = refs[:2 * n_tables]
        outs = refs[2 * n_tables:2 * n_tables + n_tables]
        idx_v, rows_v, sem = refs[2 * n_tables + n_tables:]
        wid = lax.axis_index("s") * SC_CORES + lax.axis_index("c")
        base = wid * rpw
        for t in range(n_tables):
            table_hbm, idx_hbm = ins[2 * t], ins[2 * t + 1]
            pltpu.sync_copy(idx_hbm.at[pl.ds(base, rpw)], idx_v)
            pltpu.async_copy(table_hbm.at[idx_v], rows_v, sem).wait()
            pltpu.sync_copy(rows_v, outs[t].at[pl.ds(base, rpw)])

    return gather


_gather_pair = _make_row_gather(T, 2)


def _ffn_body(be_ref, x_ref, w1_ref, w2_ref, out_ref):
    del be_ref
    x16 = x_ref[...].astype(jnp.bfloat16)
    h = jax.nn.gelu(jnp.dot(x16, w1_ref[0],
                            preferred_element_type=jnp.float32))
    o = jnp.dot(h.astype(jnp.bfloat16), w2_ref[0],
                preferred_element_type=jnp.float32)
    out_ref[...] = o


def _ffn(block_expert, x_sorted, expert_W1, expert_W2):
    grid_spec = pltpu.PrefetchScalarGridSpec(
        num_scalar_prefetch=1,
        grid=(NBLK,),
        in_specs=[
            pl.BlockSpec((BM, DIM), lambda b, be: (b, 0)),
            pl.BlockSpec((1, DIM, HIDDEN), lambda b, be: (be[b], 0, 0)),
            pl.BlockSpec((1, HIDDEN, DIM), lambda b, be: (be[b], 0, 0)),
        ],
        out_specs=pl.BlockSpec((BM, DIM), lambda b, be: (b, 0)),
    )
    return pl.pallas_call(
        _ffn_body,
        grid_spec=grid_spec,
        out_shape=jax.ShapeDtypeStruct((S, DIM), jnp.float32),
    )(block_expert, x_sorted, expert_W1, expert_W2)


def _combine_body(g0_ref, g1_ref, w0_ref, w1_ref, act_ref, out_ref):
    out_ref[...] = jnp.tanh(w0_ref[...] * g0_ref[...]
                            + w1_ref[...] * g1_ref[...] + act_ref[...])


def _combine(g0, g1, w0, w1, activated):
    BQ = 256
    return pl.pallas_call(
        _combine_body,
        grid=(T // BQ,),
        in_specs=[
            pl.BlockSpec((BQ, DIM), lambda i: (i, 0)),
            pl.BlockSpec((BQ, DIM), lambda i: (i, 0)),
            pl.BlockSpec((BQ, 1), lambda i: (i, 0)),
            pl.BlockSpec((BQ, 1), lambda i: (i, 0)),
            pl.BlockSpec((BQ, DIM), lambda i: (i, 0)),
        ],
        out_specs=pl.BlockSpec((BQ, DIM), lambda i: (i, 0)),
        out_shape=jax.ShapeDtypeStruct((T, DIM), jnp.float32),
    )(g0, g1, w0, w1, activated)


def kernel(text, img, ln_q_g, Wq, Wkv, null_k, null_v, Wo, ln_out_g,
           gate_W, expert_W1, expert_W2):
    B = text.shape[0]
    text2 = text.reshape(T, DIM)
    img2 = img.reshape(SI, DIM)

    v = _v_proj(img2, Wkv[:, DIM:])
    kt = _kt_proj(Wkv[:, :DIM].T, img2.T)
    activated, logits = _attention(
        text2, kt, v, ln_q_g.reshape(1, DIM), Wq,
        null_k.reshape(DIM_HEAD, 1), null_v.reshape(1, DIM_HEAD), Wo,
        ln_out_g.reshape(1, DIM), gate_W)

    slots2, wpair2, be2 = _route_math(logits)
    slots = slots2.reshape(2 * T)
    block_expert = be2.reshape(48)[:NBLK]
    x_sorted = _scatter_rows(activated, slots)
    pos0, pos1 = slots[:T], slots[T:]
    out_sorted = _ffn(block_expert, x_sorted,
                      expert_W1.astype(jnp.bfloat16),
                      expert_W2.astype(jnp.bfloat16))
    g0, g1 = _gather_pair(out_sorted, pos0, out_sorted, pos1)
    out = _combine(g0, g1, wpair2[:T], wpair2[T:], activated)
    return out.reshape(B, T, DIM)

# --- scband reference (transcript-rebuilt; emitter-appended) ---
"""Pipeline reference for scband-gated-mo-ecross-attn-13211319402741 (READ-ONLY COPY).

The authoritative reference and input builder live on the scoring server;
editing this copy changes nothing except your own understanding.
"""

import jax, jax.numpy as jnp
import numpy as np

DIM = 768
HEADS = 12
DIM_HEAD = 64
EXPERTS = 8
HIDDEN = DIM * 4
TOP_K = 2


def layer_norm(x, g):
    mu = jnp.mean(x, axis=-1, keepdims=True)
    var = jnp.var(x, axis=-1, keepdims=True)
    return (x - mu) / jnp.sqrt(var + 1e-5) * g


def setup_inputs(seed: int = 0) -> dict:
    key = jax.random.key(seed)
    ks = jax.random.split(key, 10)
    inner = HEADS * DIM_HEAD
    return {
        "text": jax.random.normal(ks[0], (1, 2048, DIM), dtype=jnp.float32),
        "img": jax.random.normal(ks[1], (1, 1024, DIM), dtype=jnp.float32),
        "ln_q_g": jnp.ones((DIM,), dtype=jnp.float32),
        "Wq": jax.random.normal(ks[2], (DIM, inner), dtype=jnp.float32) * 0.02,
        "Wkv": jax.random.normal(ks[3], (DIM, 2 * inner), dtype=jnp.float32) * 0.02,
        "null_k": jax.random.normal(ks[4], (DIM_HEAD,), dtype=jnp.float32) * 0.02,
        "null_v": jax.random.normal(ks[5], (DIM_HEAD,), dtype=jnp.float32) * 0.02,
        "Wo": jax.random.normal(ks[6], (inner, DIM), dtype=jnp.float32) * 0.02,
        "ln_out_g": jnp.ones((DIM,), dtype=jnp.float32),
        "gate_W": jax.random.normal(ks[7], (DIM, EXPERTS), dtype=jnp.float32) * 0.02,
        "expert_W1": jax.random.normal(ks[8], (EXPERTS, DIM, HIDDEN), dtype=jnp.float32) * 0.02,
        "expert_W2": jax.random.normal(ks[9], (EXPERTS, HIDDEN, DIM), dtype=jnp.float32) * 0.02,
    }


def reference(text, img, ln_q_g, Wq, Wkv, null_k, null_v, Wo, ln_out_g, gate_W, expert_W1, expert_W2):
    B, St, _ = text.shape
    Si = img.shape[1]
    residual = text
    # --- CrossAttention: q from normed text, kv from img, null kv, softmax attn ---
    xn = layer_norm(text, ln_q_g)
    q = xn @ Wq
    kv = img @ Wkv
    k, v = jnp.split(kv, 2, axis=-1)
    q = q.reshape(B, St, HEADS, DIM_HEAD).transpose(0, 2, 1, 3)
    k = k.reshape(B, Si, HEADS, DIM_HEAD).transpose(0, 2, 1, 3)
    v = v.reshape(B, Si, HEADS, DIM_HEAD).transpose(0, 2, 1, 3)
    nk = jnp.broadcast_to(null_k, (B, HEADS, 1, DIM_HEAD))
    nv = jnp.broadcast_to(null_v, (B, HEADS, 1, DIM_HEAD))
    k = jnp.concatenate([nk, k], axis=2)
    v = jnp.concatenate([nv, v], axis=2)
    scale = DIM_HEAD ** -0.5
    sim = jnp.einsum('bhid,bhjd->bhij', q * scale, k)
    attn = jax.nn.softmax(sim, axis=-1)
    out = jnp.einsum('bhij,bhjd->bhid', attn, v)
    out = out.transpose(0, 2, 1, 3).reshape(B, St, HEADS * DIM_HEAD)
    attended = layer_norm(out @ Wo, ln_out_g)
    # --- gated residual ---
    activated = jnp.tanh(attended) + residual
    # --- NormalSparseMoE: top-2 gating over EXPERTS FFN experts ---
    tokens = activated.reshape(-1, DIM)
    logits = tokens @ gate_W
    gates = jax.nn.softmax(logits, axis=-1)
    topv, topi = jax.lax.top_k(gates, TOP_K)
    topv = topv / (jnp.sum(topv, axis=-1, keepdims=True) + 1e-9)
    sel = jax.nn.one_hot(topi, EXPERTS, dtype=tokens.dtype)
    combine = jnp.sum(topv[..., None] * sel, axis=1)  # [T, E]
    hmid = jax.nn.gelu(jnp.einsum('td,edf->tef', tokens, expert_W1))
    eout = jnp.einsum('tef,efd->ted', hmid, expert_W2)
    moe_out = jnp.einsum('te,ted->td', combine, eout).reshape(B, St, DIM)
    # aux load-balancing loss (returned by moe but unused downstream)
    density = jnp.mean(sel[:, 0, :], axis=0)
    density_proxy = jnp.mean(gates, axis=0)
    _loss = jnp.mean(density * density_proxy) * (EXPERTS ** 2)
    out_final = jnp.tanh(moe_out + activated)
    return out_final

if __name__ == "__main__":
    import jax
    _d = setup_inputs()
    print(jax.jit(kernel)(*tuple(_d.values())))

</pallas_src>

<mosaic_0001>
#map = affine_map<(d0, d1) -> (0, 0)>
#map1 = affine_map<(d0, d1) -> (0)>
module attributes {stable_mosaic.version = 14 : i64} {
  func.func @gather(%arg0: i32, %arg1: i32, %arg2: memref<6144x768xf32, #tpu.memory_space<hbm>>, %arg3: memref<2048xi32, #tpu.memory_space<hbm>>, %arg4: memref<6144x768xf32, #tpu.memory_space<hbm>>, %arg5: memref<2048xi32, #tpu.memory_space<hbm>>, %arg6: memref<2048x768xf32, #tpu.memory_space<hbm>>, %arg7: memref<2048x768xf32, #tpu.memory_space<hbm>>, %arg8: memref<64xi32, #tpu.memory_space<vmem>>, %arg9: memref<64x768xf32, #tpu.memory_space<vmem>>, %arg10: memref<!tpu.dma_semaphore, #tpu.memory_space<semaphore_mem>>) attributes {dimension_semantics = [#tpu.dimension_semantics<core_parallel>, #tpu.dimension_semantics<subcore_parallel>], iteration_bounds = array<i64: 2, 16>, scalar_prefetch = 0 : i64, scratch_operands = 3 : i64, tpu.core_type = #tpu.core_type<sc_vector_subcore>, window_params = [{transform_indices = #map}, {transform_indices = #map1}, {transform_indices = #map}, {transform_indices = #map1}, {transform_indices = #map}, {transform_indices = #map}]} {
    %mul3A = arith.constant 2 : i32
    %mul3A_0 = arith.muli %arg1, %mul3A : i32
    %add3A = arith.addi %mul3A_0, %arg0 : i32
    %mul3A_1 = arith.constant 64 : i32
    %mul3A_2 = arith.muli %add3A, %mul3A_1 : i32
    "tpu.region"() ({
      %run_scoped3A = tpu.sem_alloc : memref<!tpu.dma_semaphore, #tpu.memory_space<semaphore_mem>>
      %dma_start3A_13 = tpu.memref_slice %arg3[%mul3A_2] : memref<2048xi32, #tpu.memory_space<hbm>> -> memref<64xi32, #tpu.memory_space<hbm>>
      %dma_start3A_14 = tpu.memref_slice %arg3[%mul3A_2] : memref<2048xi32, #tpu.memory_space<hbm>> -> memref<64xi32, #tpu.memory_space<hbm>>
      tpu.enqueue_dma source(%dma_start3A_14 : memref<64xi32, #tpu.memory_space<hbm>>) target(%arg8 : memref<64xi32, #tpu.memory_space<vmem>>) target_semaphore(%run_scoped3A : memref<!tpu.dma_semaphore, #tpu.memory_space<semaphore_mem>>)
      %dma_wait3A_15 = tpu.memref_slice %arg3[%mul3A_2] : memref<2048xi32, #tpu.memory_space<hbm>> -> memref<64xi32, #tpu.memory_space<hbm>>
      %dma_wait3A_16 = tpu.memref_slice %arg3[%mul3A_2] : memref<2048xi32, #tpu.memory_space<hbm>> -> memref<64xi32, #tpu.memory_space<hbm>>
      tpu.wait_dma2 semaphore(%run_scoped3A : memref<!tpu.dma_semaphore, #tpu.memory_space<semaphore_mem>>) src(%dma_wait3A_16 : memref<64xi32, #tpu.memory_space<hbm>>) dst(%arg8 : memref<64xi32, #tpu.memory_space<vmem>>)
      tpu.yield
    }) : () -> ()
    %dma_start3A = arith.constant 0 : i32
    %dma_start3A_3 = arith.constant 0 : i32
    %dma_start3A_4 = tpu.memref_slice %arg2[%dma_start3A, %dma_start3A_3] : memref<6144x768xf32, #tpu.memory_space<hbm>> -> memref<6144x768xf32, #tpu.memory_space<hbm>>
    tpu.enqueue_indirect_dma source(%dma_start3A_4 : memref<6144x768xf32, #tpu.memory_space<hbm>>) target(%arg9 : memref<64x768xf32, #tpu.memory_space<vmem>>) offsets(%arg8 : memref<64xi32, #tpu.memory_space<vmem>>) semaphore(%arg10 : memref<!tpu.dma_semaphore, #tpu.memory_space<semaphore_mem>>)
    %dma_wait3A = arith.constant 0 : i32
    %dma_wait3A_5 = arith.constant 0 : i32
    %dma_wait3A_6 = tpu.memref_slice %arg2[%dma_wait3A, %dma_wait3A_5] : memref<6144x768xf32, #tpu.memory_space<hbm>> -> memref<6144x768xf32, #tpu.memory_space<hbm>>
    tpu.wait_indirect_dma semaphore(%arg10 : memref<!tpu.dma_semaphore, #tpu.memory_space<semaphore_mem>>) src(%dma_wait3A_6 : memref<6144x768xf32, #tpu.memory_space<hbm>>) dst(%arg9 : memref<64x768xf32, #tpu.memory_space<vmem>>)
    "tpu.region"() ({
      %run_scoped3A = tpu.sem_alloc : memref<!tpu.dma_semaphore, #tpu.memory_space<semaphore_mem>>
      %dma_start3A_13 = arith.constant 0 : i32
      %dma_start3A_14 = tpu.memref_slice %arg6[%mul3A_2, %dma_start3A_13] : memref<2048x768xf32, #tpu.memory_space<hbm>> -> memref<64x768xf32, #tpu.memory_space<hbm>>
      %dma_start3A_15 = arith.constant 0 : i32
      %dma_start3A_16 = tpu.memref_slice %arg6[%mul3A_2, %dma_start3A_15] : memref<2048x768xf32, #tpu.memory_space<hbm>> -> memref<64x768xf32, #tpu.memory_space<hbm>>
      tpu.enqueue_dma source(%arg9 : memref<64x768xf32, #tpu.memory_space<vmem>>) target(%dma_start3A_16 : memref<64x768xf32, #tpu.memory_space<hbm>>) target_semaphore(%run_scoped3A : memref<!tpu.dma_semaphore, #tpu.memory_space<semaphore_mem>>)
      %dma_wait3A_17 = arith.constant 0 : i32
      %dma_wait3A_18 = tpu.memref_slice %arg6[%mul3A_2, %dma_wait3A_17] : memref<2048x768xf32, #tpu.memory_space<hbm>> -> memref<64x768xf32, #tpu.memory_space<hbm>>
      %dma_wait3A_19 = arith.constant 0 : i32
      %dma_wait3A_20 = tpu.memref_slice %arg6[%mul3A_2, %dma_wait3A_19] : memref<2048x768xf32, #tpu.memory_space<hbm>> -> memref<64x768xf32, #tpu.memory_space<hbm>>
      tpu.wait_dma2 semaphore(%run_scoped3A : memref<!tpu.dma_semaphore, #tpu.memory_space<semaphore_mem>>) src(%arg9 : memref<64x768xf32, #tpu.memory_space<vmem>>) dst(%dma_wait3A_20 : memref<64x768xf32, #tpu.memory_space<hbm>>)
      tpu.yield
    }) : () -> ()
    "tpu.region"() ({
      %run_scoped3A = tpu.sem_alloc : memref<!tpu.dma_semaphore, #tpu.memory_space<semaphore_mem>>
      %dma_start3A_13 = tpu.memref_slice %arg5[%mul3A_2] : memref<2048xi32, #tpu.memory_space<hbm>> -> memref<64xi32, #tpu.memory_space<hbm>>
      %dma_start3A_14 = tpu.memref_slice %arg5[%mul3A_2] : memref<2048xi32, #tpu.memory_space<hbm>> -> memref<64xi32, #tpu.memory_space<hbm>>
      tpu.enqueue_dma source(%dma_start3A_14 : memref<64xi32, #tpu.memory_space<hbm>>) target(%arg8 : memref<64xi32, #tpu.memory_space<vmem>>) target_semaphore(%run_scoped3A : memref<!tpu.dma_semaphore, #tpu.memory_space<semaphore_mem>>)
      %dma_wait3A_15 = tpu.memref_slice %arg5[%mul3A_2] : memref<2048xi32, #tpu.memory_space<hbm>> -> memref<64xi32, #tpu.memory_space<hbm>>
      %dma_wait3A_16 = tpu.memref_slice %arg5[%mul3A_2] : memref<2048xi32, #tpu.memory_space<hbm>> -> memref<64xi32, #tpu.memory_space<hbm>>
      tpu.wait_dma2 semaphore(%run_scoped3A : memref<!tpu.dma_semaphore, #tpu.memory_space<semaphore_mem>>) src(%dma_wait3A_16 : memref<64xi32, #tpu.memory_space<hbm>>) dst(%arg8 : memref<64xi32, #tpu.memory_space<vmem>>)
      tpu.yield
    }) : () -> ()
    %dma_start3A_7 = arith.constant 0 : i32
    %dma_start3A_8 = arith.constant 0 : i32
    %dma_start3A_9 = tpu.memref_slice %arg4[%dma_start3A_7, %dma_start3A_8] : memref<6144x768xf32, #tpu.memory_space<hbm>> -> memref<6144x768xf32, #tpu.memory_space<hbm>>
    tpu.enqueue_indirect_dma source(%dma_start3A_9 : memref<6144x768xf32, #tpu.memory_space<hbm>>) target(%arg9 : memref<64x768xf32, #tpu.memory_space<vmem>>) offsets(%arg8 : memref<64xi32, #tpu.memory_space<vmem>>) semaphore(%arg10 : memref<!tpu.dma_semaphore, #tpu.memory_space<semaphore_mem>>)
    %dma_wait3A_10 = arith.constant 0 : i32
    %dma_wait3A_11 = arith.constant 0 : i32
    %dma_wait3A_12 = tpu.memref_slice %arg4[%dma_wait3A_10, %dma_wait3A_11] : memref<6144x768xf32, #tpu.memory_space<hbm>> -> memref<6144x768xf32, #tpu.memory_space<hbm>>
    tpu.wait_indirect_dma semaphore(%arg10 : memref<!tpu.dma_semaphore, #tpu.memory_space<semaphore_mem>>) src(%dma_wait3A_12 : memref<6144x768xf32, #tpu.memory_space<hbm>>) dst(%arg9 : memref<64x768xf32, #tpu.memory_space<vmem>>)
    "tpu.region"() ({
      %run_scoped3A = tpu.sem_alloc : memref<!tpu.dma_semaphore, #tpu.memory_space<semaphore_mem>>
      %dma_start3A_13 = arith.constant 0 : i32
      %dma_start3A_14 = tpu.memref_slice %arg7[%mul3A_2, %dma_start3A_13] : memref<2048x768xf32, #tpu.memory_space<hbm>> -> memref<64x768xf32, #tpu.memory_space<hbm>>
      %dma_start3A_15 = arith.constant 0 : i32
      %dma_start3A_16 = tpu.memref_slice %arg7[%mul3A_2, %dma_start3A_15] : memref<2048x768xf32, #tpu.memory_space<hbm>> -> memref<64x768xf32, #tpu.memory_space<hbm>>
      tpu.enqueue_dma source(%arg9 : memref<64x768xf32, #tpu.memory_space<vmem>>) target(%dma_start3A_16 : memref<64x768xf32, #tpu.memory_space<hbm>>) target_semaphore(%run_scoped3A : memref<!tpu.dma_semaphore, #tpu.memory_space<semaphore_mem>>)
      %dma_wait3A_17 = arith.constant 0 : i32
      %dma_wait3A_18 = tpu.memref_slice %arg7[%mul3A_2, %dma_wait3A_17] : memref<2048x768xf32, #tpu.memory_space<hbm>> -> memref<64x768xf32, #tpu.memory_space<hbm>>
      %dma_wait3A_19 = arith.constant 0 : i32
      %dma_wait3A_20 = tpu.memref_slice %arg7[%mul3A_2, %dma_wait3A_19] : memref<2048x768xf32, #tpu.memory_space<hbm>> -> memref<64x768xf32, #tpu.memory_space<hbm>>
      tpu.wait_dma2 semaphore(%run_scoped3A : memref<!tpu.dma_semaphore, #tpu.memory_space<semaphore_mem>>) src(%arg9 : memref<64x768xf32, #tpu.memory_space<vmem>>) dst(%dma_wait3A_20 : memref<64x768xf32, #tpu.memory_space<hbm>>)
      tpu.yield
    }) : () -> ()
    return
  }
}

#map = affine_map<(d0, d1) -> (0, 0)>
#map1 = affine_map<(d0, d1) -> (0)>
module attributes {stable_mosaic.version = 14 : i64} {
  func.func @scat(%arg0: i32, %arg1: i32, %arg2: memref<2048x768xf32, #tpu.memory_space<hbm>>, %arg3: memref<4096xi32, #tpu.memory_space<hbm>>, %arg4: memref<6144x768xf32, #tpu.memory_space<hbm>>, %arg5: memref<128xi32, #tpu.memory_space<vmem>>, %arg6: memref<128x768xf32, #tpu.memory_space<vmem>>, %arg7: memref<!tpu.dma_semaphore, #tpu.memory_space<semaphore_mem>>) attributes {dimension_semantics = [#tpu.dimension_semantics<core_parallel>, #tpu.dimension_semantics<subcore_parallel>], iteration_bounds = array<i64: 2, 16>, scalar_prefetch = 0 : i64, scratch_operands = 3 : i64, tpu.core_type = #tpu.core_type<sc_vector_subcore>, window_params = [{transform_indices = #map}, {transform_indices = #map1}, {transform_indices = #map}]} {
    %mul3A = arith.constant 2 : i32
    %mul3A_0 = arith.muli %arg1, %mul3A : i32
    %add3A = arith.addi %mul3A_0, %arg0 : i32
    %mul3A_1 = arith.constant 128 : i32
    %mul3A_2 = arith.muli %add3A, %mul3A_1 : i32
    %shift_right_arithmetic3A = arith.constant 4 : i32
    %shift_right_arithmetic3A_3 = arith.shrsi %add3A, %shift_right_arithmetic3A : i32
    %mul3A_4 = arith.constant 2048 : i32
    %mul3A_5 = arith.muli %shift_right_arithmetic3A_3, %mul3A_4 : i32
    %sub3A = arith.subi %mul3A_2, %mul3A_5 : i32
    "tpu.region"() ({
      %run_scoped3A = tpu.sem_alloc : memref<!tpu.dma_semaphore, #tpu.memory_space<semaphore_mem>>
      %dma_start3A_10 = arith.constant 0 : i32
      %dma_start3A_11 = tpu.memref_slice %arg2[%sub3A, %dma_start3A_10] : memref<2048x768xf32, #tpu.memory_space<hbm>> -> memref<128x768xf32, #tpu.memory_space<hbm>>
      %dma_start3A_12 = arith.constant 0 : i32
      %dma_start3A_13 = tpu.memref_slice %arg2[%sub3A, %dma_start3A_12] : memref<2048x768xf32, #tpu.memory_space<hbm>> -> memref<128x768xf32, #tpu.memory_space<hbm>>
      tpu.enqueue_dma source(%dma_start3A_13 : memref<128x768xf32, #tpu.memory_space<hbm>>) target(%arg6 : memref<128x768xf32, #tpu.memory_space<vmem>>) target_semaphore(%run_scoped3A : memref<!tpu.dma_semaphore, #tpu.memory_space<semaphore_mem>>)
      %dma_wait3A_14 = arith.constant 0 : i32
      %dma_wait3A_15 = tpu.memref_slice %arg2[%sub3A, %dma_wait3A_14] : memref<2048x768xf32, #tpu.memory_space<hbm>> -> memref<128x768xf32, #tpu.memory_space<hbm>>
      %dma_wait3A_16 = arith.constant 0 : i32
      %dma_wait3A_17 = tpu.memref_slice %arg2[%sub3A, %dma_wait3A_16] : memref<2048x768xf32, #tpu.memory_space<hbm>> -> memref<128x768xf32, #tpu.memory_space<hbm>>
      tpu.wait_dma2 semaphore(%run_scoped3A : memref<!tpu.dma_semaphore, #tpu.memory_space<semaphore_mem>>) src(%dma_wait3A_17 : memref<128x768xf32, #tpu.memory_space<hbm>>) dst(%arg6 : memref<128x768xf32, #tpu.memory_space<vmem>>)
      tpu.yield
    }) : () -> ()
    "tpu.region"() ({
      %run_scoped3A = tpu.sem_alloc : memref<!tpu.dma_semaphore, #tpu.memory_space<semaphore_mem>>
      %dma_start3A_10 = tpu.memref_slice %arg3[%mul3A_2] : memref<4096xi32, #tpu.memory_space<hbm>> -> memref<128xi32, #tpu.memory_space<hbm>>
      %dma_start3A_11 = tpu.memref_slice %arg3[%mul3A_2] : memref<4096xi32, #tpu.memory_space<hbm>> -> memref<128xi32, #tpu.memory_space<hbm>>
      tpu.enqueue_dma source(%dma_start3A_11 : memref<128xi32, #tpu.memory_space<hbm>>) target(%arg5 : memref<128xi32, #tpu.memory_space<vmem>>) target_semaphore(%run_scoped3A : memref<!tpu.dma_semaphore, #tpu.memory_space<semaphore_mem>>)
      %dma_wait3A_12 = tpu.memref_slice %arg3[%mul3A_2] : memref<4096xi32, #tpu.memory_space<hbm>> -> memref<128xi32, #tpu.memory_space<hbm>>
      %dma_wait3A_13 = tpu.memref_slice %arg3[%mul3A_2] : memref<4096xi32, #tpu.memory_space<hbm>> -> memref<128xi32, #tpu.memory_space<hbm>>
      tpu.wait_dma2 semaphore(%run_scoped3A : memref<!tpu.dma_semaphore, #tpu.memory_space<semaphore_mem>>) src(%dma_wait3A_13 : memref<128xi32, #tpu.memory_space<hbm>>) dst(%arg5 : memref<128xi32, #tpu.memory_space<vmem>>)
      tpu.yield
    }) : () -> ()
    %dma_start3A = arith.constant 0 : i32
    %dma_start3A_6 = arith.constant 0 : i32
    %dma_start3A_7 = tpu.memref_slice %arg4[%dma_start3A, %dma_start3A_6] : memref<6144x768xf32, #tpu.memory_space<hbm>> -> memref<6144x768xf32, #tpu.memory_space<hbm>>
    tpu.enqueue_indirect_dma source(%arg6 : memref<128x768xf32, #tpu.memory_space<vmem>>) target(%dma_start3A_7 : memref<6144x768xf32, #tpu.memory_space<hbm>>) offsets(%arg5 : memref<128xi32, #tpu.memory_space<vmem>>) semaphore(%arg7 : memref<!tpu.dma_semaphore, #tpu.memory_space<semaphore_mem>>)
    %dma_wait3A = arith.constant 0 : i32
    %dma_wait3A_8 = arith.constant 0 : i32
    %dma_wait3A_9 = tpu.memref_slice %arg4[%dma_wait3A, %dma_wait3A_8] : memref<6144x768xf32, #tpu.memory_space<hbm>> -> memref<6144x768xf32, #tpu.memory_space<hbm>>
    tpu.wait_indirect_dma semaphore(%arg7 : memref<!tpu.dma_semaphore, #tpu.memory_space<semaphore_mem>>) src(%arg6 : memref<128x768xf32, #tpu.memory_space<vmem>>) dst(%dma_wait3A_9 : memref<6144x768xf32, #tpu.memory_space<hbm>>)
    return
  }
}

module attributes {stable_mosaic.version = 14 : i64} {
  func.func @_v_body(%arg0: i32, %arg1: memref<256x768xf32, #tpu.memory_space<vmem>>, %arg2: memref<768x768xf32, #tpu.memory_space<vmem>>, %arg3: memref<256x768xf32, #tpu.memory_space<vmem>>) attributes {dimension_semantics = [#tpu.dimension_semantics<arbitrary>], iteration_bounds = array<i64: 4>, scalar_prefetch = 0 : i64, scratch_operands = 0 : i64, tpu.core_type = #tpu.core_type<tc>, window_params = [{transform_indices = @transform_0, window_bounds = array<i64: 256, 768>}, {pipeline_mode = #tpu.pipeline_mode<synchronous>, transform_indices = @transform_1, window_bounds = array<i64: 768, 768>}, {transform_indices = @transform_2, window_bounds = array<i64: 256, 768>}]} {
    %get3A = arith.constant 0 : index
    %get3A_0 = arith.constant 0 : index
    %get3A_1 = vector.load %arg1[%get3A, %get3A_0] : memref<256x768xf32, #tpu.memory_space<vmem>>, vector<256x768xf32>
    %get3A_2 = arith.constant 0 : index
    %get3A_3 = arith.constant 0 : index
    %get3A_4 = vector.load %arg2[%get3A_2, %get3A_3] : memref<768x768xf32, #tpu.memory_space<vmem>>, vector<768x768xf32>
    %convert_element_type3A = arith.truncf %get3A_1 : vector<256x768xf32> to vector<256x768xbf16>
    %convert_element_type3A_5 = arith.truncf %get3A_4 : vector<768x768xf32> to vector<768x768xbf16>
    %dot_general3A = arith.constant dense<0.000000e+00> : vector<256x768xf32>
    %dot_general3A_6 = tpu.matmul %convert_element_type3A, %convert_element_type3A_5, %dot_general3A {dimension_numbers = #tpu.dot_dimension_numbers<[1], [0], [0], [1], [0, 0, 1, 1], [], []>, transpose_lhs_hint = false} : vector<256x768xbf16>, vector<768x768xbf16>, vector<256x768xf32> -> vector<256x768xf32>
    %swap3A = arith.constant 0 : index
    %swap3A_7 = arith.constant 0 : index
    %swap3A_8 = vector.load %arg3[%swap3A, %swap3A_7] : memref<256x768xf32, #tpu.memory_space<vmem>>, vector<256x768xf32>
    tpu.vector_store %arg3[%swap3A, %swap3A_7], %dot_general3A_6 {strides = array<i32>} : memref<256x768xf32, #tpu.memory_space<vmem>>, vector<256x768xf32>,
    return
  }
  func.func @transform_0(%arg0: i32) -> (i32, i32) {
    %c0_i32 = arith.constant 0 : i32
    %c0_i32_0 = arith.constant 0 : i32
    return %arg0, %c0_i32 : i32, i32
  }
  func.func @transform_1(%arg0: i32) -> (i32, i32) {
    %c0_i32 = arith.constant 0 : i32
    %c0_i32_0 = arith.constant 0 : i32
    %c0_i32_1 = arith.constant 0 : i32
    return %c0_i32, %c0_i32_0 : i32, i32
  }
  func.func @transform_2(%arg0: i32) -> (i32, i32) {
    %c0_i32 = arith.constant 0 : i32
    %c0_i32_0 = arith.constant 0 : i32
    return %arg0, %c0_i32 : i32, i32
  }
}

module attributes {stable_mosaic.version = 14 : i64} {
  func.func @_kt_body(%arg0: i32, %arg1: memref<768x768xf32, #tpu.memory_space<vmem>>, %arg2: memref<768x256xf32, #tpu.memory_space<vmem>>, %arg3: memref<768x256xf32, #tpu.memory_space<vmem>>) attributes {dimension_semantics = [#tpu.dimension_semantics<arbitrary>], iteration_bounds = array<i64: 4>, scalar_prefetch = 0 : i64, scratch_operands = 0 : i64, tpu.core_type = #tpu.core_type<tc>, window_params = [{pipeline_mode = #tpu.pipeline_mode<synchronous>, transform_indices = @transform_0, window_bounds = array<i64: 768, 768>}, {transform_indices = @transform_1, window_bounds = array<i64: 768, 256>}, {transform_indices = @transform_2, window_bounds = array<i64: 768, 256>}]} {
    %get3A = arith.constant 0 : index
    %get3A_0 = arith.constant 0 : index
    %get3A_1 = vector.load %arg1[%get3A, %get3A_0] : memref<768x768xf32, #tpu.memory_space<vmem>>, vector<768x768xf32>
    %get3A_2 = arith.constant 0 : index
    %get3A_3 = arith.constant 0 : index
    %get3A_4 = vector.load %arg2[%get3A_2, %get3A_3] : memref<768x256xf32, #tpu.memory_space<vmem>>, vector<768x256xf32>
    %convert_element_type3A = arith.truncf %get3A_1 : vector<768x768xf32> to vector<768x768xbf16>
    %convert_element_type3A_5 = arith.truncf %get3A_4 : vector<768x256xf32> to vector<768x256xbf16>
    %dot_general3A = arith.constant dense<0.000000e+00> : vector<768x256xf32>
    %dot_general3A_6 = tpu.matmul %convert_element_type3A, %convert_element_type3A_5, %dot_general3A {dimension_numbers = #tpu.dot_dimension_numbers<[1], [0], [0], [1], [0, 0, 1, 1], [], []>, transpose_lhs_hint = false} : vector<768x768xbf16>, vector<768x256xbf16>, vector<768x256xf32> -> vector<768x256xf32>
    %swap3A = arith.constant 0 : index
    %swap3A_7 = arith.constant 0 : index
    %swap3A_8 = vector.load %arg3[%swap3A, %swap3A_7] : memref<768x256xf32, #tpu.memory_space<vmem>>, vector<768x256xf32>
    tpu.vector_store %arg3[%swap3A, %swap3A_7], %dot_general3A_6 {strides = array<i32>} : memref<768x256xf32, #tpu.memory_space<vmem>>, vector<768x256xf32>,
    return
  }
  func.func @transform_0(%arg0: i32) -> (i32, i32) {
    %c0_i32 = arith.constant 0 : i32
    %c0_i32_0 = arith.constant 0 : i32
    %c0_i32_1 = arith.constant 0 : i32
    return %c0_i32, %c0_i32_0 : i32, i32
  }
  func.func @transform_1(%arg0: i32) -> (i32, i32) {
    %c0_i32 = arith.constant 0 : i32
    %c0_i32_0 = arith.constant 0 : i32
    return %c0_i32, %arg0 : i32, i32
  }
  func.func @transform_2(%arg0: i32) -> (i32, i32) {
    %c0_i32 = arith.constant 0 : i32
    %c0_i32_0 = arith.constant 0 : i32
    return %c0_i32, %arg0 : i32, i32
  }
}

module attributes {stable_mosaic.version = 14 : i64} {
  func.func @_attn_body(%arg0: i32, %arg1: memref<256x768xf32, #tpu.memory_space<vmem>>, %arg2: memref<768x1024xf32, #tpu.memory_space<vmem>>, %arg3: memref<1024x768xf32, #tpu.memory_space<vmem>>, %arg4: memref<1x768xf32, #tpu.memory_space<vmem>>, %arg5: memref<768x768xf32, #tpu.memory_space<vmem>>, %arg6: memref<64x1xf32, #tpu.memory_space<vmem>>, %arg7: memref<1x64xf32, #tpu.memory_space<vmem>>, %arg8: memref<768x768xf32, #tpu.memory_space<vmem>>, %arg9: memref<1x768xf32, #tpu.memory_space<vmem>>, %arg10: memref<768x8xf32, #tpu.memory_space<vmem>>, %arg11: memref<256x768xf32, #tpu.memory_space<vmem>>, %arg12: memref<256x8xf32, #tpu.memory_space<vmem>>) attributes {dimension_semantics = [#tpu.dimension_semantics<arbitrary>], iteration_bounds = array<i64: 8>, scalar_prefetch = 0 : i64, scratch_operands = 0 : i64, tpu.core_type = #tpu.core_type<tc>, window_params = [{transform_indices = @transform_0, window_bounds = array<i64: 256, 768>}, {pipeline_mode = #tpu.pipeline_mode<synchronous>, transform_indices = @transform_1, window_bounds = array<i64: 768, 1024>}, {pipeline_mode = #tpu.pipeline_mode<synchronous>, transform_indices = @transform_2, window_bounds = array<i64: 1024, 768>}, {pipeline_mode = #tpu.pipeline_mode<synchronous>, transform_indices = @transform_3, window_bounds = array<i64: 1, 768>}, {pipeline_mode = #tpu.pipeline_mode<synchronous>, transform_indices = @transform_4, window_bounds = array<i64: 768, 768>}, {pipeline_mode = #tpu.pipeline_mode<synchronous>, transform_indices = @transform_5, window_bounds = array<i64: 64, 1>}, {pipeline_mode = #tpu.pipeline_mode<synchronous>, transform_indices = @transform_6, window_bounds = array<i64: 1, 64>}, {pipeline_mode = #tpu.pipeline_mode<synchronous>, transform_indices = @transform_7, window_bounds = array<i64: 768, 768>}, {pipeline_mode = #tpu.pipeline_mode<synchronous>, transform_indices = @transform_8, window_bounds = array<i64: 1, 768>}, {pipeline_mode = #tpu.pipeline_mode<synchronous>, transform_indices = @transform_9, window_bounds = array<i64: 768, 8>}, {transform_indices = @transform_10, window_bounds = array<i64: 256, 768>}, {transform_indices = @transform_11, window_bounds = array<i64: 256, 8>}]} {
    %get3A = arith.constant 0 : index
    %get3A_0 = arith.constant 0 : index
    %get3A_1 = vector.load %arg1[%get3A, %get3A_0] : memref<256x768xf32, #tpu.memory_space<vmem>>, vector<256x768xf32>
    %get3A_2 = arith.constant 0 : index
    %get3A_3 = arith.constant 0 : index
    %get3A_4 = vector.load %arg4[%get3A_2, %get3A_3] : memref<1x768xf32, #tpu.memory_space<vmem>>, vector<1x768xf32>
    %reduce_sum3A = arith.constant dense<0.000000e+00> : vector<256xf32>
    %reduce_sum3A_5 = vector.multi_reduction <add>, %get3A_1, %reduce_sum3A [1] : vector<256x768xf32> to vector<256xf32>
    %broadcast_in_dim3A = vector.shape_cast %reduce_sum3A_5 : vector<256xf32> to vector<256x1xf32>
    %div3A = arith.constant 7.680000e+02 : f32
    %div3A_6 = vector.broadcast %div3A : f32 to vector<256x1xf32>
    %div3A_7 = arith.divf %broadcast_in_dim3A, %div3A_6 : vector<256x1xf32>
    %sub3A = vector.broadcast %div3A_7 : vector<256x1xf32> to vector<256x768xf32>
    %sub3A_8 = arith.subf %get3A_1, %sub3A : vector<256x768xf32>
    %mul3A = arith.mulf %sub3A_8, %sub3A_8 : vector<256x768xf32>
    %reduce_sum3A_9 = arith.constant dense<0.000000e+00> : vector<256xf32>
    %reduce_sum3A_10 = vector.multi_reduction <add>, %mul3A, %reduce_sum3A_9 [1] : vector<256x768xf32> to vector<256xf32>
    %broadcast_in_dim3A_11 = vector.shape_cast %reduce_sum3A_10 : vector<256xf32> to vector<256x1xf32>
    %div3A_12 = arith.constant 7.680000e+02 : f32
    %div3A_13 = vector.broadcast %div3A_12 : f32 to vector<256x1xf32>
    %div3A_14 = arith.divf %broadcast_in_dim3A_11, %div3A_13 : vector<256x1xf32>
    %add3A = arith.constant 9.99999974E-6 : f32
    %add3A_15 = vector.broadcast %add3A : f32 to vector<256x1xf32>
    %add3A_16 = arith.addf %div3A_14, %add3A_15 : vector<256x1xf32>
    %sqrt3A = math.sqrt %add3A_16 : vector<256x1xf32>
    %div3A_17 = vector.broadcast %sqrt3A : vector<256x1xf32> to vector<256x768xf32>
    %div3A_18 = arith.divf %sub3A_8, %div3A_17 : vector<256x768xf32>
    %mul3A_19 = vector.broadcast %get3A_4 : vector<1x768xf32> to vector<256x768xf32>
    %mul3A_20 = arith.mulf %div3A_18, %mul3A_19 : vector<256x768xf32>
    %get3A_21 = arith.constant 0 : index
    %get3A_22 = arith.constant 0 : index
    %get3A_23 = vector.load %arg5[%get3A_21, %get3A_22] : memref<768x768xf32, #tpu.memory_space<vmem>>, vector<768x768xf32>
    %convert_element_type3A = arith.truncf %mul3A_20 : vector<256x768xf32> to vector<256x768xbf16>
    %convert_element_type3A_24 = arith.truncf %get3A_23 : vector<768x768xf32> to vector<768x768xbf16>
    %dot_general3A = arith.constant dense<0.000000e+00> : vector<256x768xf32>
    %dot_general3A_25 = tpu.matmul %convert_element_type3A, %convert_element_type3A_24, %dot_general3A {dimension_numbers = #tpu.dot_dimension_numbers<[1], [0], [0], [1], [0, 0, 1, 1], [], []>, transpose_lhs_hint = false} : vector<256x768xbf16>, vector<768x768xbf16>, vector<256x768xf32> -> vector<256x768xf32>
    %mul3A_26 = arith.constant 1.250000e-01 : f32
    %mul3A_27 = vector.broadcast %mul3A_26 : f32 to vector<256x768xf32>
    %mul3A_28 = arith.mulf %dot_general3A_25, %mul3A_27 : vector<256x768xf32>
    %slice3A = vector.extract_strided_slice %mul3A_28 {offsets = [0, 0], sizes = [256, 64], strides = [1, 1]} : vector<256x768xf32> to vector<256x64xf32>
    %get3A_29 = arith.constant 0 : index
    %get3A_30 = arith.constant 0 : index
    %get3A_31 = vector.load %arg2[%get3A_29, %get3A_30] : memref<768x1024xf32, #tpu.memory_space<vmem>>, vector<64x1024xf32>
    %get3A_32 = arith.constant 0 : index
    %get3A_33 = arith.constant 0 : index
    %get3A_34 = vector.load %arg3[%get3A_32, %get3A_33] : memref<1024x768xf32, #tpu.memory_space<vmem>>, vector<1024x64xf32>
    %convert_element_type3A_35 = arith.truncf %slice3A : vector<256x64xf32> to vector<256x64xbf16>
    %convert_element_type3A_36 = arith.truncf %get3A_31 : vector<64x1024xf32> to vector<64x1024xbf16>
    %dot_general3A_37 = arith.constant dense<0.000000e+00> : vector<256x1024xf32>
    %dot_general3A_38 = tpu.matmul %convert_element_type3A_35, %convert_element_type3A_36, %dot_general3A_37 {dimension_numbers = #tpu.dot_dimension_numbers<[1], [0], [0], [1], [0, 0, 1, 1], [], []>, transpose_lhs_hint = false} : vector<256x64xbf16>, vector<64x1024xbf16>, vector<256x1024xf32> -> vector<256x1024xf32>
    %get3A_39 = arith.constant 0 : index
    %get3A_40 = arith.constant 0 : index
    %get3A_41 = vector.load %arg6[%get3A_39, %get3A_40] : memref<64x1xf32, #tpu.memory_space<vmem>>, vector<64x1xf32>
    %convert_element_type3A_42 = arith.truncf %slice3A : vector<256x64xf32> to vector<256x64xbf16>
    %convert_element_type3A_43 = arith.truncf %get3A_41 : vector<64x1xf32> to vector<64x1xbf16>
    %dot_general3A_44 = arith.constant dense<0.000000e+00> : vector<256x1xf32>
    %dot_general3A_45 = tpu.matmul %convert_element_type3A_42, %convert_element_type3A_43, %dot_general3A_44 {dimension_numbers = #tpu.dot_dimension_numbers<[1], [0], [0], [1], [0, 0, 1, 1], [], []>, transpose_lhs_hint = false} : vector<256x64xbf16>, vector<64x1xbf16>, vector<256x1xf32> -> vector<256x1xf32>
    %reduce_max3A = arith.constant dense<0xFF800000> : vector<256xf32>
    %reduce_max3A_46 = vector.multi_reduction <maximumf>, %dot_general3A_38, %reduce_max3A [1] : vector<256x1024xf32> to vector<256xf32>
    %broadcast_in_dim3A_47 = vector.shape_cast %reduce_max3A_46 : vector<256xf32> to vector<256x1xf32>
    %max3A = arith.maximumf %broadcast_in_dim3A_47, %dot_general3A_45 : vector<256x1xf32>
    %sub3A_48 = vector.broadcast %max3A : vector<256x1xf32> to vector<256x1024xf32>
    %sub3A_49 = arith.subf %dot_general3A_38, %sub3A_48 : vector<256x1024xf32>
    %exp3A = math.exp %sub3A_49 : vector<256x1024xf32>
    %sub3A_50 = arith.subf %dot_general3A_45, %max3A : vector<256x1xf32>
    %exp3A_51 = math.exp %sub3A_50 : vector<256x1xf32>
    %reduce_sum3A_52 = arith.constant dense<0.000000e+00> : vector<256xf32>
    %reduce_sum3A_53 = vector.multi_reduction <add>, %exp3A, %reduce_sum3A_52 [1] : vector<256x1024xf32> to vector<256xf32>
    %broadcast_in_dim3A_54 = vector.shape_cast %reduce_sum3A_53 : vector<256xf32> to vector<256x1xf32>
    %add3A_55 = arith.addf %broadcast_in_dim3A_54, %exp3A_51 : vector<256x1xf32>
    %div3A_56 = vector.broadcast %add3A_55 : vector<256x1xf32> to vector<256x1024xf32>
    %div3A_57 = arith.divf %exp3A, %div3A_56 : vector<256x1024xf32>
    %div3A_58 = arith.divf %exp3A_51, %add3A_55 : vector<256x1xf32>
    %convert_element_type3A_59 = arith.truncf %div3A_58 : vector<256x1xf32> to vector<256x1xbf16>
    %convert_element_type3A_60 = arith.extf %convert_element_type3A_59 : vector<256x1xbf16> to vector<256x1xf32>
    %get3A_61 = arith.constant 0 : index
    %get3A_62 = arith.constant 0 : index
    %get3A_63 = vector.load %arg7[%get3A_61, %get3A_62] : memref<1x64xf32, #tpu.memory_space<vmem>>, vector<1x64xf32>
    %convert_element_type3A_64 = arith.truncf %get3A_63 : vector<1x64xf32> to vector<1x64xbf16>
    %convert_element_type3A_65 = arith.extf %convert_element_type3A_64 : vector<1x64xbf16> to vector<1x64xf32>
    %convert_element_type3A_66 = arith.truncf %div3A_57 : vector<256x1024xf32> to vector<256x1024xbf16>
    %convert_element_type3A_67 = arith.truncf %get3A_34 : vector<1024x64xf32> to vector<1024x64xbf16>
    %dot_general3A_68 = arith.constant dense<0.000000e+00> : vector<256x64xf32>
    %dot_general3A_69 = tpu.matmul %convert_element_type3A_66, %convert_element_type3A_67, %dot_general3A_68 {dimension_numbers = #tpu.dot_dimension_numbers<[1], [0], [0], [1], [0, 0, 1, 1], [], []>, transpose_lhs_hint = false} : vector<256x1024xbf16>, vector<1024x64xbf16>, vector<256x64xf32> -> vector<256x64xf32>
    %mul3A_70 = vector.broadcast %convert_element_type3A_60 : vector<256x1xf32> to vector<256x64xf32>
    %mul3A_71 = vector.broadcast %convert_element_type3A_65 : vector<1x64xf32> to vector<256x64xf32>
    %mul3A_72 = arith.mulf %mul3A_70, %mul3A_71 : vector<256x64xf32>
    %add3A_73 = arith.addf %dot_general3A_69, %mul3A_72 : vector<256x64xf32>
    %slice3A_74 = vector.extract_strided_slice %mul3A_28 {offsets = [0, 64], sizes = [256, 64], strides = [1, 1]} : vector<256x768xf32> to vector<256x64xf32>
    %get3A_75 = arith.constant 64 : index
    %get3A_76 = arith.constant 0 : index
    %get3A_77 = vector.load %arg2[%get3A_75, %get3A_76] : memref<768x1024xf32, #tpu.memory_space<vmem>>, vector<64x1024xf32>
    %get3A_78 = arith.constant 0 : index
    %get3A_79 = arith.constant 64 : index
    %get3A_80 = vector.load %arg3[%get3A_78, %get3A_79] : memref<1024x768xf32, #tpu.memory_space<vmem>>, vector<1024x64xf32>
    %convert_element_type3A_81 = arith.truncf %slice3A_74 : vector<256x64xf32> to vector<256x64xbf16>
    %convert_element_type3A_82 = arith.truncf %get3A_77 : vector<64x1024xf32> to vector<64x1024xbf16>
    %dot_general3A_83 = arith.constant dense<0.000000e+00> : vector<256x1024xf32>
    %dot_general3A_84 = tpu.matmul %convert_element_type3A_81, %convert_element_type3A_82, %dot_general3A_83 {dimension_numbers = #tpu.dot_dimension_numbers<[1], [0], [0], [1], [0, 0, 1, 1], [], []>, transpose_lhs_hint = false} : vector<256x64xbf16>, vector<64x1024xbf16>, vector<256x1024xf32> -> vector<256x1024xf32>
    %get3A_85 = arith.constant 0 : index
    %get3A_86 = arith.constant 0 : index
    %get3A_87 = vector.load %arg6[%get3A_85, %get3A_86] : memref<64x1xf32, #tpu.memory_space<vmem>>, vector<64x1xf32>
    %convert_element_type3A_88 = arith.truncf %slice3A_74 : vector<256x64xf32> to vector<256x64xbf16>
    %convert_element_type3A_89 = arith.truncf %get3A_87 : vector<64x1xf32> to vector<64x1xbf16>
    %dot_general3A_90 = arith.constant dense<0.000000e+00> : vector<256x1xf32>
    %dot_general3A_91 = tpu.matmul %convert_element_type3A_88, %convert_element_type3A_89, %dot_general3A_90 {dimension_numbers = #tpu.dot_dimension_numbers<[1], [0], [0], [1], [0, 0, 1, 1], [], []>, transpose_lhs_hint = false} : vector<256x64xbf16>, vector<64x1xbf16>, vector<256x1xf32> -> vector<256x1xf32>
    %reduce_max3A_92 = arith.constant dense<0xFF800000> : vector<256xf32>
    %reduce_max3A_93 = vector.multi_reduction <maximumf>, %dot_general3A_84, %reduce_max3A_92 [1] : vector<256x1024xf32> to vector<256xf32>
    %broadcast_in_dim3A_94 = vector.shape_cast %reduce_max3A_93 : vector<256xf32> to vector<256x1xf32>
    %max3A_95 = arith.maximumf %broadcast_in_dim3A_94, %dot_general3A_91 : vector<256x1xf32>
    %sub3A_96 = vector.broadcast %max3A_95 : vector<256x1xf32> to vector<256x1024xf32>
    %sub3A_97 = arith.subf %dot_general3A_84, %sub3A_96 : vector<256x1024xf32>
    %exp3A_98 = math.exp %sub3A_97 : vector<256x1024xf32>
    %sub3A_99 = arith.subf %dot_general3A_91, %max3A_95 : vector<256x1xf32>
    %exp3A_100 = math.exp %sub3A_99 : vector<256x1xf32>
    %reduce_sum3A_101 = arith.constant dense<0.000000e+00> : vector<256xf32>
    %reduce_sum3A_102 = vector.multi_reduction <add>, %exp3A_98, %reduce_sum3A_101 [1] : vector<256x1024xf32> to vector<256xf32>
    %broadcast_in_dim3A_103 = vector.shape_cast %reduce_sum3A_102 : vector<256xf32> to vector<256x1xf32>
    %add3A_104 = arith.addf %broadcast_in_dim3A_103, %exp3A_100 : vector<256x1xf32>
    %div3A_105 = vector.broadcast %add3A_104 : vector<256x1xf32> to vector<256x1024xf32>
    %div3A_106 = arith.divf %exp3A_98, %div3A_105 : vector<256x1024xf32>
    %div3A_107 = arith.divf %exp3A_100, %add3A_104 : vector<256x1xf32>
    %convert_element_type3A_108 = arith.truncf %div3A_107 : vector<256x1xf32> to vector<256x1xbf16>
    %convert_element_type3A_109 = arith.extf %convert_element_type3A_108 : vector<256x1xbf16> to vector<256x1xf32>
    %get3A_110 = arith.constant 0 : index
    %get3A_111 = arith.constant 0 : index
    %get3A_112 = vector.load %arg7[%get3A_110, %get3A_111] : memref<1x64xf32, #tpu.memory_space<vmem>>, vector<1x64xf32>
    %convert_element_type3A_113 = arith.truncf %get3A_112 : vector<1x64xf32> to vector<1x64xbf16>
    %convert_element_type3A_114 = arith.extf %convert_element_type3A_113 : vector<1x64xbf16> to vector<1x64xf32>
    %convert_element_type3A_115 = arith.truncf %div3A_106 : vector<256x1024xf32> to vector<256x1024xbf16>
    %convert_element_type3A_116 = arith.truncf %get3A_80 : vector<1024x64xf32> to vector<1024x64xbf16>
    %dot_general3A_117 = arith.constant dense<0.000000e+00> : vector<256x64xf32>
    %dot_general3A_118 = tpu.matmul %convert_element_type3A_115, %convert_element_type3A_116, %dot_general3A_117 {dimension_numbers = #tpu.dot_dimension_numbers<[1], [0], [0], [1], [0, 0, 1, 1], [], []>, transpose_lhs_hint = false} : vector<256x1024xbf16>, vector<1024x64xbf16>, vector<256x64xf32> -> vector<256x64xf32>
    %mul3A_119 = vector.broadcast %convert_element_type3A_109 : vector<256x1xf32> to vector<256x64xf32>
    %mul3A_120 = vector.broadcast %convert_element_type3A_114 : vector<1x64xf32> to vector<256x64xf32>
    %mul3A_121 = arith.mulf %mul3A_119, %mul3A_120 : vector<256x64xf32>
    %add3A_122 = arith.addf %dot_general3A_118, %mul3A_121 : vector<256x64xf32>
    %slice3A_123 = vector.extract_strided_slice %mul3A_28 {offsets = [0, 128], sizes = [256, 64], strides = [1, 1]} : vector<256x768xf32> to vector<256x64xf32>
    %get3A_124 = arith.constant 128 : index
    %get3A_125 = arith.constant 0 : index
    %get3A_126 = vector.load %arg2[%get3A_124, %get3A_125] : memref<768x1024xf32, #tpu.memory_space<vmem>>, vector<64x1024xf32>
    %get3A_127 = arith.constant 0 : index
    %get3A_128 = arith.constant 128 : index
    %get3A_129 = vector.load %arg3[%get3A_127, %get3A_128] : memref<1024x768xf32, #tpu.memory_space<vmem>>, vector<1024x64xf32>
    %convert_element_type3A_130 = arith.truncf %slice3A_123 : vector<256x64xf32> to vector<256x64xbf16>
    %convert_element_type3A_131 = arith.truncf %get3A_126 : vector<64x1024xf32> to vector<64x1024xbf16>
    %dot_general3A_132 = arith.constant dense<0.000000e+00> : vector<256x1024xf32>
    %dot_general3A_133 = tpu.matmul %convert_element_type3A_130, %convert_element_type3A_131, %dot_general3A_132 {dimension_numbers = #tpu.dot_dimension_numbers<[1], [0], [0], [1], [0, 0, 1, 1], [], []>, transpose_lhs_hint = false} : vector<256x64xbf16>, vector<64x1024xbf16>, vector<256x1024xf32> -> vector<256x1024xf32>
    %get3A_134 = arith.constant 0 : index
    %get3A_135 = arith.constant 0 : index
    %get3A_136 = vector.load %arg6[%get3A_134, %get3A_135] : memref<64x1xf32, #tpu.memory_space<vmem>>, vector<64x1xf32>
    %convert_element_type3A_137 = arith.truncf %slice3A_123 : vector<256x64xf32> to vector<256x64xbf16>
    %convert_element_type3A_138 = arith.truncf %get3A_136 : vector<64x1xf32> to vector<64x1xbf16>
    %dot_general3A_139 = arith.constant dense<0.000000e+00> : vector<256x1xf32>
    %dot_general3A_140 = tpu.matmul %convert_element_type3A_137, %convert_element_type3A_138, %dot_general3A_139 {dimension_numbers = #tpu.dot_dimension_numbers<[1], [0], [0], [1], [0, 0, 1, 1], [], []>, transpose_lhs_hint = false} : vector<256x64xbf16>, vector<64x1xbf16>, vector<256x1xf32> -> vector<256x1xf32>
    %reduce_max3A_141 = arith.constant dense<0xFF800000> : vector<256xf32>
    %reduce_max3A_142 = vector.multi_reduction <maximumf>, %dot_general3A_133, %reduce_max3A_141 [1] : vector<256x1024xf32> to vector<256xf32>
    %broadcast_in_dim3A_143 = vector.shape_cast %reduce_max3A_142 : vector<256xf32> to vector<256x1xf32>
    %max3A_144 = arith.maximumf %broadcast_in_dim3A_143, %dot_general3A_140 : vector<256x1xf32>
    %sub3A_145 = vector.broadcast %max3A_144 : vector<256x1xf32> to vector<256x1024xf32>
    %sub3A_146 = arith.subf %dot_general3A_133, %sub3A_145 : vector<256x1024xf32>
    %exp3A_147 = math.exp %sub3A_146 : vector<256x1024xf32>
    %sub3A_148 = arith.subf %dot_general3A_140, %max3A_144 : vector<256x1xf32>
    %exp3A_149 = math.exp %sub3A_148 : vector<256x1xf32>
    %reduce_sum3A_150 = arith.constant dense<0.000000e+00> : vector<256xf32>
    %reduce_sum3A_151 = vector.multi_reduction <add>, %exp3A_147, %reduce_sum3A_150 [1] : vector<256x1024xf32> to vector<256xf32>
    %broadcast_in_dim3A_152 = vector.shape_cast %reduce_sum3A_151 : vector<256xf32> to vector<256x1xf32>
    %add3A_153 = arith.addf %broadcast_in_dim3A_152, %exp3A_149 : vector<256x1xf32>
    %div3A_154 = vector.broadcast %add3A_153 : vector<256x1xf32> to vector<256x1024xf32>
    %div3A_155 = arith.divf %exp3A_147, %div3A_154 : vector<256x1024xf32>
    %div3A_156 = arith.divf %exp3A_149, %add3A_153 : vector<256x1xf32>
    %convert_element_type3A_157 = arith.truncf %div3A_156 : vector<256x1xf32> to vector<256x1xbf16>
    %convert_element_type3A_158 = arith.extf %convert_element_type3A_157 : vector<256x1xbf16> to vector<256x1xf32>
    %get3A_159 = arith.constant 0 : index
    %get3A_160 = arith.constant 0 : index
    %get3A_161 = vector.load %arg7[%get3A_159, %get3A_160] : memref<1x64xf32, #tpu.memory_space<vmem>>, vector<1x64xf32>
    %convert_element_type3A_162 = arith.truncf %get3A_161 : vector<1x64xf32> to vector<1x64xbf16>
    %convert_element_type3A_163 = arith.extf %convert_element_type3A_162 : vector<1x64xbf16> to vector<1x64xf32>
    %convert_element_type3A_164 = arith.truncf %div3A_155 : vector<256x1024xf32> to vector<256x1024xbf16>
    %convert_element_type3A_165 = arith.truncf %get3A_129 : vector<1024x64xf32> to vector<1024x64xbf16>
    %dot_general3A_166 = arith.constant dense<0.000000e+00> : vector<256x64xf32>
    %dot_general3A_167 = tpu.matmul %convert_element_type3A_164, %convert_element_type3A_165, %dot_general3A_166 {dimension_numbers = #tpu.dot_dimension_numbers<[1], [0], [0], [1], [0, 0, 1, 1], [], []>, transpose_lhs_hint = false} : vector<256x1024xbf16>, vector<1024x64xbf16>, vector<256x64xf32> -> vector<256x64xf32>
    %mul3A_168 = vector.broadcast %convert_element_type3A_158 : vector<256x1xf32> to vector<256x64xf32>
    %mul3A_169 = vector.broadcast %convert_element_type3A_163 : vector<1x64xf32> to vector<256x64xf32>
    %mul3A_170 = arith.mulf %mul3A_168, %mul3A_169 : vector<256x64xf32>
    %add3A_171 = arith.addf %dot_general3A_167, %mul3A_170 : vector<256x64xf32>
    %slice3A_172 = vector.extract_strided_slice %mul3A_28 {offsets = [0, 192], sizes = [256, 64], strides = [1, 1]} : vector<256x768xf32> to vector<256x64xf32>
    %get3A_173 = arith.constant 192 : index
    %get3A_174 = arith.constant 0 : index
    %get3A_175 = vector.load %arg2[%get3A_173, %get3A_174] : memref<768x1024xf32, #tpu.memory_space<vmem>>, vector<64x1024xf32>
    %get3A_176 = arith.constant 0 : index
    %get3A_177 = arith.constant 192 : index
    %get3A_178 = vector.load %arg3[%get3A_176, %get3A_177] : memref<1024x768xf32, #tpu.memory_space<vmem>>, vector<1024x64xf32>
    %convert_element_type3A_179 = arith.truncf %slice3A_172 : vector<256x64xf32> to vector<256x64xbf16>
    %convert_element_type3A_180 = arith.truncf %get3A_175 : vector<64x1024xf32> to vector<64x1024xbf16>
    %dot_general3A_181 = arith.constant dense<0.000000e+00> : vector<256x1024xf32>
    %dot_general3A_182 = tpu.matmul %convert_element_type3A_179, %convert_element_type3A_180, %dot_general3A_181 {dimension_numbers = #tpu.dot_dimension_numbers<[1], [0], [0], [1], [0, 0, 1, 1], [], []>, transpose_lhs_hint = false} : vector<256x64xbf16>, vector<64x1024xbf16>, vector<256x1024xf32> -> vector<256x1024xf32>
    %get3A_183 = arith.constant 0 : index
    %get3A_184 = arith.constant 0 : index
    %get3A_185 = vector.load %arg6[%get3A_183, %get3A_184] : memref<64x1xf32, #tpu.memory_space<vmem>>, vector<64x1xf32>
    %convert_element_type3A_186 = arith.truncf %slice3A_172 : vector<256x64xf32> to vector<256x64xbf16>
    %convert_element_type3A_187 = arith.truncf %get3A_185 : vector<64x1xf32> to vector<64x1xbf16>
    %dot_general3A_188 = arith.constant dense<0.000000e+00> : vector<256x1xf32>
    %dot_general3A_189 = tpu.matmul %convert_element_type3A_186, %convert_element_type3A_187, %dot_general3A_188 {dimension_numbers = #tpu.dot_dimension_numbers<[1], [0], [0], [1], [0, 0, 1, 1], [], []>, transpose_lhs_hint = false} : vector<256x64xbf16>, vector<64x1xbf16>, vector<256x1xf32> -> vector<256x1xf32>
    %reduce_max3A_190 = arith.constant dense<0xFF800000> : vector<256xf32>
    %reduce_max3A_191 = vector.multi_reduction <maximumf>, %dot_general3A_182, %reduce_max3A_190 [1] : vector<256x1024xf32> to vector<256xf32>
    %broadcast_in_dim3A_192 = vector.shape_cast %reduce_max3A_191 : vector<256xf32> to vector<256x1xf32>
    %max3A_193 = arith.maximumf %broadcast_in_dim3A_192, %dot_general3A_189 : vector<256x1xf32>
    %sub3A_194 = vector.broadcast %max3A_193 : vector<256x1xf32> to vector<256x1024xf32>
    %sub3A_195 = arith.subf %dot_general3A_182, %sub3A_194 : vector<256x1024xf32>
    %exp3A_196 = math.exp %sub3A_195 : vector<256x1024xf32>
    %sub3A_197 = arith.subf %dot_general3A_189, %max3A_193 : vector<256x1xf32>
    %exp3A_198 = math.exp %sub3A_197 : vector<256x1xf32>
    %reduce_sum3A_199 = arith.constant dense<0.000000e+00> : vector<256xf32>
    %reduce_sum3A_200 = vector.multi_reduction <add>, %exp3A_196, %reduce_sum3A_199 [1] : vector<256x1024xf32> to vector<256xf32>
    %broadcast_in_dim3A_201 = vector.shape_cast %reduce_sum3A_200 : vector<256xf32> to vector<256x1xf32>
    %add3A_202 = arith.addf %broadcast_in_dim3A_201, %exp3A_198 : vector<256x1xf32>
    %div3A_203 = vector.broadcast %add3A_202 : vector<256x1xf32> to vector<256x1024xf32>
    %div3A_204 = arith.divf %exp3A_196, %div3A_203 : vector<256x1024xf32>
    %div3A_205 = arith.divf %exp3A_198, %add3A_202 : vector<256x1xf32>
    %convert_element_type3A_206 = arith.truncf %div3A_205 : vector<256x1xf32> to vector<256x1xbf16>
    %convert_element_type3A_207 = arith.extf %convert_element_type3A_206 : vector<256x1xbf16> to vector<256x1xf32>
    %get3A_208 = arith.constant 0 : index
    %get3A_209 = arith.constant 0 : index
    %get3A_210 = vector.load %arg7[%get3A_208, %get3A_209] : memref<1x64xf32, #tpu.memory_space<vmem>>, vector<1x64xf32>
    %convert_element_type3A_211 = arith.truncf %get3A_210 : vector<1x64xf32> to vector<1x64xbf16>
    %convert_element_type3A_212 = arith.extf %convert_element_type3A_211 : vector<1x64xbf16> to vector<1x64xf32>
    %convert_element_type3A_213 = arith.truncf %div3A_204 : vector<256x1024xf32> to vector<256x1024xbf16>
    %convert_element_type3A_214 = arith.truncf %get3A_178 : vector<1024x64xf32> to vector<1024x64xbf16>
    %dot_general3A_215 = arith.constant dense<0.000000e+00> : vector<256x64xf32>
    %dot_general3A_216 = tpu.matmul %convert_element_type3A_213, %convert_element_type3A_214, %dot_general3A_215 {dimension_numbers = #tpu.dot_dimension_numbers<[1], [0], [0], [1], [0, 0, 1, 1], [], []>, transpose_lhs_hint = false} : vector<256x1024xbf16>, vector<1024x64xbf16>, vector<256x64xf32> -> vector<256x64xf32>
    %mul3A_217 = vector.broadcast %convert_element_type3A_207 : vector<256x1xf32> to vector<256x64xf32>
    %mul3A_218 = vector.broadcast %convert_element_type3A_212 : vector<1x64xf32> to vector<256x64xf32>
    %mul3A_219 = arith.mulf %mul3A_217, %mul3A_218 : vector<256x64xf32>
    %add3A_220 = arith.addf %dot_general3A_216, %mul3A_219 : vector<256x64xf32>
    %slice3A_221 = vector.extract_strided_slice %mul3A_28 {offsets = [0, 256], sizes = [256, 64], strides = [1, 1]} : vector<256x768xf32> to vector<256x64xf32>
    %get3A_222 = arith.constant 256 : index
    %get3A_223 = arith.constant 0 : index
    %get3A_224 = vector.load %arg2[%get3A_222, %get3A_223] : memref<768x1024xf32, #tpu.memory_space<vmem>>, vector<64x1024xf32>
    %get3A_225 = arith.constant 0 : index
    %get3A_226 = arith.constant 256 : index
    %get3A_227 = vector.load %arg3[%get3A_225, %get3A_226] : memref<1024x768xf32, #tpu.memory_space<vmem>>, vector<1024x64xf32>
    %convert_element_type3A_228 = arith.truncf %slice3A_221 : vector<256x64xf32> to vector<256x64xbf16>
    %convert_element_type3A_229 = arith.truncf %get3A_224 : vector<64x1024xf32> to vector<64x1024xbf16>
    %dot_general3A_230 = arith.constant dense<0.000000e+00> : vector<256x1024xf32>
    %dot_general3A_231 = tpu.matmul %convert_element_type3A_228, %convert_element_type3A_229, %dot_general3A_230 {dimension_numbers = #tpu.dot_dimension_numbers<[1], [0], [0], [1], [0, 0, 1, 1], [], []>, transpose_lhs_hint = false} : vector<256x64xbf16>, vector<64x1024xbf16>, vector<256x1024xf32> -> vector<256x1024xf32>
    %get3A_232 = arith.constant 0 : index
    %get3A_233 = arith.constant 0 : index
    %get3A_234 = vector.load %arg6[%get3A_232, %get3A_233] : memref<64x1xf32, #tpu.memory_space<vmem>>, vector<64x1xf32>
    %convert_element_type3A_235 = arith.truncf %slice3A_221 : vector<256x64xf32> to vector<256x64xbf16>
    %convert_element_type3A_236 = arith.truncf %get3A_234 : vector<64x1xf32> to vector<64x1xbf16>
    %dot_general3A_237 = arith.constant dense<0.000000e+00> : vector<256x1xf32>
    %dot_general3A_238 = tpu.matmul %convert_element_type3A_235, %convert_element_type3A_236, %dot_general3A_237 {dimension_numbers = #tpu.dot_dimension_numbers<[1], [0], [0], [1], [0, 0, 1, 1], [], []>, transpose_lhs_hint = false} : vector<256x64xbf16>, vector<64x1xbf16>, vector<256x1xf32> -> vector<256x1xf32>
    %reduce_max3A_239 = arith.constant dense<0xFF800000> : vector<256xf32>
    %reduce_max3A_240 = vector.multi_reduction <maximumf>, %dot_general3A_231, %reduce_max3A_239 [1] : vector<256x1024xf32> to vector<256xf32>
    %broadcast_in_dim3A_241 = vector.shape_cast %reduce_max3A_240 : vector<256xf32> to vector<256x1xf32>
    %max3A_242 = arith.maximumf %broadcast_in_dim3A_241, %dot_general3A_238 : vector<256x1xf32>
    %sub3A_243 = vector.broadcast %max3A_242 : vector<256x1xf32> to vector<256x1024xf32>
    %sub3A_244 = arith.subf %dot_general3A_231, %sub3A_243 : vector<256x1024xf32>
    %exp3A_245 = math.exp %sub3A_244 : vector<256x1024xf32>
    %sub3A_246 = arith.subf %dot_general3A_238, %max3A_242 : vector<256x1xf32>
    %exp3A_247 = math.exp %sub3A_246 : vector<256x1xf32>
    %reduce_sum3A_248 = arith.constant dense<0.000000e+00> : vector<256xf32>
    %reduce_sum3A_249 = vector.multi_reduction <add>, %exp3A_245, %reduce_sum3A_248 [1] : vector<256x1024xf32> to vector<256xf32>
    %broadcast_in_dim3A_250 = vector.shape_cast %reduce_sum3A_249 : vector<256xf32> to vector<256x1xf32>
    %add3A_251 = arith.addf %broadcast_in_dim3A_250, %exp3A_247 : vector<256x1xf32>
    %div3A_252 = vector.broadcast %add3A_251 : vector<256x1xf32> to vector<256x1024xf32>
    %div3A_253 = arith.divf %exp3A_245, %div3A_252 : vector<256x1024xf32>
    %div3A_254 = arith.divf %exp3A_247, %add3A_251 : vector<256x1xf32>
    %convert_element_type3A_255 = arith.truncf %div3A_254 : vector<256x1xf32> to vector<256x1xbf16>
    %convert_element_type3A_256 = arith.extf %convert_element_type3A_255 : vector<256x1xbf16> to vector<256x1xf32>
    %get3A_257 = arith.constant 0 : index
    %get3A_258 = arith.constant 0 : index
    %get3A_259 = vector.load %arg7[%get3A_257, %get3A_258] : memref<1x64xf32, #tpu.memory_space<vmem>>, vector<1x64xf32>
    %convert_element_type3A_260 = arith.truncf %get3A_259 : vector<1x64xf32> to vector<1x64xbf16>
    %convert_element_type3A_261 = arith.extf %convert_element_type3A_260 : vector<1x64xbf16> to vector<1x64xf32>
    %convert_element_type3A_262 = arith.truncf %div3A_253 : vector<256x1024xf32> to vector<256x1024xbf16>
    %convert_element_type3A_263 = arith.truncf %get3A_227 : vector<1024x64xf32> to vector<1024x64xbf16>
    %dot_general3A_264 = arith.constant dense<0.000000e+00> : vector<256x64xf32>
    %dot_general3A_265 = tpu.matmul %convert_element_type3A_262, %convert_element_type3A_263, %dot_general3A_264 {dimension_numbers = #tpu.dot_dimension_numbers<[1], [0], [0], [1], [0, 0, 1, 1], [], []>, transpose_lhs_hint = false} : vector<256x1024xbf16>, vector<1024x64xbf16>, vector<256x64xf32> -> vector<256x64xf32>
    %mul3A_266 = vector.broadcast %convert_element_type3A_256 : vector<256x1xf32> to vector<256x64xf32>
    %mul3A_267 = vector.broadcast %convert_element_type3A_261 : vector<1x64xf32> to vector<256x64xf32>
    %mul3A_268 = arith.mulf %mul3A_266, %mul3A_267 : vector<256x64xf32>
    %add3A_269 = arith.addf %dot_general3A_265, %mul3A_268 : vector<256x64xf32>
    %slice3A_270 = vector.extract_strided_slice %mul3A_28 {offsets = [0, 320], sizes = [256, 64], strides = [1, 1]} : vector<256x768xf32> to vector<256x64xf32>
    %get3A_271 = arith.constant 320 : index
    %get3A_272 = arith.constant 0 : index
    %get3A_273 = vector.load %arg2[%get3A_271, %get3A_272] : memref<768x1024xf32, #tpu.memory_space<vmem>>, vector<64x1024xf32>
    %get3A_274 = arith.constant 0 : index
    %get3A_275 = arith.constant 320 : index
    %get3A_276 = vector.load %arg3[%get3A_274, %get3A_275] : memref<1024x768xf32, #tpu.memory_space<vmem>>, vector<1024x64xf32>
    %convert_element_type3A_277 = arith.truncf %slice3A_270 : vector<256x64xf32> to vector<256x64xbf16>
    %convert_element_type3A_278 = arith.truncf %get3A_273 : vector<64x1024xf32> to vector<64x1024xbf16>
    %dot_general3A_279 = arith.constant dense<0.000000e+00> : vector<256x1024xf32>
    %dot_general3A_280 = tpu.matmul %convert_element_type3A_277, %convert_element_type3A_278, %dot_general3A_279 {dimension_numbers = #tpu.dot_dimension_numbers<[1], [0], [0], [1], [0, 0, 1, 1], [], []>, transpose_lhs_hint = false} : vector<256x64xbf16>, vector<64x1024xbf16>, vector<256x1024xf32> -> vector<256x1024xf32>
    %get3A_281 = arith.constant 0 : index
    %get3A_282 = arith.constant 0 : index
    %get3A_283 = vector.load %arg6[%get3A_281, %get3A_282] : memref<64x1xf32, #tpu.memory_space<vmem>>, vector<64x1xf32>
    %convert_element_type3A_284 = arith.truncf %slice3A_270 : vector<256x64xf32> to vector<256x64xbf16>
    %convert_element_type3A_285 = arith.truncf %get3A_283 : vector<64x1xf32> to vector<64x1xbf16>
    %dot_general3A_286 = arith.constant dense<0.000000e+00> : vector<256x1xf32>
    %dot_general3A_287 = tpu.matmul %convert_element_type3A_284, %convert_element_type3A_285, %dot_general3A_286 {dimension_numbers = #tpu.dot_dimension_numbers<[1], [0], [0], [1], [0, 0, 1, 1], [], []>, transpose_lhs_hint = false} : vector<256x64xbf16>, vector<64x1xbf16>, vector<256x1xf32> -> vector<256x1xf32>
    %reduce_max3A_288 = arith.constant dense<0xFF800000> : vector<256xf32>
    %reduce_max3A_289 = vector.multi_reduction <maximumf>, %dot_general3A_280, %reduce_max3A_288 [1] : vector<256x1024xf32> to vector<256xf32>
    %broadcast_in_dim3A_290 = vector.shape_cast %reduce_max3A_289 : vector<256xf32> to vector<256x1xf32>
    %max3A_291 = arith.maximumf %broadcast_in_dim3A_290, %dot_general3A_287 : vector<256x1xf32>
    %sub3A_292 = vector.broadcast %max3A_291 : vector<256x1xf32> to vector<256x1024xf32>
    %sub3A_293 = arith.subf %dot_general3A_280, %sub3A_292 : vector<256x1024xf32>
    %exp3A_294 = math.exp %sub3A_293 : vector<256x1024xf32>
    %sub3A_295 = arith.subf %dot_general3A_287, %max3A_291 : vector<256x1xf32>
    %exp3A_296 = math.exp %sub3A_295 : vector<256x1xf32>
    %reduce_sum3A_297 = arith.constant dense<0.000000e+00> : vector<256xf32>
    %reduce_sum3A_298 = vector.multi_reduction <add>, %exp3A_294, %reduce_sum3A_297 [1] : vector<256x1024xf32> to vector<256xf32>
    %broadcast_in_dim3A_299 = vector.shape_cast %reduce_sum3A_298 : vector<256xf32> to vector<256x1xf32>
    %add3A_300 = arith.addf %broadcast_in_dim3A_299, %exp3A_296 : vector<256x1xf32>
    %div3A_301 = vector.broadcast %add3A_300 : vector<256x1xf32> to vector<256x1024xf32>
    %div3A_302 = arith.divf %exp3A_294, %div3A_301 : vector<256x1024xf32>
    %div3A_303 = arith.divf %exp3A_296, %add3A_300 : vector<256x1xf32>
    %convert_element_type3A_304 = arith.truncf %div3A_303 : vector<256x1xf32> to vector<256x1xbf16>
    %convert_element_type3A_305 = arith.extf %convert_element_type3A_304 : vector<256x1xbf16> to vector<256x1xf32>
    %get3A_306 = arith.constant 0 : index
    %get3A_307 = arith.constant 0 : index
    %get3A_308 = vector.load %arg7[%get3A_306, %get3A_307] : memref<1x64xf32, #tpu.memory_space<vmem>>, vector<1x64xf32>
    %convert_element_type3A_309 = arith.truncf %get3A_308 : vector<1x64xf32> to vector<1x64xbf16>
    %convert_element_type3A_310 = arith.extf %convert_element_type3A_309 : vector<1x64xbf16> to vector<1x64xf32>
    %convert_element_type3A_311 = arith.truncf %div3A_302 : vector<256x1024xf32> to vector<256x1024xbf16>
    %convert_element_type3A_312 = arith.truncf %get3A_276 : vector<1024x64xf32> to vector<1024x64xbf16>
    %dot_general3A_313 = arith.constant dense<0.000000e+00> : vector<256x64xf32>
    %dot_general3A_314 = tpu.matmul %convert_element_type3A_311, %convert_element_type3A_312, %dot_general3A_313 {dimension_numbers = #tpu.dot_dimension_numbers<[1], [0], [0], [1], [0, 0, 1, 1], [], []>, transpose_lhs_hint = false} : vector<256x1024xbf16>, vector<1024x64xbf16>, vector<256x64xf32> -> vector<256x64xf32>
    %mul3A_315 = vector.broadcast %convert_element_type3A_305 : vector<256x1xf32> to vector<256x64xf32>
    %mul3A_316 = vector.broadcast %convert_element_type3A_310 : vector<1x64xf32> to vector<256x64xf32>
    %mul3A_317 = arith.mulf %mul3A_315, %mul3A_316 : vector<256x64xf32>
    %add3A_318 = arith.addf %dot_general3A_314, %mul3A_317 : vector<256x64xf32>
    %slice3A_319 = vector.extract_strided_slice %mul3A_28 {offsets = [0, 384], sizes = [256, 64], strides = [1, 1]} : vector<256x768xf32> to vector<256x64xf32>
    %get3A_320 = arith.constant 384 : index
    %get3A_321 = arith.constant 0 : index
    %get3A_322 = vector.load %arg2[%get3A_320, %get3A_321] : memref<768x1024xf32, #tpu.memory_space<vmem>>, vector<64x1024xf32>
    %get3A_323 = arith.constant 0 : index
    %get3A_324 = arith.constant 384 : index
    %get3A_325 = vector.load %arg3[%get3A_323, %get3A_324] : memref<1024x768xf32, #tpu.memory_space<vmem>>, vector<1024x64xf32>
    %convert_element_type3A_326 = arith.truncf %slice3A_319 : vector<256x64xf32> to vector<256x64xbf16>
    %convert_element_type3A_327 = arith.truncf %get3A_322 : vector<64x1024xf32> to vector<64x1024xbf16>
    %dot_general3A_328 = arith.constant dense<0.000000e+00> : vector<256x1024xf32>
    %dot_general3A_329 = tpu.matmul %convert_element_type3A_326, %convert_element_type3A_327, %dot_general3A_328 {dimension_numbers = #tpu.dot_dimension_numbers<[1], [0], [0], [1], [0, 0, 1, 1], [], []>, transpose_lhs_hint = false} : vector<256x64xbf16>, vector<64x1024xbf16>, vector<256x1024xf32> -> vector<256x1024xf32>
    %get3A_330 = arith.constant 0 : index
    %get3A_331 = arith.constant 0 : index
    %get3A_332 = vector.load %arg6[%get3A_330, %get3A_331] : memref<64x1xf32, #tpu.memory_space<vmem>>, vector<64x1xf32>
    %convert_element_type3A_333 = arith.truncf %slice3A_319 : vector<256x64xf32> to vector<256x64xbf16>
    %convert_element_type3A_334 = arith.truncf %get3A_332 : vector<64x1xf32> to vector<64x1xbf16>
    %dot_general3A_335 = arith.constant dense<0.000000e+00> : vector<256x1xf32>
    %dot_general3A_336 = tpu.matmul %convert_element_type3A_333, %convert_element_type3A_334, %dot_general3A_335 {dimension_numbers = #tpu.dot_dimension_numbers<[1], [0], [0], [1], [0, 0, 1, 1], [], []>, transpose_lhs_hint = false} : vector<256x64xbf16>, vector<64x1xbf16>, vector<256x1xf32> -> vector<256x1xf32>
    %reduce_max3A_337 = arith.constant dense<0xFF800000> : vector<256xf32>
    %reduce_max3A_338 = vector.multi_reduction <maximumf>, %dot_general3A_329, %reduce_max3A_337 [1] : vector<256x1024xf32> to vector<256xf32>
    %broadcast_in_dim3A_339 = vector.shape_cast %reduce_max3A_338 : vector<256xf32> to vector<256x1xf32>
    %max3A_340 = arith.maximumf %broadcast_in_dim3A_339, %dot_general3A_336 : vector<256x1xf32>
    %sub3A_341 = vector.broadcast %max3A_340 : vector<256x1xf32> to vector<256x1024xf32>
    %sub3A_342 = arith.subf %dot_general3A_329, %sub3A_341 : vector<256x1024xf32>
    %exp3A_343 = math.exp %sub3A_342 : vector<256x1024xf32>
    %sub3A_344 = arith.subf %dot_general3A_336, %max3A_340 : vector<256x1xf32>
    %exp3A_345 = math.exp %sub3A_344 : vector<256x1xf32>
    %reduce_sum3A_346 = arith.constant dense<0.000000e+00> : vector<256xf32>
    %reduce_sum3A_347 = vector.multi_reduction <add>, %exp3A_343, %reduce_sum3A_346 [1] : vector<256x1024xf32> to vector<256xf32>
    %broadcast_in_dim3A_348 = vector.shape_cast %reduce_sum3A_347 : vector<256xf32> to vector<256x1xf32>
    %add3A_349 = arith.addf %broadcast_in_dim3A_348, %exp3A_345 : vector<256x1xf32>
    %div3A_350 = vector.broadcast %add3A_349 : vector<256x1xf32> to vector<256x1024xf32>
    %div3A_351 = arith.divf %exp3A_343, %div3A_350 : vector<256x1024xf32>
    %div3A_352 = arith.divf %exp3A_345, %add3A_349 : vector<256x1xf32>
    %convert_element_type3A_353 = arith.truncf %div3A_352 : vector<256x1xf32> to vector<256x1xbf16>
    %convert_element_type3A_354 = arith.extf %convert_element_type3A_353 : vector<256x1xbf16> to vector<256x1xf32>
    %get3A_355 = arith.constant 0 : index
    %get3A_356 = arith.constant 0 : index
    %get3A_357 = vector.load %arg7[%get3A_355, %get3A_356] : memref<1x64xf32, #tpu.memory_space<vmem>>, vector<1x64xf32>
    %convert_element_type3A_358 = arith.truncf %get3A_357 : vector<1x64xf32> to vector<1x64xbf16>
    %convert_element_type3A_359 = arith.extf %convert_element_type3A_358 : vector<1x64xbf16> to vector<1x64xf32>
    %convert_element_type3A_360 = arith.truncf %div3A_351 : vector<256x1024xf32> to vector<256x1024xbf16>
    %convert_element_type3A_361 = arith.truncf %get3A_325 : vector<1024x64xf32> to vector<1024x64xbf16>
    %dot_general3A_362 = arith.constant dense<0.000000e+00> : vector<256x64xf32>
    %dot_general3A_363 = tpu.matmul %convert_element_type3A_360, %convert_element_type3A_361, %dot_general3A_362 {dimension_numbers = #tpu.dot_dimension_numbers<[1], [0], [0], [1], [0, 0, 1, 1], [], []>, transpose_lhs_hint = false} : vector<256x1024xbf16>, vector<1024x64xbf16>, vector<256x64xf32> -> vector<256x64xf32>
    %mul3A_364 = vector.broadcast %convert_element_type3A_354 : vector<256x1xf32> to vector<256x64xf32>
    %mul3A_365 = vector.broadcast %convert_element_type3A_359 : vector<1x64xf32> to vector<256x64xf32>
    %mul3A_366 = arith.mulf %mul3A_364, %mul3A_365 : vector<256x64xf32>
    %add3A_367 = arith.addf %dot_general3A_363, %mul3A_366 : vector<256x64xf32>
    %slice3A_368 = vector.extract_strided_slice %mul3A_28 {offsets = [0, 448], sizes = [256, 64], strides = [1, 1]} : vector<256x768xf32> to vector<256x64xf32>
    %get3A_369 = arith.constant 448 : index
    %get3A_370 = arith.constant 0 : index
    %get3A_371 = vector.load %arg2[%get3A_369, %get3A_370] : memref<768x1024xf32, #tpu.memory_space<vmem>>, vector<64x1024xf32>
    %get3A_372 = arith.constant 0 : index
    %get3A_373 = arith.constant 448 : index
    %get3A_374 = vector.load %arg3[%get3A_372, %get3A_373] : memref<1024x768xf32, #tpu.memory_space<vmem>>, vector<1024x64xf32>
    %convert_element_type3A_375 = arith.truncf %slice3A_368 : vector<256x64xf32> to vector<256x64xbf16>
    %convert_element_type3A_376 = arith.truncf %get3A_371 : vector<64x1024xf32> to vector<64x1024xbf16>
    %dot_general3A_377 = arith.constant dense<0.000000e+00> : vector<256x1024xf32>
    %dot_general3A_378 = tpu.matmul %convert_element_type3A_375, %convert_element_type3A_376, %dot_general3A_377 {dimension_numbers = #tpu.dot_dimension_numbers<[1], [0], [0], [1], [0, 0, 1, 1], [], []>, transpose_lhs_hint = false} : vector<256x64xbf16>, vector<64x1024xbf16>, vector<256x1024xf32> -> vector<256x1024xf32>
    %get3A_379 = arith.constant 0 : index
    %get3A_380 = arith.constant 0 : index
    %get3A_381 = vector.load %arg6[%get3A_379, %get3A_380] : memref<64x1xf32, #tpu.memory_space<vmem>>, vector<64x1xf32>
    %convert_element_type3A_382 = arith.truncf %slice3A_368 : vector<256x64xf32> to vector<256x64xbf16>
    %convert_element_type3A_383 = arith.truncf %get3A_381 : vector<64x1xf32> to vector<64x1xbf16>
    %dot_general3A_384 = arith.constant dense<0.000000e+00> : vector<256x1xf32>
    %dot_general3A_385 = tpu.matmul %convert_element_type3A_382, %convert_element_type3A_383, %dot_general3A_384 {dimension_numbers = #tpu.dot_dimension_numbers<[1], [0], [0], [1], [0, 0, 1, 1], [], []>, transpose_lhs_hint = false} : vector<256x64xbf16>, vector<64x1xbf16>, vector<256x1xf32> -> vector<256x1xf32>
    %reduce_max3A_386 = arith.constant dense<0xFF800000> : vector<256xf32>
    %reduce_max3A_387 = vector.multi_reduction <maximumf>, %dot_general3A_378, %reduce_max3A_386 [1] : vector<256x1024xf32> to vector<256xf32>
    %broadcast_in_dim3A_388 = vector.shape_cast %reduce_max3A_387 : vector<256xf32> to vector<256x1xf32>
    %max3A_389 = arith.maximumf %broadcast_in_dim3A_388, %dot_general3A_385 : vector<256x1xf32>
    %sub3A_390 = vector.broadcast %max3A_389 : vector<256x1xf32> to vector<256x1024xf32>
    %sub3A_391 = arith.subf %dot_general3A_378, %sub3A_390 : vector<256x1024xf32>
    %exp3A_392 = math.exp %sub3A_391 : vector<256x1024xf32>
    %sub3A_393 = arith.subf %dot_general3A_385, %max3A_389 : vector<256x1xf32>
    %exp3A_394 = math.exp %sub3A_393 : vector<256x1xf32>
    %reduce_sum3A_395 = arith.constant dense<0.000000e+00> : vector<256xf32>
    %reduce_sum3A_396 = vector.multi_reduction <add>, %exp3A_392, %reduce_sum3A_395 [1] : vector<256x1024xf32> to vector<256xf32>
    %broadcast_in_dim3A_397 = vector.shape_cast %reduce_sum3A_396 : vector<256xf32> to vector<256x1xf32>
    %add3A_398 = arith.addf %broadcast_in_dim3A_397, %exp3A_394 : vector<256x1xf32>
    %div3A_399 = vector.broadcast %add3A_398 : vector<256x1xf32> to vector<256x1024xf32>
    %div3A_400 = arith.divf %exp3A_392, %div3A_399 : vector<256x1024xf32>
    %div3A_401 = arith.divf %exp3A_394, %add3A_398 : vector<256x1xf32>
    %convert_element_type3A_402 = arith.truncf %div3A_401 : vector<256x1xf32> to vector<256x1xbf16>
    %convert_element_type3A_403 = arith.extf %convert_element_type3A_402 : vector<256x1xbf16> to vector<256x1xf32>
    %get3A_404 = arith.constant 0 : index
    %get3A_405 = arith.constant 0 : index
    %get3A_406 = vector.load %arg7[%get3A_404, %get3A_405] : memref<1x64xf32, #tpu.memory_space<vmem>>, vector<1x64xf32>
    %convert_element_type3A_407 = arith.truncf %get3A_406 : vector<1x64xf32> to vector<1x64xbf16>
    %convert_element_type3A_408 = arith.extf %convert_element_type3A_407 : vector<1x64xbf16> to vector<1x64xf32>
    %convert_element_type3A_409 = arith.truncf %div3A_400 : vector<256x1024xf32> to vector<256x1024xbf16>
    %convert_element_type3A_410 = arith.truncf %get3A_374 : vector<1024x64xf32> to vector<1024x64xbf16>
    %dot_general3A_411 = arith.constant dense<0.000000e+00> : vector<256x64xf32>
    %dot_general3A_412 = tpu.matmul %convert_element_type3A_409, %convert_element_type3A_410, %dot_general3A_411 {dimension_numbers = #tpu.dot_dimension_numbers<[1], [0], [0], [1], [0, 0, 1, 1], [], []>, transpose_lhs_hint = false} : vector<256x1024xbf16>, vector<1024x64xbf16>, vector<256x64xf32> -> vector<256x64xf32>
    %mul3A_413 = vector.broadcast %convert_element_type3A_403 : vector<256x1xf32> to vector<256x64xf32>
    %mul3A_414 = vector.broadcast %convert_element_type3A_408 : vector<1x64xf32> to vector<256x64xf32>
    %mul3A_415 = arith.mulf %mul3A_413, %mul3A_414 : vector<256x64xf32>
    %add3A_416 = arith.addf %dot_general3A_412, %mul3A_415 : vector<256x64xf32>
    %slice3A_417 = vector.extract_strided_slice %mul3A_28 {offsets = [0, 512], sizes = [256, 64], strides = [1, 1]} : vector<256x768xf32> to vector<256x64xf32>
    %get3A_418 = arith.constant 512 : index
    %get3A_419 = arith.constant 0 : index
    %get3A_420 = vector.load %arg2[%get3A_418, %get3A_419] : memref<768x1024xf32, #tpu.memory_space<vmem>>, vector<64x1024xf32>
    %get3A_421 = arith.constant 0 : index
    %get3A_422 = arith.constant 512 : index
    %get3A_423 = vector.load %arg3[%get3A_421, %get3A_422] : memref<1024x768xf32, #tpu.memory_space<vmem>>, vector<1024x64xf32>
    %convert_element_type3A_424 = arith.truncf %slice3A_417 : vector<256x64xf32> to vector<256x64xbf16>
    %convert_element_type3A_425 = arith.truncf %get3A_420 : vector<64x1024xf32> to vector<64x1024xbf16>
    %dot_general3A_426 = arith.constant dense<0.000000e+00> : vector<256x1024xf32>
    %dot_general3A_427 = tpu.matmul %convert_element_type3A_424, %convert_element_type3A_425, %dot_general3A_426 {dimension_numbers = #tpu.dot_dimension_numbers<[1], [0], [0], [1], [0, 0, 1, 1], [], []>, transpose_lhs_hint = false} : vector<256x64xbf16>, vector<64x1024xbf16>, vector<256x1024xf32> -> vector<256x1024xf32>
    %get3A_428 = arith.constant 0 : index
    %get3A_429 = arith.constant 0 : index
    %get3A_430 = vector.load %arg6[%get3A_428, %get3A_429] : memref<64x1xf32, #tpu.memory_space<vmem>>, vector<64x1xf32>
    %convert_element_type3A_431 = arith.truncf %slice3A_417 : vector<256x64xf32> to vector<256x64xbf16>
    %convert_element_type3A_432 = arith.truncf %get3A_430 : vector<64x1xf32> to vector<64x1xbf16>
    %dot_general3A_433 = arith.constant dense<0.000000e+00> : vector<256x1xf32>
    %dot_general3A_434 = tpu.matmul %convert_element_type3A_431, %convert_element_type3A_432, %dot_general3A_433 {dimension_numbers = #tpu.dot_dimension_numbers<[1], [0], [0], [1], [0, 0, 1, 1], [], []>, transpose_lhs_hint = false} : vector<256x64xbf16>, vector<64x1xbf16>, vector<256x1xf32> -> vector<256x1xf32>
    %reduce_max3A_435 = arith.constant dense<0xFF800000> : vector<256xf32>
    %reduce_max3A_436 = vector.multi_reduction <maximumf>, %dot_general3A_427, %reduce_max3A_435 [1] : vector<256x1024xf32> to vector<256xf32>
    %broadcast_in_dim3A_437 = vector.shape_cast %reduce_max3A_436 : vector<256xf32> to vector<256x1xf32>
    %max3A_438 = arith.maximumf %broadcast_in_dim3A_437, %dot_general3A_434 : vector<256x1xf32>
    %sub3A_439 = vector.broadcast %max3A_438 : vector<256x1xf32> to vector<256x1024xf32>
    %sub3A_440 = arith.subf %dot_general3A_427, %sub3A_439 : vector<256x1024xf32>
    %exp3A_441 = math.exp %sub3A_440 : vector<256x1024xf32>
    %sub3A_442 = arith.subf %dot_general3A_434, %max3A_438 : vector<256x1xf32>
    %exp3A_443 = math.exp %sub3A_442 : vector<256x1xf32>
    %reduce_sum3A_444 = arith.constant dense<0.000000e+00> : vector<256xf32>
    %reduce_sum3A_445 = vector.multi_reduction <add>, %exp3A_441, %reduce_sum3A_444 [1] : vector<256x1024xf32> to vector<256xf32>
    %broadcast_in_dim3A_446 = vector.shape_cast %reduce_sum3A_445 : vector<256xf32> to vector<256x1xf32>
    %add3A_447 = arith.addf %broadcast_in_dim3A_446, %exp3A_443 : vector<256x1xf32>
    %div3A_448 = vector.broadcast %add3A_447 : vector<256x1xf32> to vector<256x1024xf32>
    %div3A_449 = arith.divf %exp3A_441, %div3A_448 : vector<256x1024xf32>
    %div3A_450 = arith.divf %exp3A_443, %add3A_447 : vector<256x1xf32>
    %convert_element_type3A_451 = arith.truncf %div3A_450 : vector<256x1xf32> to vector<256x1xbf16>
    %convert_element_type3A_452 = arith.extf %convert_element_type3A_451 : vector<256x1xbf16> to vector<256x1xf32>
    %get3A_453 = arith.constant 0 : index
    %get3A_454 = arith.constant 0 : index
    %get3A_455 = vector.load %arg7[%get3A_453, %get3A_454] : memref<1x64xf32, #tpu.memory_space<vmem>>, vector<1x64xf32>
    %convert_element_type3A_456 = arith.truncf %get3A_455 : vector<1x64xf32> to vector<1x64xbf16>
    %convert_element_type3A_457 = arith.extf %convert_element_type3A_456 : vector<1x64xbf16> to vector<1x64xf32>
    %convert_element_type3A_458 = arith.truncf %div3A_449 : vector<256x1024xf32> to vector<256x1024xbf16>
    %convert_element_type3A_459 = arith.truncf %get3A_423 : vector<1024x64xf32> to vector<1024x64xbf16>
    %dot_general3A_460 = arith.constant dense<0.000000e+00> : vector<256x64xf32>
    %dot_general3A_461 = tpu.matmul %convert_element_type3A_458, %convert_element_type3A_459, %dot_general3A_460 {dimension_numbers = #tpu.dot_dimension_numbers<[1], [0], [0], [1], [0, 0, 1, 1], [], []>, transpose_lhs_hint = false} : vector<256x1024xbf16>, vector<1024x64xbf16>, vector<256x64xf32> -> vector<256x64xf32>
    %mul3A_462 = vector.broadcast %convert_element_type3A_452 : vector<256x1xf32> to vector<256x64xf32>
    %mul3A_463 = vector.broadcast %convert_element_type3A_457 : vector<1x64xf32> to vector<256x64xf32>
    %mul3A_464 = arith.mulf %mul3A_462, %mul3A_463 : vector<256x64xf32>
    %add3A_465 = arith.addf %dot_general3A_461, %mul3A_464 : vector<256x64xf32>
    %slice3A_466 = vector.extract_strided_slice %mul3A_28 {offsets = [0, 576], sizes = [256, 64], strides = [1, 1]} : vector<256x768xf32> to vector<256x64xf32>
    %get3A_467 = arith.constant 576 : index
    %get3A_468 = arith.constant 0 : index
    %get3A_469 = vector.load %arg2[%get3A_467, %get3A_468] : memref<768x1024xf32, #tpu.memory_space<vmem>>, vector<64x1024xf32>
    %get3A_470 = arith.constant 0 : index
    %get3A_471 = arith.constant 576 : index
    %get3A_472 = vector.load %arg3[%get3A_470, %get3A_471] : memref<1024x768xf32, #tpu.memory_space<vmem>>, vector<1024x64xf32>
    %convert_element_type3A_473 = arith.truncf %slice3A_466 : vector<256x64xf32> to vector<256x64xbf16>
    %convert_element_type3A_474 = arith.truncf %get3A_469 : vector<64x1024xf32> to vector<64x1024xbf16>
    %dot_general3A_475 = arith.constant dense<0.000000e+00> : vector<256x1024xf32>
    %dot_general3A_476 = tpu.matmul %convert_element_type3A_473, %convert_element_type3A_474, %dot_general3A_475 {dimension_numbers = #tpu.dot_dimension_numbers<[1], [0], [0], [1], [0, 0, 1, 1], [], []>, transpose_lhs_hint = false} : vector<256x64xbf16>, vector<64x1024xbf16>, vector<256x1024xf32> -> vector<256x1024xf32>
    %get3A_477 = arith.constant 0 : index
    %get3A_478 = arith.constant 0 : index
    %get3A_479 = vector.load %arg6[%get3A_477, %get3A_478] : memref<64x1xf32, #tpu.memory_space<vmem>>, vector<64x1xf32>
    %convert_element_type3A_480 = arith.truncf %slice3A_466 : vector<256x64xf32> to vector<256x64xbf16>
    %convert_element_type3A_481 = arith.truncf %get3A_479 : vector<64x1xf32> to vector<64x1xbf16>
    %dot_general3A_482 = arith.constant dense<0.000000e+00> : vector<256x1xf32>
    %dot_general3A_483 = tpu.matmul %convert_element_type3A_480, %convert_element_type3A_481, %dot_general3A_482 {dimension_numbers = #tpu.dot_dimension_numbers<[1], [0], [0], [1], [0, 0, 1, 1], [], []>, transpose_lhs_hint = false} : vector<256x64xbf16>, vector<64x1xbf16>, vector<256x1xf32> -> vector<256x1xf32>
    %reduce_max3A_484 = arith.constant dense<0xFF800000> : vector<256xf32>
    %reduce_max3A_485 = vector.multi_reduction <maximumf>, %dot_general3A_476, %reduce_max3A_484 [1] : vector<256x1024xf32> to vector<256xf32>
    %broadcast_in_dim3A_486 = vector.shape_cast %reduce_max3A_485 : vector<256xf32> to vector<256x1xf32>
    %max3A_487 = arith.maximumf %broadcast_in_dim3A_486, %dot_general3A_483 : vector<256x1xf32>
    %sub3A_488 = vector.broadcast %max3A_487 : vector<256x1xf32> to vector<256x1024xf32>
    %sub3A_489 = arith.subf %dot_general3A_476, %sub3A_488 : vector<256x1024xf32>
    %exp3A_490 = math.exp %sub3A_489 : vector<256x1024xf32>
    %sub3A_491 = arith.subf %dot_general3A_483, %max3A_487 : vector<256x1xf32>
    %exp3A_492 = math.exp %sub3A_491 : vector<256x1xf32>
    %reduce_sum3A_493 = arith.constant dense<0.000000e+00> : vector<256xf32>
    %reduce_sum3A_494 = vector.multi_reduction <add>, %exp3A_490, %reduce_sum3A_493 [1] : vector<256x1024xf32> to vector<256xf32>
    %broadcast_in_dim3A_495 = vector.shape_cast %reduce_sum3A_494 : vector<256xf32> to vector<256x1xf32>
    %add3A_496 = arith.addf %broadcast_in_dim3A_495, %exp3A_492 : vector<256x1xf32>
    %div3A_497 = vector.broadcast %add3A_496 : vector<256x1xf32> to vector<256x1024xf32>
    %div3A_498 = arith.divf %exp3A_490, %div3A_497 : vector<256x1024xf32>
    %div3A_499 = arith.divf %exp3A_492, %add3A_496 : vector<256x1xf32>
    %convert_element_type3A_500 = arith.truncf %div3A_499 : vector<256x1xf32> to vector<256x1xbf16>
    %convert_element_type3A_501 = arith.extf %convert_element_type3A_500 : vector<256x1xbf16> to vector<256x1xf32>
    %get3A_502 = arith.constant 0 : index
    %get3A_503 = arith.constant 0 : index
    %get3A_504 = vector.load %arg7[%get3A_502, %get3A_503] : memref<1x64xf32, #tpu.memory_space<vmem>>, vector<1x64xf32>
    %convert_element_type3A_505 = arith.truncf %get3A_504 : vector<1x64xf32> to vector<1x64xbf16>
    %convert_element_type3A_506 = arith.extf %convert_element_type3A_505 : vector<1x64xbf16> to vector<1x64xf32>
    %convert_element_type3A_507 = arith.truncf %div3A_498 : vector<256x1024xf32> to vector<256x1024xbf16>
    %convert_element_type3A_508 = arith.truncf %get3A_472 : vector<1024x64xf32> to vector<1024x64xbf16>
    %dot_general3A_509 = arith.constant dense<0.000000e+00> : vector<256x64xf32>
    %dot_general3A_510 = tpu.matmul %convert_element_type3A_507, %convert_element_type3A_508, %dot_general3A_509 {dimension_numbers = #tpu.dot_dimension_numbers<[1], [0], [0], [1], [0, 0, 1, 1], [], []>, transpose_lhs_hint = false} : vector<256x1024xbf16>, vector<1024x64xbf16>, vector<256x64xf32> -> vector<256x64xf32>
    %mul3A_511 = vector.broadcast %convert_element_type3A_501 : vector<256x1xf32> to vector<256x64xf32>
    %mul3A_512 = vector.broadcast %convert_element_type3A_506 : vector<1x64xf32> to vector<256x64xf32>
    %mul3A_513 = arith.mulf %mul3A_511, %mul3A_512 : vector<256x64xf32>
    %add3A_514 = arith.addf %dot_general3A_510, %mul3A_513 : vector<256x64xf32>
    %slice3A_515 = vector.extract_strided_slice %mul3A_28 {offsets = [0, 640], sizes = [256, 64], strides = [1, 1]} : vector<256x768xf32> to vector<256x64xf32>
    %get3A_516 = arith.constant 640 : index
    %get3A_517 = arith.constant 0 : index
    %get3A_518 = vector.load %arg2[%get3A_516, %get3A_517] : memref<768x1024xf32, #tpu.memory_space<vmem>>, vector<64x1024xf32>
    %get3A_519 = arith.constant 0 : index
    %get3A_520 = arith.constant 640 : index
    %get3A_521 = vector.load %arg3[%get3A_519, %get3A_520] : memref<1024x768xf32, #tpu.memory_space<vmem>>, vector<1024x64xf32>
    %convert_element_type3A_522 = arith.truncf %slice3A_515 : vector<256x64xf32> to vector<256x64xbf16>
    %convert_element_type3A_523 = arith.truncf %get3A_518 : vector<64x1024xf32> to vector<64x1024xbf16>
    %dot_general3A_524 = arith.constant dense<0.000000e+00> : vector<256x1024xf32>
    %dot_general3A_525 = tpu.matmul %convert_element_type3A_522, %convert_element_type3A_523, %dot_general3A_524 {dimension_numbers = #tpu.dot_dimension_numbers<[1], [0], [0], [1], [0, 0, 1, 1], [], []>, transpose_lhs_hint = false} : vector<256x64xbf16>, vector<64x1024xbf16>, vector<256x1024xf32> -> vector<256x1024xf32>
    %get3A_526 = arith.constant 0 : index
    %get3A_527 = arith.constant 0 : index
    %get3A_528 = vector.load %arg6[%get3A_526, %get3A_527] : memref<64x1xf32, #tpu.memory_space<vmem>>, vector<64x1xf32>
    %convert_element_type3A_529 = arith.truncf %slice3A_515 : vector<256x64xf32> to vector<256x64xbf16>
    %convert_element_type3A_530 = arith.truncf %get3A_528 : vector<64x1xf32> to vector<64x1xbf16>
    %dot_general3A_531 = arith.constant dense<0.000000e+00> : vector<256x1xf32>
    %dot_general3A_532 = tpu.matmul %convert_element_type3A_529, %convert_element_type3A_530, %dot_general3A_531 {dimension_numbers = #tpu.dot_dimension_numbers<[1], [0], [0], [1], [0, 0, 1, 1], [], []>, transpose_lhs_hint = false} : vector<256x64xbf16>, vector<64x1xbf16>, vector<256x1xf32> -> vector<256x1xf32>
    %reduce_max3A_533 = arith.constant dense<0xFF800000> : vector<256xf32>
    %reduce_max3A_534 = vector.multi_reduction <maximumf>, %dot_general3A_525, %reduce_max3A_533 [1] : vector<256x1024xf32> to vector<256xf32>
    %broadcast_in_dim3A_535 = vector.shape_cast %reduce_max3A_534 : vector<256xf32> to vector<256x1xf32>
    %max3A_536 = arith.maximumf %broadcast_in_dim3A_535, %dot_general3A_532 : vector<256x1xf32>
    %sub3A_537 = vector.broadcast %max3A_536 : vector<256x1xf32> to vector<256x1024xf32>
    %sub3A_538 = arith.subf %dot_general3A_525, %sub3A_537 : vector<256x1024xf32>
    %exp3A_539 = math.exp %sub3A_538 : vector<256x1024xf32>
    %sub3A_540 = arith.subf %dot_general3A_532, %max3A_536 : vector<256x1xf32>
    %exp3A_541 = math.exp %sub3A_540 : vector<256x1xf32>
    %reduce_sum3A_542 = arith.constant dense<0.000000e+00> : vector<256xf32>
    %reduce_sum3A_543 = vector.multi_reduction <add>, %exp3A_539, %reduce_sum3A_542 [1] : vector<256x1024xf32> to vector<256xf32>
    %broadcast_in_dim3A_544 = vector.shape_cast %reduce_sum3A_543 : vector<256xf32> to vector<256x1xf32>
    %add3A_545 = arith.addf %broadcast_in_dim3A_544, %exp3A_541 : vector<256x1xf32>
    %div3A_546 = vector.broadcast %add3A_545 : vector<256x1xf32> to vector<256x1024xf32>
    %div3A_547 = arith.divf %exp3A_539, %div3A_546 : vector<256x1024xf32>
    %div3A_548 = arith.divf %exp3A_541, %add3A_545 : vector<256x1xf32>
    %convert_element_type3A_549 = arith.truncf %div3A_548 : vector<256x1xf32> to vector<256x1xbf16>
    %convert_element_type3A_550 = arith.extf %convert_element_type3A_549 : vector<256x1xbf16> to vector<256x1xf32>
    %get3A_551 = arith.constant 0 : index
    %get3A_552 = arith.constant 0 : index
    %get3A_553 = vector.load %arg7[%get3A_551, %get3A_552] : memref<1x64xf32, #tpu.memory_space<vmem>>, vector<1x64xf32>
    %convert_element_type3A_554 = arith.truncf %get3A_553 : vector<1x64xf32> to vector<1x64xbf16>
    %convert_element_type3A_555 = arith.extf %convert_element_type3A_554 : vector<1x64xbf16> to vector<1x64xf32>
    %convert_element_type3A_556 = arith.truncf %div3A_547 : vector<256x1024xf32> to vector<256x1024xbf16>
    %convert_element_type3A_557 = arith.truncf %get3A_521 : vector<1024x64xf32> to vector<1024x64xbf16>
    %dot_general3A_558 = arith.constant dense<0.000000e+00> : vector<256x64xf32>
    %dot_general3A_559 = tpu.matmul %convert_element_type3A_556, %convert_element_type3A_557, %dot_general3A_558 {dimension_numbers = #tpu.dot_dimension_numbers<[1], [0], [0], [1], [0, 0, 1, 1], [], []>, transpose_lhs_hint = false} : vector<256x1024xbf16>, vector<1024x64xbf16>, vector<256x64xf32> -> vector<256x64xf32>
    %mul3A_560 = vector.broadcast %convert_element_type3A_550 : vector<256x1xf32> to vector<256x64xf32>
    %mul3A_561 = vector.broadcast %convert_element_type3A_555 : vector<1x64xf32> to vector<256x64xf32>
    %mul3A_562 = arith.mulf %mul3A_560, %mul3A_561 : vector<256x64xf32>
    %add3A_563 = arith.addf %dot_general3A_559, %mul3A_562 : vector<256x64xf32>
    %slice3A_564 = vector.extract_strided_slice %mul3A_28 {offsets = [0, 704], sizes = [256, 64], strides = [1, 1]} : vector<256x768xf32> to vector<256x64xf32>
    %get3A_565 = arith.constant 704 : index
    %get3A_566 = arith.constant 0 : index
    %get3A_567 = vector.load %arg2[%get3A_565, %get3A_566] : memref<768x1024xf32, #tpu.memory_space<vmem>>, vector<64x1024xf32>
    %get3A_568 = arith.constant 0 : index
    %get3A_569 = arith.constant 704 : index
    %get3A_570 = vector.load %arg3[%get3A_568, %get3A_569] : memref<1024x768xf32, #tpu.memory_space<vmem>>, vector<1024x64xf32>
    %convert_element_type3A_571 = arith.truncf %slice3A_564 : vector<256x64xf32> to vector<256x64xbf16>
    %convert_element_type3A_572 = arith.truncf %get3A_567 : vector<64x1024xf32> to vector<64x1024xbf16>
    %dot_general3A_573 = arith.constant dense<0.000000e+00> : vector<256x1024xf32>
    %dot_general3A_574 = tpu.matmul %convert_element_type3A_571, %convert_element_type3A_572, %dot_general3A_573 {dimension_numbers = #tpu.dot_dimension_numbers<[1], [0], [0], [1], [0, 0, 1, 1], [], []>, transpose_lhs_hint = false} : vector<256x64xbf16>, vector<64x1024xbf16>, vector<256x1024xf32> -> vector<256x1024xf32>
    %get3A_575 = arith.constant 0 : index
    %get3A_576 = arith.constant 0 : index
    %get3A_577 = vector.load %arg6[%get3A_575, %get3A_576] : memref<64x1xf32, #tpu.memory_space<vmem>>, vector<64x1xf32>
    %convert_element_type3A_578 = arith.truncf %slice3A_564 : vector<256x64xf32> to vector<256x64xbf16>
    %convert_element_type3A_579 = arith.truncf %get3A_577 : vector<64x1xf32> to vector<64x1xbf16>
    %dot_general3A_580 = arith.constant dense<0.000000e+00> : vector<256x1xf32>
    %dot_general3A_581 = tpu.matmul %convert_element_type3A_578, %convert_element_type3A_579, %dot_general3A_580 {dimension_numbers = #tpu.dot_dimension_numbers<[1], [0], [0], [1], [0, 0, 1, 1], [], []>, transpose_lhs_hint = false} : vector<256x64xbf16>, vector<64x1xbf16>, vector<256x1xf32> -> vector<256x1xf32>
    %reduce_max3A_582 = arith.constant dense<0xFF800000> : vector<256xf32>
    %reduce_max3A_583 = vector.multi_reduction <maximumf>, %dot_general3A_574, %reduce_max3A_582 [1] : vector<256x1024xf32> to vector<256xf32>
    %broadcast_in_dim3A_584 = vector.shape_cast %reduce_max3A_583 : vector<256xf32> to vector<256x1xf32>
    %max3A_585 = arith.maximumf %broadcast_in_dim3A_584, %dot_general3A_581 : vector<256x1xf32>
    %sub3A_586 = vector.broadcast %max3A_585 : vector<256x1xf32> to vector<256x1024xf32>
    %sub3A_587 = arith.subf %dot_general3A_574, %sub3A_586 : vector<256x1024xf32>
    %exp3A_588 = math.exp %sub3A_587 : vector<256x1024xf32>
    %sub3A_589 = arith.subf %dot_general3A_581, %max3A_585 : vector<256x1xf32>
    %exp3A_590 = math.exp %sub3A_589 : vector<256x1xf32>
    %reduce_sum3A_591 = arith.constant dense<0.000000e+00> : vector<256xf32>
    %reduce_sum3A_592 = vector.multi_reduction <add>, %exp3A_588, %reduce_sum3A_591 [1] : vector<256x1024xf32> to vector<256xf32>
    %broadcast_in_dim3A_593 = vector.shape_cast %reduce_sum3A_592 : vector<256xf32> to vector<256x1xf32>
    %add3A_594 = arith.addf %broadcast_in_dim3A_593, %exp3A_590 : vector<256x1xf32>
    %div3A_595 = vector.broadcast %add3A_594 : vector<256x1xf32> to vector<256x1024xf32>
    %div3A_596 = arith.divf %exp3A_588, %div3A_595 : vector<256x1024xf32>
    %div3A_597 = arith.divf %exp3A_590, %add3A_594 : vector<256x1xf32>
    %convert_element_type3A_598 = arith.truncf %div3A_597 : vector<256x1xf32> to vector<256x1xbf16>
    %convert_element_type3A_599 = arith.extf %convert_element_type3A_598 : vector<256x1xbf16> to vector<256x1xf32>
    %get3A_600 = arith.constant 0 : index
    %get3A_601 = arith.constant 0 : index
    %get3A_602 = vector.load %arg7[%get3A_600, %get3A_601] : memref<1x64xf32, #tpu.memory_space<vmem>>, vector<1x64xf32>
    %convert_element_type3A_603 = arith.truncf %get3A_602 : vector<1x64xf32> to vector<1x64xbf16>
    %convert_element_type3A_604 = arith.extf %convert_element_type3A_603 : vector<1x64xbf16> to vector<1x64xf32>
    %convert_element_type3A_605 = arith.truncf %div3A_596 : vector<256x1024xf32> to vector<256x1024xbf16>
    %convert_element_type3A_606 = arith.truncf %get3A_570 : vector<1024x64xf32> to vector<1024x64xbf16>
    %dot_general3A_607 = arith.constant dense<0.000000e+00> : vector<256x64xf32>
    %dot_general3A_608 = tpu.matmul %convert_element_type3A_605, %convert_element_type3A_606, %dot_general3A_607 {dimension_numbers = #tpu.dot_dimension_numbers<[1], [0], [0], [1], [0, 0, 1, 1], [], []>, transpose_lhs_hint = false} : vector<256x1024xbf16>, vector<1024x64xbf16>, vector<256x64xf32> -> vector<256x64xf32>
    %mul3A_609 = vector.broadcast %convert_element_type3A_599 : vector<256x1xf32> to vector<256x64xf32>
    %mul3A_610 = vector.broadcast %convert_element_type3A_604 : vector<1x64xf32> to vector<256x64xf32>
    %mul3A_611 = arith.mulf %mul3A_609, %mul3A_610 : vector<256x64xf32>
    %add3A_612 = arith.addf %dot_general3A_608, %mul3A_611 : vector<256x64xf32>
    %concatenate3A = tpu.concatenate %add3A_73, %add3A_122, %add3A_171, %add3A_220, %add3A_269, %add3A_318, %add3A_367, %add3A_416, %add3A_465, %add3A_514, %add3A_563, %add3A_612 in 1 : vector<256x64xf32>, vector<256x64xf32>, vector<256x64xf32>, vector<256x64xf32>, vector<256x64xf32>, vector<256x64xf32>, vector<256x64xf32>, vector<256x64xf32>, vector<256x64xf32>, vector<256x64xf32>, vector<256x64xf32>, vector<256x64xf32> -> vector<256x768xf32>
    %get3A_613 = arith.constant 0 : index
    %get3A_614 = arith.constant 0 : index
    %get3A_615 = vector.load %arg8[%get3A_613, %get3A_614] : memref<768x768xf32, #tpu.memory_space<vmem>>, vector<768x768xf32>
    %convert_element_type3A_616 = arith.truncf %concatenate3A : vector<256x768xf32> to vector<256x768xbf16>
    %convert_element_type3A_617 = arith.truncf %get3A_615 : vector<768x768xf32> to vector<768x768xbf16>
    %dot_general3A_618 = arith.constant dense<0.000000e+00> : vector<256x768xf32>
    %dot_general3A_619 = tpu.matmul %convert_element_type3A_616, %convert_element_type3A_617, %dot_general3A_618 {dimension_numbers = #tpu.dot_dimension_numbers<[1], [0], [0], [1], [0, 0, 1, 1], [], []>, transpose_lhs_hint = false} : vector<256x768xbf16>, vector<768x768xbf16>, vector<256x768xf32> -> vector<256x768xf32>
    %get3A_620 = arith.constant 0 : index
    %get3A_621 = arith.constant 0 : index
    %get3A_622 = vector.load %arg9[%get3A_620, %get3A_621] : memref<1x768xf32, #tpu.memory_space<vmem>>, vector<1x768xf32>
    %reduce_sum3A_623 = arith.constant dense<0.000000e+00> : vector<256xf32>
    %reduce_sum3A_624 = vector.multi_reduction <add>, %dot_general3A_619, %reduce_sum3A_623 [1] : vector<256x768xf32> to vector<256xf32>
    %broadcast_in_dim3A_625 = vector.shape_cast %reduce_sum3A_624 : vector<256xf32> to vector<256x1xf32>
    %div3A_626 = arith.constant 7.680000e+02 : f32
    %div3A_627 = vector.broadcast %div3A_626 : f32 to vector<256x1xf32>
    %div3A_628 = arith.divf %broadcast_in_dim3A_625, %div3A_627 : vector<256x1xf32>
    %sub3A_629 = vector.broadcast %div3A_628 : vector<256x1xf32> to vector<256x768xf32>
    %sub3A_630 = arith.subf %dot_general3A_619, %sub3A_629 : vector<256x768xf32>
    %mul3A_631 = arith.mulf %sub3A_630, %sub3A_630 : vector<256x768xf32>
    %reduce_sum3A_632 = arith.constant dense<0.000000e+00> : vector<256xf32>
    %reduce_sum3A_633 = vector.multi_reduction <add>, %mul3A_631, %reduce_sum3A_632 [1] : vector<256x768xf32> to vector<256xf32>
    %broadcast_in_dim3A_634 = vector.shape_cast %reduce_sum3A_633 : vector<256xf32> to vector<256x1xf32>
    %div3A_635 = arith.constant 7.680000e+02 : f32
    %div3A_636 = vector.broadcast %div3A_635 : f32 to vector<256x1xf32>
    %div3A_637 = arith.divf %broadcast_in_dim3A_634, %div3A_636 : vector<256x1xf32>
    %add3A_638 = arith.constant 9.99999974E-6 : f32
    %add3A_639 = vector.broadcast %add3A_638 : f32 to vector<256x1xf32>
    %add3A_640 = arith.addf %div3A_637, %add3A_639 : vector<256x1xf32>
    %sqrt3A_641 = math.sqrt %add3A_640 : vector<256x1xf32>
    %div3A_642 = vector.broadcast %sqrt3A_641 : vector<256x1xf32> to vector<256x768xf32>
    %div3A_643 = arith.divf %sub3A_630, %div3A_642 : vector<256x768xf32>
    %mul3A_644 = vector.broadcast %get3A_622 : vector<1x768xf32> to vector<256x768xf32>
    %mul3A_645 = arith.mulf %div3A_643, %mul3A_644 : vector<256x768xf32>
    %tanh3A = math.tanh %mul3A_645 : vector<256x768xf32>
    %add3A_646 = arith.addf %tanh3A, %get3A_1 : vector<256x768xf32>
    %swap3A = arith.constant 0 : index
    %swap3A_647 = arith.constant 0 : index
    %swap3A_648 = vector.load %arg11[%swap3A, %swap3A_647] : memref<256x768xf32, #tpu.memory_space<vmem>>, vector<256x768xf32>
    tpu.vector_store %arg11[%swap3A, %swap3A_647], %add3A_646 {strides = array<i32>} : memref<256x768xf32, #tpu.memory_space<vmem>>, vector<256x768xf32>,
    %get3A_649 = arith.constant 0 : index
    %get3A_650 = arith.constant 0 : index
    %get3A_651 = vector.load %arg10[%get3A_649, %get3A_650] : memref<768x8xf32, #tpu.memory_space<vmem>>, vector<768x8xf32>
    %convert_element_type3A_652 = arith.truncf %add3A_646 : vector<256x768xf32> to vector<256x768xbf16>
    %convert_element_type3A_653 = arith.truncf %get3A_651 : vector<768x8xf32> to vector<768x8xbf16>
    %dot_general3A_654 = arith.constant dense<0.000000e+00> : vector<256x8xf32>
    %dot_general3A_655 = tpu.matmul %convert_element_type3A_652, %convert_element_type3A_653, %dot_general3A_654 {dimension_numbers = #tpu.dot_dimension_numbers<[1], [0], [0], [1], [0, 0, 1, 1], [], []>, transpose_lhs_hint = false} : vector<256x768xbf16>, vector<768x8xbf16>, vector<256x8xf32> -> vector<256x8xf32>
    %swap3A_656 = arith.constant 0 : index
    %swap3A_657 = arith.constant 0 : index
    %swap3A_658 = vector.load %arg12[%swap3A_656, %swap3A_657] : memref<256x8xf32, #tpu.memory_space<vmem>>, vector<256x8xf32>
    tpu.vector_store %arg12[%swap3A_656, %swap3A_657], %dot_general3A_655 {strides = array<i32>} : memref<256x8xf32, #tpu.memory_space<vmem>>, vector<256x8xf32>,
    return
  }
  func.func @transform_0(%arg0: i32) -> (i32, i32) {
    %c0_i32 = arith.constant 0 : i32
    %c0_i32_0 = arith.constant 0 : i32
    return %arg0, %c0_i32 : i32, i32
  }
  func.func @transform_1(%arg0: i32) -> (i32, i32) {
    %c0_i32 = arith.constant 0 : i32
    %c0_i32_0 = arith.constant 0 : i32
    %c0_i32_1 = arith.constant 0 : i32
    return %c0_i32, %c0_i32_0 : i32, i32
  }
  func.func @transform_2(%arg0: i32) -> (i32, i32) {
    %c0_i32 = arith.constant 0 : i32
    %c0_i32_0 = arith.constant 0 : i32
    %c0_i32_1 = arith.constant 0 : i32
    return %c0_i32, %c0_i32_0 : i32, i32
  }
  func.func @transform_3(%arg0: i32) -> (i32, i32) {
    %c0_i32 = arith.constant 0 : i32
    %c0_i32_0 = arith.constant 0 : i32
    %c0_i32_1 = arith.constant 0 : i32
    return %c0_i32, %c0_i32_0 : i32, i32
  }
  func.func @transform_4(%arg0: i32) -> (i32, i32) {
    %c0_i32 = arith.constant 0 : i32
    %c0_i32_0 = arith.constant 0 : i32
    %c0_i32_1 = arith.constant 0 : i32
    return %c0_i32, %c0_i32_0 : i32, i32
  }
  func.func @transform_5(%arg0: i32) -> (i32, i32) {
    %c0_i32 = arith.constant 0 : i32
    %c0_i32_0 = arith.constant 0 : i32
    %c0_i32_1 = arith.constant 0 : i32
    return %c0_i32, %c0_i32_0 : i32, i32
  }
  func.func @transform_6(%arg0: i32) -> (i32, i32) {
    %c0_i32 = arith.constant 0 : i32
    %c0_i32_0 = arith.constant 0 : i32
    %c0_i32_1 = arith.constant 0 : i32
    return %c0_i32, %c0_i32_0 : i32, i32
  }
  func.func @transform_7(%arg0: i32) -> (i32, i32) {
    %c0_i32 = arith.constant 0 : i32
    %c0_i32_0 = arith.constant 0 : i32
    %c0_i32_1 = arith.constant 0 : i32
    return %c0_i32, %c0_i32_0 : i32, i32
  }
  func.func @transform_8(%arg0: i32) -> (i32, i32) {
    %c0_i32 = arith.constant 0 : i32
    %c0_i32_0 = arith.constant 0 : i32
    %c0_i32_1 = arith.constant 0 : i32
    return %c0_i32, %c0_i32_0 : i32, i32
  }
  func.func @transform_9(%arg0: i32) -> (i32, i32) {
    %c0_i32 = arith.constant 0 : i32
    %c0_i32_0 = arith.constant 0 : i32
    %c0_i32_1 = arith.constant 0 : i32
    return %c0_i32, %c0_i32_0 : i32, i32
  }
  func.func @transform_10(%arg0: i32) -> (i32, i32) {
    %c0_i32 = arith.constant 0 : i32
    %c0_i32_0 = arith.constant 0 : i32
    return %arg0, %c0_i32 : i32, i32
  }
  func.func @transform_11(%arg0: i32) -> (i32, i32) {
    %c0_i32 = arith.constant 0 : i32
    %c0_i32_0 = arith.constant 0 : i32
    return %arg0, %c0_i32 : i32, i32
  }
}

module attributes {stable_mosaic.version = 14 : i64} {
  func.func @_routemath_body(%arg0: memref<2048x8xf32, #tpu.memory_space<vmem>>, %arg1: memref<4096x1xi32, #tpu.memory_space<vmem>>, %arg2: memref<4096x1xf32, #tpu.memory_space<vmem>>, %arg3: memref<1x48xi32, #tpu.memory_space<vmem>>) attributes {dimension_semantics = [], scalar_prefetch = 0 : i64, scratch_operands = 0 : i64, tpu.core_type = #tpu.core_type<tc>} {
    %get3A = arith.constant 0 : index
    %get3A_0 = arith.constant 0 : index
    %get3A_1 = vector.load %arg0[%get3A, %get3A_0] : memref<2048x8xf32, #tpu.memory_space<vmem>>, vector<2048x8xf32>
    %reduce_max3A = arith.constant dense<0xFF800000> : vector<2048xf32>
    %reduce_max3A_2 = vector.multi_reduction <maximumf>, %get3A_1, %reduce_max3A [1] : vector<2048x8xf32> to vector<2048xf32>
    %broadcast_in_dim3A = vector.shape_cast %reduce_max3A_2 : vector<2048xf32> to vector<2048x1xf32>
    %sub3A = vector.broadcast %broadcast_in_dim3A : vector<2048x1xf32> to vector<2048x8xf32>
    %sub3A_3 = arith.subf %get3A_1, %sub3A : vector<2048x8xf32>
    %exp3A = math.exp %sub3A_3 : vector<2048x8xf32>
    %reduce_sum3A = arith.constant dense<0.000000e+00> : vector<2048xf32>
    %reduce_sum3A_4 = vector.multi_reduction <add>, %exp3A, %reduce_sum3A [1] : vector<2048x8xf32> to vector<2048xf32>
    %broadcast_in_dim3A_5 = vector.shape_cast %reduce_sum3A_4 : vector<2048xf32> to vector<2048x1xf32>
    %div3A = vector.broadcast %broadcast_in_dim3A_5 : vector<2048x1xf32> to vector<2048x8xf32>
    %div3A_6 = arith.divf %exp3A, %div3A : vector<2048x8xf32>
    %slice3A = vector.extract_strided_slice %div3A_6 {offsets = [0, 0], sizes = [2048, 1], strides = [1, 1]} : vector<2048x8xf32> to vector<2048x1xf32>
    %broadcast_in_dim3A_7 = arith.constant 0.000000e+00 : f32
    %broadcast_in_dim3A_8 = vector.broadcast %broadcast_in_dim3A_7 : f32 to vector<2048x1xf32>
    %broadcast_in_dim3A_9 = arith.constant -1.000000e+00 : f32
    %broadcast_in_dim3A_10 = vector.broadcast %broadcast_in_dim3A_9 : f32 to vector<2048x1xf32>
    %broadcast_in_dim3A_11 = arith.constant 0.000000e+00 : f32
    %broadcast_in_dim3A_12 = vector.broadcast %broadcast_in_dim3A_11 : f32 to vector<2048x1xf32>
    %slice3A_13 = vector.extract_strided_slice %div3A_6 {offsets = [0, 1], sizes = [2048, 1], strides = [1, 1]} : vector<2048x8xf32> to vector<2048x1xf32>
    %gt3A = arith.cmpf ogt, %slice3A_13, %slice3A : vector<2048x1xf32>
    %not3A = arith.constant dense<true> : vector<2048x1xi1>
    %not3A_14 = arith.xori %gt3A, %not3A : vector<2048x1xi1>
    %gt3A_15 = arith.cmpf ogt, %slice3A_13, %broadcast_in_dim3A_10 : vector<2048x1xf32>
    %and3A = arith.andi %not3A_14, %gt3A_15 : vector<2048x1xi1>
    %broadcast_in_dim3A_16 = arith.constant 1.000000e+00 : f32
    %broadcast_in_dim3A_17 = vector.broadcast %broadcast_in_dim3A_16 : f32 to vector<2048x1xf32>
    %select_n3A = arith.select %and3A, %broadcast_in_dim3A_17, %broadcast_in_dim3A_12 : vector<2048x1xi1>, vector<2048x1xf32>
    %select_n3A_18 = arith.select %gt3A, %broadcast_in_dim3A_8, %select_n3A : vector<2048x1xi1>, vector<2048x1xf32>
    %select_n3A_19 = arith.select %and3A, %slice3A_13, %broadcast_in_dim3A_10 : vector<2048x1xi1>, vector<2048x1xf32>
    %select_n3A_20 = arith.select %gt3A, %slice3A, %select_n3A_19 : vector<2048x1xi1>, vector<2048x1xf32>
    %select_n3A_21 = arith.select %gt3A, %broadcast_in_dim3A_17, %broadcast_in_dim3A_8 : vector<2048x1xi1>, vector<2048x1xf32>
    %select_n3A_22 = arith.select %gt3A, %slice3A_13, %slice3A : vector<2048x1xi1>, vector<2048x1xf32>
    %slice3A_23 = vector.extract_strided_slice %div3A_6 {offsets = [0, 2], sizes = [2048, 1], strides = [1, 1]} : vector<2048x8xf32> to vector<2048x1xf32>
    %gt3A_24 = arith.cmpf ogt, %slice3A_23, %select_n3A_22 : vector<2048x1xf32>
    %not3A_25 = arith.constant dense<true> : vector<2048x1xi1>
    %not3A_26 = arith.xori %gt3A_24, %not3A_25 : vector<2048x1xi1>
    %gt3A_27 = arith.cmpf ogt, %slice3A_23, %select_n3A_20 : vector<2048x1xf32>
    %and3A_28 = arith.andi %not3A_26, %gt3A_27 : vector<2048x1xi1>
    %broadcast_in_dim3A_29 = arith.constant 2.000000e+00 : f32
    %broadcast_in_dim3A_30 = vector.broadcast %broadcast_in_dim3A_29 : f32 to vector<2048x1xf32>
    %select_n3A_31 = arith.select %and3A_28, %broadcast_in_dim3A_30, %select_n3A_18 : vector<2048x1xi1>, vector<2048x1xf32>
    %select_n3A_32 = arith.select %gt3A_24, %select_n3A_21, %select_n3A_31 : vector<2048x1xi1>, vector<2048x1xf32>
    %select_n3A_33 = arith.select %and3A_28, %slice3A_23, %select_n3A_20 : vector<2048x1xi1>, vector<2048x1xf32>
    %select_n3A_34 = arith.select %gt3A_24, %select_n3A_22, %select_n3A_33 : vector<2048x1xi1>, vector<2048x1xf32>
    %select_n3A_35 = arith.select %gt3A_24, %broadcast_in_dim3A_30, %select_n3A_21 : vector<2048x1xi1>, vector<2048x1xf32>
    %select_n3A_36 = arith.select %gt3A_24, %slice3A_23, %select_n3A_22 : vector<2048x1xi1>, vector<2048x1xf32>
    %slice3A_37 = vector.extract_strided_slice %div3A_6 {offsets = [0, 3], sizes = [2048, 1], strides = [1, 1]} : vector<2048x8xf32> to vector<2048x1xf32>
    %gt3A_38 = arith.cmpf ogt, %slice3A_37, %select_n3A_36 : vector<2048x1xf32>
    %not3A_39 = arith.constant dense<true> : vector<2048x1xi1>
    %not3A_40 = arith.xori %gt3A_38, %not3A_39 : vector<2048x1xi1>
    %gt3A_41 = arith.cmpf ogt, %slice3A_37, %select_n3A_34 : vector<2048x1xf32>
    %and3A_42 = arith.andi %not3A_40, %gt3A_41 : vector<2048x1xi1>
    %broadcast_in_dim3A_43 = arith.constant 3.000000e+00 : f32
    %broadcast_in_dim3A_44 = vector.broadcast %broadcast_in_dim3A_43 : f32 to vector<2048x1xf32>
    %select_n3A_45 = arith.select %and3A_42, %broadcast_in_dim3A_44, %select_n3A_32 : vector<2048x1xi1>, vector<2048x1xf32>
    %select_n3A_46 = arith.select %gt3A_38, %select_n3A_35, %select_n3A_45 : vector<2048x1xi1>, vector<2048x1xf32>
    %select_n3A_47 = arith.select %and3A_42, %slice3A_37, %select_n3A_34 : vector<2048x1xi1>, vector<2048x1xf32>
    %select_n3A_48 = arith.select %gt3A_38, %select_n3A_36, %select_n3A_47 : vector<2048x1xi1>, vector<2048x1xf32>
    %select_n3A_49 = arith.select %gt3A_38, %broadcast_in_dim3A_44, %select_n3A_35 : vector<2048x1xi1>, vector<2048x1xf32>
    %select_n3A_50 = arith.select %gt3A_38, %slice3A_37, %select_n3A_36 : vector<2048x1xi1>, vector<2048x1xf32>
    %slice3A_51 = vector.extract_strided_slice %div3A_6 {offsets = [0, 4], sizes = [2048, 1], strides = [1, 1]} : vector<2048x8xf32> to vector<2048x1xf32>
    %gt3A_52 = arith.cmpf ogt, %slice3A_51, %select_n3A_50 : vector<2048x1xf32>
    %not3A_53 = arith.constant dense<true> : vector<2048x1xi1>
    %not3A_54 = arith.xori %gt3A_52, %not3A_53 : vector<2048x1xi1>
    %gt3A_55 = arith.cmpf ogt, %slice3A_51, %select_n3A_48 : vector<2048x1xf32>
    %and3A_56 = arith.andi %not3A_54, %gt3A_55 : vector<2048x1xi1>
    %broadcast_in_dim3A_57 = arith.constant 4.000000e+00 : f32
    %broadcast_in_dim3A_58 = vector.broadcast %broadcast_in_dim3A_57 : f32 to vector<2048x1xf32>
    %select_n3A_59 = arith.select %and3A_56, %broadcast_in_dim3A_58, %select_n3A_46 : vector<2048x1xi1>, vector<2048x1xf32>
    %select_n3A_60 = arith.select %gt3A_52, %select_n3A_49, %select_n3A_59 : vector<2048x1xi1>, vector<2048x1xf32>
    %select_n3A_61 = arith.select %and3A_56, %slice3A_51, %select_n3A_48 : vector<2048x1xi1>, vector<2048x1xf32>
    %select_n3A_62 = arith.select %gt3A_52, %select_n3A_50, %select_n3A_61 : vector<2048x1xi1>, vector<2048x1xf32>
    %select_n3A_63 = arith.select %gt3A_52, %broadcast_in_dim3A_58, %select_n3A_49 : vector<2048x1xi1>, vector<2048x1xf32>
    %select_n3A_64 = arith.select %gt3A_52, %slice3A_51, %select_n3A_50 : vector<2048x1xi1>, vector<2048x1xf32>
    %slice3A_65 = vector.extract_strided_slice %div3A_6 {offsets = [0, 5], sizes = [2048, 1], strides = [1, 1]} : vector<2048x8xf32> to vector<2048x1xf32>
    %gt3A_66 = arith.cmpf ogt, %slice3A_65, %select_n3A_64 : vector<2048x1xf32>
    %not3A_67 = arith.constant dense<true> : vector<2048x1xi1>
    %not3A_68 = arith.xori %gt3A_66, %not3A_67 : vector<2048x1xi1>
    %gt3A_69 = arith.cmpf ogt, %slice3A_65, %select_n3A_62 : vector<2048x1xf32>
    %and3A_70 = arith.andi %not3A_68, %gt3A_69 : vector<2048x1xi1>
    %broadcast_in_dim3A_71 = arith.constant 5.000000e+00 : f32
    %broadcast_in_dim3A_72 = vector.broadcast %broadcast_in_dim3A_71 : f32 to vector<2048x1xf32>
    %select_n3A_73 = arith.select %and3A_70, %broadcast_in_dim3A_72, %select_n3A_60 : vector<2048x1xi1>, vector<2048x1xf32>
    %select_n3A_74 = arith.select %gt3A_66, %select_n3A_63, %select_n3A_73 : vector<2048x1xi1>, vector<2048x1xf32>
    %select_n3A_75 = arith.select %and3A_70, %slice3A_65, %select_n3A_62 : vector<2048x1xi1>, vector<2048x1xf32>
    %select_n3A_76 = arith.select %gt3A_66, %select_n3A_64, %select_n3A_75 : vector<2048x1xi1>, vector<2048x1xf32>
    %select_n3A_77 = arith.select %gt3A_66, %broadcast_in_dim3A_72, %select_n3A_63 : vector<2048x1xi1>, vector<2048x1xf32>
    %select_n3A_78 = arith.select %gt3A_66, %slice3A_65, %select_n3A_64 : vector<2048x1xi1>, vector<2048x1xf32>
    %slice3A_79 = vector.extract_strided_slice %div3A_6 {offsets = [0, 6], sizes = [2048, 1], strides = [1, 1]} : vector<2048x8xf32> to vector<2048x1xf32>
    %gt3A_80 = arith.cmpf ogt, %slice3A_79, %select_n3A_78 : vector<2048x1xf32>
    %not3A_81 = arith.constant dense<true> : vector<2048x1xi1>
    %not3A_82 = arith.xori %gt3A_80, %not3A_81 : vector<2048x1xi1>
    %gt3A_83 = arith.cmpf ogt, %slice3A_79, %select_n3A_76 : vector<2048x1xf32>
    %and3A_84 = arith.andi %not3A_82, %gt3A_83 : vector<2048x1xi1>
    %broadcast_in_dim3A_85 = arith.constant 6.000000e+00 : f32
    %broadcast_in_dim3A_86 = vector.broadcast %broadcast_in_dim3A_85 : f32 to vector<2048x1xf32>
    %select_n3A_87 = arith.select %and3A_84, %broadcast_in_dim3A_86, %select_n3A_74 : vector<2048x1xi1>, vector<2048x1xf32>
    %select_n3A_88 = arith.select %gt3A_80, %select_n3A_77, %select_n3A_87 : vector<2048x1xi1>, vector<2048x1xf32>
    %select_n3A_89 = arith.select %and3A_84, %slice3A_79, %select_n3A_76 : vector<2048x1xi1>, vector<2048x1xf32>
    %select_n3A_90 = arith.select %gt3A_80, %select_n3A_78, %select_n3A_89 : vector<2048x1xi1>, vector<2048x1xf32>
    %select_n3A_91 = arith.select %gt3A_80, %broadcast_in_dim3A_86, %select_n3A_77 : vector<2048x1xi1>, vector<2048x1xf32>
    %select_n3A_92 = arith.select %gt3A_80, %slice3A_79, %select_n3A_78 : vector<2048x1xi1>, vector<2048x1xf32>
    %slice3A_93 = vector.extract_strided_slice %div3A_6 {offsets = [0, 7], sizes = [2048, 1], strides = [1, 1]} : vector<2048x8xf32> to vector<2048x1xf32>
    %gt3A_94 = arith.cmpf ogt, %slice3A_93, %select_n3A_92 : vector<2048x1xf32>
    %not3A_95 = arith.constant dense<true> : vector<2048x1xi1>
    %not3A_96 = arith.xori %gt3A_94, %not3A_95 : vector<2048x1xi1>
    %gt3A_97 = arith.cmpf ogt, %slice3A_93, %select_n3A_90 : vector<2048x1xf32>
    %and3A_98 = arith.andi %not3A_96, %gt3A_97 : vector<2048x1xi1>
    %broadcast_in_dim3A_99 = arith.constant 7.000000e+00 : f32
    %broadcast_in_dim3A_100 = vector.broadcast %broadcast_in_dim3A_99 : f32 to vector<2048x1xf32>
    %select_n3A_101 = arith.select %and3A_98, %broadcast_in_dim3A_100, %select_n3A_88 : vector<2048x1xi1>, vector<2048x1xf32>
    %select_n3A_102 = arith.select %gt3A_94, %select_n3A_91, %select_n3A_101 : vector<2048x1xi1>, vector<2048x1xf32>
    %select_n3A_103 = arith.select %and3A_98, %slice3A_93, %select_n3A_90 : vector<2048x1xi1>, vector<2048x1xf32>
    %select_n3A_104 = arith.select %gt3A_94, %select_n3A_92, %select_n3A_103 : vector<2048x1xi1>, vector<2048x1xf32>
    %select_n3A_105 = arith.select %gt3A_94, %broadcast_in_dim3A_100, %select_n3A_91 : vector<2048x1xi1>, vector<2048x1xf32>
    %select_n3A_106 = arith.select %gt3A_94, %slice3A_93, %select_n3A_92 : vector<2048x1xi1>, vector<2048x1xf32>
    %add3A = arith.addf %select_n3A_106, %select_n3A_104 : vector<2048x1xf32>
    %add3A_107 = arith.constant 9.99999971E-10 : f32
    %add3A_108 = vector.broadcast %add3A_107 : f32 to vector<2048x1xf32>
    %add3A_109 = arith.addf %add3A, %add3A_108 : vector<2048x1xf32>
    %div3A_110 = arith.divf %select_n3A_106, %add3A_109 : vector<2048x1xf32>
    %div3A_111 = arith.divf %select_n3A_104, %add3A_109 : vector<2048x1xf32>
    %iota3A = tpu.iota {dimensions = array<i32: 1>} : vector<1x8xi32>
    %convert_element_type3A = arith.sitofp %iota3A : vector<1x8xi32> to vector<1x8xf32>
    %eq3A = vector.broadcast %select_n3A_105 : vector<2048x1xf32> to vector<2048x8xf32>
    %eq3A_112 = vector.broadcast %convert_element_type3A : vector<1x8xf32> to vector<2048x8xf32>
    %eq3A_113 = arith.cmpf oeq, %eq3A, %eq3A_112 : vector<2048x8xf32>
    %convert_element_type3A_114 = arith.extui %eq3A_113 : vector<2048x8xi1> to vector<2048x8xi32>
    %convert_element_type3A_115 = arith.sitofp %convert_element_type3A_114 : vector<2048x8xi32> to vector<2048x8xf32>
    %eq3A_116 = vector.broadcast %select_n3A_102 : vector<2048x1xf32> to vector<2048x8xf32>
    %eq3A_117 = vector.broadcast %convert_element_type3A : vector<1x8xf32> to vector<2048x8xf32>
    %eq3A_118 = arith.cmpf oeq, %eq3A_116, %eq3A_117 : vector<2048x8xf32>
    %convert_element_type3A_119 = arith.extui %eq3A_118 : vector<2048x8xi1> to vector<2048x8xi32>
    %convert_element_type3A_120 = arith.sitofp %convert_element_type3A_119 : vector<2048x8xi32> to vector<2048x8xf32>
    %reduce_sum3A_121 = arith.constant dense<0.000000e+00> : vector<8xf32>
    %reduce_sum3A_122 = vector.multi_reduction <add>, %convert_element_type3A_115, %reduce_sum3A_121 [0] : vector<2048x8xf32> to vector<8xf32>
    %broadcast_in_dim3A_123 = vector.shape_cast %reduce_sum3A_122 : vector<8xf32> to vector<1x8xf32>
    %reduce_sum3A_124 = arith.constant dense<0.000000e+00> : vector<8xf32>
    %reduce_sum3A_125 = vector.multi_reduction <add>, %convert_element_type3A_120, %reduce_sum3A_124 [0] : vector<2048x8xf32> to vector<8xf32>
    %broadcast_in_dim3A_126 = vector.shape_cast %reduce_sum3A_125 : vector<8xf32> to vector<1x8xf32>
    %add3A_127 = arith.addf %broadcast_in_dim3A_123, %broadcast_in_dim3A_126 : vector<1x8xf32>
    %add3A_128 = arith.constant 2.550000e+02 : f32
    %add3A_129 = vector.broadcast %add3A_128 : f32 to vector<1x8xf32>
    %add3A_130 = arith.addf %add3A_127, %add3A_129 : vector<1x8xf32>
    %mul3A = arith.constant 3.906250e-03 : f32
    %mul3A_131 = vector.broadcast %mul3A : f32 to vector<1x8xf32>
    %mul3A_132 = arith.mulf %add3A_130, %mul3A_131 : vector<1x8xf32>
    %floor3A = math.floor %mul3A_132 : vector<1x8xf32>
    %mul3A_133 = arith.constant 2.560000e+02 : f32
    %mul3A_134 = vector.broadcast %mul3A_133 : f32 to vector<1x8xf32>
    %mul3A_135 = arith.mulf %floor3A, %mul3A_134 : vector<1x8xf32>
    %broadcast_in_dim3A_136 = arith.constant 0.000000e+00 : f32
    %broadcast_in_dim3A_137 = vector.broadcast %broadcast_in_dim3A_136 : f32 to vector<1x1xf32>
    %slice3A_138 = vector.extract_strided_slice %mul3A_135 {offsets = [0, 0], sizes = [1, 1], strides = [1, 1]} : vector<1x8xf32> to vector<1x1xf32>
    %add3A_139 = arith.addf %broadcast_in_dim3A_137, %slice3A_138 : vector<1x1xf32>
    %slice3A_140 = vector.extract_strided_slice %mul3A_135 {offsets = [0, 1], sizes = [1, 1], strides = [1, 1]} : vector<1x8xf32> to vector<1x1xf32>
    %add3A_141 = arith.addf %add3A_139, %slice3A_140 : vector<1x1xf32>
    %slice3A_142 = vector.extract_strided_slice %mul3A_135 {offsets = [0, 2], sizes = [1, 1], strides = [1, 1]} : vector<1x8xf32> to vector<1x1xf32>
    %add3A_143 = arith.addf %add3A_141, %slice3A_142 : vector<1x1xf32>
    %slice3A_144 = vector.extract_strided_slice %mul3A_135 {offsets = [0, 3], sizes = [1, 1], strides = [1, 1]} : vector<1x8xf32> to vector<1x1xf32>
    %add3A_145 = arith.addf %add3A_143, %slice3A_144 : vector<1x1xf32>
    %slice3A_146 = vector.extract_strided_slice %mul3A_135 {offsets = [0, 4], sizes = [1, 1], strides = [1, 1]} : vector<1x8xf32> to vector<1x1xf32>
    %add3A_147 = arith.addf %add3A_145, %slice3A_146 : vector<1x1xf32>
    %slice3A_148 = vector.extract_strided_slice %mul3A_135 {offsets = [0, 5], sizes = [1, 1], strides = [1, 1]} : vector<1x8xf32> to vector<1x1xf32>
    %add3A_149 = arith.addf %add3A_147, %slice3A_148 : vector<1x1xf32>
    %slice3A_150 = vector.extract_strided_slice %mul3A_135 {offsets = [0, 6], sizes = [1, 1], strides = [1, 1]} : vector<1x8xf32> to vector<1x1xf32>
    %add3A_151 = arith.addf %add3A_149, %slice3A_150 : vector<1x1xf32>
    %concatenate3A = tpu.concatenate %broadcast_in_dim3A_137, %add3A_139, %add3A_141, %add3A_143, %add3A_145, %add3A_147, %add3A_149, %add3A_151 in 1 : vector<1x1xf32>, vector<1x1xf32>, vector<1x1xf32>, vector<1x1xf32>, vector<1x1xf32>, vector<1x1xf32>, vector<1x1xf32>, vector<1x1xf32> -> vector<1x8xf32>
    %iota3A_152 = tpu.iota {dimensions = array<i32: 0>} : vector<256x256xi32>
    %iota3A_153 = tpu.iota {dimensions = array<i32: 1>} : vector<256x256xi32>
    %ge3A = arith.cmpi sge, %iota3A_152, %iota3A_153 : vector<256x256xi32>
    %convert_element_type3A_154 = arith.extui %ge3A : vector<256x256xi1> to vector<256x256xi32>
    %convert_element_type3A_155 = arith.sitofp %convert_element_type3A_154 : vector<256x256xi32> to vector<256x256xf32>
    %broadcast_in_dim3A_156 = arith.constant 0.000000e+00 : f32
    %broadcast_in_dim3A_157 = vector.broadcast %broadcast_in_dim3A_156 : f32 to vector<1x8xf32>
    %slice3A_158 = vector.extract_strided_slice %convert_element_type3A_115 {offsets = [0, 0], sizes = [256, 8], strides = [1, 1]} : vector<2048x8xf32> to vector<256x8xf32>
    %convert_element_type3A_159 = arith.truncf %convert_element_type3A_155 : vector<256x256xf32> to vector<256x256xbf16>
    %convert_element_type3A_160 = arith.truncf %slice3A_158 : vector<256x8xf32> to vector<256x8xbf16>
    %dot_general3A = arith.constant dense<0.000000e+00> : vector<256x8xf32>
    %dot_general3A_161 = tpu.matmul %convert_element_type3A_159, %convert_element_type3A_160, %dot_general3A {dimension_numbers = #tpu.dot_dimension_numbers<[1], [0], [0], [1], [0, 0, 1, 1], [], []>, transpose_lhs_hint = false} : vector<256x256xbf16>, vector<256x8xbf16>, vector<256x8xf32> -> vector<256x8xf32>
    %add3A_162 = vector.broadcast %broadcast_in_dim3A_157 : vector<1x8xf32> to vector<256x8xf32>
    %add3A_163 = arith.addf %dot_general3A_161, %add3A_162 : vector<256x8xf32>
    %sub3A_164 = arith.constant 1.000000e+00 : f32
    %sub3A_165 = vector.broadcast %sub3A_164 : f32 to vector<256x8xf32>
    %sub3A_166 = arith.subf %add3A_163, %sub3A_165 : vector<256x8xf32>
    %mul3A_167 = arith.mulf %sub3A_166, %slice3A_158 : vector<256x8xf32>
    %reduce_sum3A_168 = arith.constant dense<0.000000e+00> : vector<256xf32>
    %reduce_sum3A_169 = vector.multi_reduction <add>, %mul3A_167, %reduce_sum3A_168 [1] : vector<256x8xf32> to vector<256xf32>
    %broadcast_in_dim3A_170 = vector.shape_cast %reduce_sum3A_169 : vector<256xf32> to vector<256x1xf32>
    %mul3A_171 = vector.broadcast %concatenate3A : vector<1x8xf32> to vector<256x8xf32>
    %mul3A_172 = arith.mulf %mul3A_171, %slice3A_158 : vector<256x8xf32>
    %reduce_sum3A_173 = arith.constant dense<0.000000e+00> : vector<256xf32>
    %reduce_sum3A_174 = vector.multi_reduction <add>, %mul3A_172, %reduce_sum3A_173 [1] : vector<256x8xf32> to vector<256xf32>
    %broadcast_in_dim3A_175 = vector.shape_cast %reduce_sum3A_174 : vector<256xf32> to vector<256x1xf32>
    %add3A_176 = arith.addf %broadcast_in_dim3A_175, %broadcast_in_dim3A_170 : vector<256x1xf32>
    %convert_element_type3A_177 = arith.fptosi %add3A_176 : vector<256x1xf32> to vector<256x1xi32>
    %swap3A = arith.constant 0 : index
    %swap3A_178 = arith.constant 0 : index
    %swap3A_179 = vector.load %arg1[%swap3A, %swap3A_178] : memref<4096x1xi32, #tpu.memory_space<vmem>>, vector<256x1xi32>
    tpu.vector_store %arg1[%swap3A, %swap3A_178], %convert_element_type3A_177 {strides = array<i32>} : memref<4096x1xi32, #tpu.memory_space<vmem>>, vector<256x1xi32>,
    %slice3A_180 = vector.extract_strided_slice %div3A_110 {offsets = [0, 0], sizes = [256, 1], strides = [1, 1]} : vector<2048x1xf32> to vector<256x1xf32>
    %swap3A_181 = arith.constant 0 : index
    %swap3A_182 = arith.constant 0 : index
    %swap3A_183 = vector.load %arg2[%swap3A_181, %swap3A_182] : memref<4096x1xf32, #tpu.memory_space<vmem>>, vector<256x1xf32>
    tpu.vector_store %arg2[%swap3A_181, %swap3A_182], %slice3A_180 {strides = array<i32>} : memref<4096x1xf32, #tpu.memory_space<vmem>>, vector<256x1xf32>,
    %reduce_sum3A_184 = arith.constant dense<0.000000e+00> : vector<8xf32>
    %reduce_sum3A_185 = vector.multi_reduction <add>, %slice3A_158, %reduce_sum3A_184 [0] : vector<256x8xf32> to vector<8xf32>
    %broadcast_in_dim3A_186 = vector.shape_cast %reduce_sum3A_185 : vector<8xf32> to vector<1x8xf32>
    %add3A_187 = arith.addf %broadcast_in_dim3A_157, %broadcast_in_dim3A_186 : vector<1x8xf32>
    %slice3A_188 = vector.extract_strided_slice %convert_element_type3A_115 {offsets = [256, 0], sizes = [256, 8], strides = [1, 1]} : vector<2048x8xf32> to vector<256x8xf32>
    %convert_element_type3A_189 = arith.truncf %convert_element_type3A_155 : vector<256x256xf32> to vector<256x256xbf16>
    %convert_element_type3A_190 = arith.truncf %slice3A_188 : vector<256x8xf32> to vector<256x8xbf16>
    %dot_general3A_191 = arith.constant dense<0.000000e+00> : vector<256x8xf32>
    %dot_general3A_192 = tpu.matmul %convert_element_type3A_189, %convert_element_type3A_190, %dot_general3A_191 {dimension_numbers = #tpu.dot_dimension_numbers<[1], [0], [0], [1], [0, 0, 1, 1], [], []>, transpose_lhs_hint = false} : vector<256x256xbf16>, vector<256x8xbf16>, vector<256x8xf32> -> vector<256x8xf32>
    %add3A_193 = vector.broadcast %add3A_187 : vector<1x8xf32> to vector<256x8xf32>
    %add3A_194 = arith.addf %dot_general3A_192, %add3A_193 : vector<256x8xf32>
    %sub3A_195 = arith.constant 1.000000e+00 : f32
    %sub3A_196 = vector.broadcast %sub3A_195 : f32 to vector<256x8xf32>
    %sub3A_197 = arith.subf %add3A_194, %sub3A_196 : vector<256x8xf32>
    %mul3A_198 = arith.mulf %sub3A_197, %slice3A_188 : vector<256x8xf32>
    %reduce_sum3A_199 = arith.constant dense<0.000000e+00> : vector<256xf32>
    %reduce_sum3A_200 = vector.multi_reduction <add>, %mul3A_198, %reduce_sum3A_199 [1] : vector<256x8xf32> to vector<256xf32>
    %broadcast_in_dim3A_201 = vector.shape_cast %reduce_sum3A_200 : vector<256xf32> to vector<256x1xf32>
    %mul3A_202 = vector.broadcast %concatenate3A : vector<1x8xf32> to vector<256x8xf32>
    %mul3A_203 = arith.mulf %mul3A_202, %slice3A_188 : vector<256x8xf32>
    %reduce_sum3A_204 = arith.constant dense<0.000000e+00> : vector<256xf32>
    %reduce_sum3A_205 = vector.multi_reduction <add>, %mul3A_203, %reduce_sum3A_204 [1] : vector<256x8xf32> to vector<256xf32>
    %broadcast_in_dim3A_206 = vector.shape_cast %reduce_sum3A_205 : vector<256xf32> to vector<256x1xf32>
    %add3A_207 = arith.addf %broadcast_in_dim3A_206, %broadcast_in_dim3A_201 : vector<256x1xf32>
    %convert_element_type3A_208 = arith.fptosi %add3A_207 : vector<256x1xf32> to vector<256x1xi32>
    %swap3A_209 = arith.constant 256 : index
    %swap3A_210 = arith.constant 0 : index
    %swap3A_211 = vector.load %arg1[%swap3A_209, %swap3A_210] : memref<4096x1xi32, #tpu.memory_space<vmem>>, vector<256x1xi32>
    tpu.vector_store %arg1[%swap3A_209, %swap3A_210], %convert_element_type3A_208 {strides = array<i32>} : memref<4096x1xi32, #tpu.memory_space<vmem>>, vector<256x1xi32>,
    %slice3A_212 = vector.extract_strided_slice %div3A_110 {offsets = [256, 0], sizes = [256, 1], strides = [1, 1]} : vector<2048x1xf32> to vector<256x1xf32>
    %swap3A_213 = arith.constant 256 : index
    %swap3A_214 = arith.constant 0 : index
    %swap3A_215 = vector.load %arg2[%swap3A_213, %swap3A_214] : memref<4096x1xf32, #tpu.memory_space<vmem>>, vector<256x1xf32>
    tpu.vector_store %arg2[%swap3A_213, %swap3A_214], %slice3A_212 {strides = array<i32>} : memref<4096x1xf32, #tpu.memory_space<vmem>>, vector<256x1xf32>,
    %reduce_sum3A_216 = arith.constant dense<0.000000e+00> : vector<8xf32>
    %reduce_sum3A_217 = vector.multi_reduction <add>, %slice3A_188, %reduce_sum3A_216 [0] : vector<256x8xf32> to vector<8xf32>
    %broadcast_in_dim3A_218 = vector.shape_cast %reduce_sum3A_217 : vector<8xf32> to vector<1x8xf32>
    %add3A_219 = arith.addf %add3A_187, %broadcast_in_dim3A_218 : vector<1x8xf32>
    %slice3A_220 = vector.extract_strided_slice %convert_element_type3A_115 {offsets = [512, 0], sizes = [256, 8], strides = [1, 1]} : vector<2048x8xf32> to vector<256x8xf32>
    %convert_element_type3A_221 = arith.truncf %convert_element_type3A_155 : vector<256x256xf32> to vector<256x256xbf16>
    %convert_element_type3A_222 = arith.truncf %slice3A_220 : vector<256x8xf32> to vector<256x8xbf16>
    %dot_general3A_223 = arith.constant dense<0.000000e+00> : vector<256x8xf32>
    %dot_general3A_224 = tpu.matmul %convert_element_type3A_221, %convert_element_type3A_222, %dot_general3A_223 {dimension_numbers = #tpu.dot_dimension_numbers<[1], [0], [0], [1], [0, 0, 1, 1], [], []>, transpose_lhs_hint = false} : vector<256x256xbf16>, vector<256x8xbf16>, vector<256x8xf32> -> vector<256x8xf32>
    %add3A_225 = vector.broadcast %add3A_219 : vector<1x8xf32> to vector<256x8xf32>
    %add3A_226 = arith.addf %dot_general3A_224, %add3A_225 : vector<256x8xf32>
    %sub3A_227 = arith.constant 1.000000e+00 : f32
    %sub3A_228 = vector.broadcast %sub3A_227 : f32 to vector<256x8xf32>
    %sub3A_229 = arith.subf %add3A_226, %sub3A_228 : vector<256x8xf32>
    %mul3A_230 = arith.mulf %sub3A_229, %slice3A_220 : vector<256x8xf32>
    %reduce_sum3A_231 = arith.constant dense<0.000000e+00> : vector<256xf32>
    %reduce_sum3A_232 = vector.multi_reduction <add>, %mul3A_230, %reduce_sum3A_231 [1] : vector<256x8xf32> to vector<256xf32>
    %broadcast_in_dim3A_233 = vector.shape_cast %reduce_sum3A_232 : vector<256xf32> to vector<256x1xf32>
    %mul3A_234 = vector.broadcast %concatenate3A : vector<1x8xf32> to vector<256x8xf32>
    %mul3A_235 = arith.mulf %mul3A_234, %slice3A_220 : vector<256x8xf32>
    %reduce_sum3A_236 = arith.constant dense<0.000000e+00> : vector<256xf32>
    %reduce_sum3A_237 = vector.multi_reduction <add>, %mul3A_235, %reduce_sum3A_236 [1] : vector<256x8xf32> to vector<256xf32>
    %broadcast_in_dim3A_238 = vector.shape_cast %reduce_sum3A_237 : vector<256xf32> to vector<256x1xf32>
    %add3A_239 = arith.addf %broadcast_in_dim3A_238, %broadcast_in_dim3A_233 : vector<256x1xf32>
    %convert_element_type3A_240 = arith.fptosi %add3A_239 : vector<256x1xf32> to vector<256x1xi32>
    %swap3A_241 = arith.constant 512 : index
    %swap3A_242 = arith.constant 0 : index
    %swap3A_243 = vector.load %arg1[%swap3A_241, %swap3A_242] : memref<4096x1xi32, #tpu.memory_space<vmem>>, vector<256x1xi32>
    tpu.vector_store %arg1[%swap3A_241, %swap3A_242], %convert_element_type3A_240 {strides = array<i32>} : memref<4096x1xi32, #tpu.memory_space<vmem>>, vector<256x1xi32>,
    %slice3A_244 = vector.extract_strided_slice %div3A_110 {offsets = [512, 0], sizes = [256, 1], strides = [1, 1]} : vector<2048x1xf32> to vector<256x1xf32>
    %swap3A_245 = arith.constant 512 : index
    %swap3A_246 = arith.constant 0 : index
    %swap3A_247 = vector.load %arg2[%swap3A_245, %swap3A_246] : memref<4096x1xf32, #tpu.memory_space<vmem>>, vector<256x1xf32>
    tpu.vector_store %arg2[%swap3A_245, %swap3A_246], %slice3A_244 {strides = array<i32>} : memref<4096x1xf32, #tpu.memory_space<vmem>>, vector<256x1xf32>,
    %reduce_sum3A_248 = arith.constant dense<0.000000e+00> : vector<8xf32>
    %reduce_sum3A_249 = vector.multi_reduction <add>, %slice3A_220, %reduce_sum3A_248 [0] : vector<256x8xf32> to vector<8xf32>
    %broadcast_in_dim3A_250 = vector.shape_cast %reduce_sum3A_249 : vector<8xf32> to vector<1x8xf32>
    %add3A_251 = arith.addf %add3A_219, %broadcast_in_dim3A_250 : vector<1x8xf32>
    %slice3A_252 = vector.extract_strided_slice %convert_element_type3A_115 {offsets = [768, 0], sizes = [256, 8], strides = [1, 1]} : vector<2048x8xf32> to vector<256x8xf32>
    %convert_element_type3A_253 = arith.truncf %convert_element_type3A_155 : vector<256x256xf32> to vector<256x256xbf16>
    %convert_element_type3A_254 = arith.truncf %slice3A_252 : vector<256x8xf32> to vector<256x8xbf16>
    %dot_general3A_255 = arith.constant dense<0.000000e+00> : vector<256x8xf32>
    %dot_general3A_256 = tpu.matmul %convert_element_type3A_253, %convert_element_type3A_254, %dot_general3A_255 {dimension_numbers = #tpu.dot_dimension_numbers<[1], [0], [0], [1], [0, 0, 1, 1], [], []>, transpose_lhs_hint = false} : vector<256x256xbf16>, vector<256x8xbf16>, vector<256x8xf32> -> vector<256x8xf32>
    %add3A_257 = vector.broadcast %add3A_251 : vector<1x8xf32> to vector<256x8xf32>
    %add3A_258 = arith.addf %dot_general3A_256, %add3A_257 : vector<256x8xf32>
    %sub3A_259 = arith.constant 1.000000e+00 : f32
    %sub3A_260 = vector.broadcast %sub3A_259 : f32 to vector<256x8xf32>
    %sub3A_261 = arith.subf %add3A_258, %sub3A_260 : vector<256x8xf32>
    %mul3A_262 = arith.mulf %sub3A_261, %slice3A_252 : vector<256x8xf32>
    %reduce_sum3A_263 = arith.constant dense<0.000000e+00> : vector<256xf32>
    %reduce_sum3A_264 = vector.multi_reduction <add>, %mul3A_262, %reduce_sum3A_263 [1] : vector<256x8xf32> to vector<256xf32>
    %broadcast_in_dim3A_265 = vector.shape_cast %reduce_sum3A_264 : vector<256xf32> to vector<256x1xf32>
    %mul3A_266 = vector.broadcast %concatenate3A : vector<1x8xf32> to vector<256x8xf32>
    %mul3A_267 = arith.mulf %mul3A_266, %slice3A_252 : vector<256x8xf32>
    %reduce_sum3A_268 = arith.constant dense<0.000000e+00> : vector<256xf32>
    %reduce_sum3A_269 = vector.multi_reduction <add>, %mul3A_267, %reduce_sum3A_268 [1] : vector<256x8xf32> to vector<256xf32>
    %broadcast_in_dim3A_270 = vector.shape_cast %reduce_sum3A_269 : vector<256xf32> to vector<256x1xf32>
    %add3A_271 = arith.addf %broadcast_in_dim3A_270, %broadcast_in_dim3A_265 : vector<256x1xf32>
    %convert_element_type3A_272 = arith.fptosi %add3A_271 : vector<256x1xf32> to vector<256x1xi32>
    %swap3A_273 = arith.constant 768 : index
    %swap3A_274 = arith.constant 0 : index
    %swap3A_275 = vector.load %arg1[%swap3A_273, %swap3A_274] : memref<4096x1xi32, #tpu.memory_space<vmem>>, vector<256x1xi32>
    tpu.vector_store %arg1[%swap3A_273, %swap3A_274], %convert_element_type3A_272 {strides = array<i32>} : memref<4096x1xi32, #tpu.memory_space<vmem>>, vector<256x1xi32>,
    %slice3A_276 = vector.extract_strided_slice %div3A_110 {offsets = [768, 0], sizes = [256, 1], strides = [1, 1]} : vector<2048x1xf32> to vector<256x1xf32>
    %swap3A_277 = arith.constant 768 : index
    %swap3A_278 = arith.constant 0 : index
    %swap3A_279 = vector.load %arg2[%swap3A_277, %swap3A_278] : memref<4096x1xf32, #tpu.memory_space<vmem>>, vector<256x1xf32>
    tpu.vector_store %arg2[%swap3A_277, %swap3A_278], %slice3A_276 {strides = array<i32>} : memref<4096x1xf32, #tpu.memory_space<vmem>>, vector<256x1xf32>,
    %reduce_sum3A_280 = arith.constant dense<0.000000e+00> : vector<8xf32>
    %reduce_sum3A_281 = vector.multi_reduction <add>, %slice3A_252, %reduce_sum3A_280 [0] : vector<256x8xf32> to vector<8xf32>
    %broadcast_in_dim3A_282 = vector.shape_cast %reduce_sum3A_281 : vector<8xf32> to vector<1x8xf32>
    %add3A_283 = arith.addf %add3A_251, %broadcast_in_dim3A_282 : vector<1x8xf32>
    %slice3A_284 = vector.extract_strided_slice %convert_element_type3A_115 {offsets = [1024, 0], sizes = [256, 8], strides = [1, 1]} : vector<2048x8xf32> to vector<256x8xf32>
    %convert_element_type3A_285 = arith.truncf %convert_element_type3A_155 : vector<256x256xf32> to vector<256x256xbf16>
    %convert_element_type3A_286 = arith.truncf %slice3A_284 : vector<256x8xf32> to vector<256x8xbf16>
    %dot_general3A_287 = arith.constant dense<0.000000e+00> : vector<256x8xf32>
    %dot_general3A_288 = tpu.matmul %convert_element_type3A_285, %convert_element_type3A_286, %dot_general3A_287 {dimension_numbers = #tpu.dot_dimension_numbers<[1], [0], [0], [1], [0, 0, 1, 1], [], []>, transpose_lhs_hint = false} : vector<256x256xbf16>, vector<256x8xbf16>, vector<256x8xf32> -> vector<256x8xf32>
    %add3A_289 = vector.broadcast %add3A_283 : vector<1x8xf32> to vector<256x8xf32>
    %add3A_290 = arith.addf %dot_general3A_288, %add3A_289 : vector<256x8xf32>
    %sub3A_291 = arith.constant 1.000000e+00 : f32
    %sub3A_292 = vector.broadcast %sub3A_291 : f32 to vector<256x8xf32>
    %sub3A_293 = arith.subf %add3A_290, %sub3A_292 : vector<256x8xf32>
    %mul3A_294 = arith.mulf %sub3A_293, %slice3A_284 : vector<256x8xf32>
    %reduce_sum3A_295 = arith.constant dense<0.000000e+00> : vector<256xf32>
    %reduce_sum3A_296 = vector.multi_reduction <add>, %mul3A_294, %reduce_sum3A_295 [1] : vector<256x8xf32> to vector<256xf32>
    %broadcast_in_dim3A_297 = vector.shape_cast %reduce_sum3A_296 : vector<256xf32> to vector<256x1xf32>
    %mul3A_298 = vector.broadcast %concatenate3A : vector<1x8xf32> to vector<256x8xf32>
    %mul3A_299 = arith.mulf %mul3A_298, %slice3A_284 : vector<256x8xf32>
    %reduce_sum3A_300 = arith.constant dense<0.000000e+00> : vector<256xf32>
    %reduce_sum3A_301 = vector.multi_reduction <add>, %mul3A_299, %reduce_sum3A_300 [1] : vector<256x8xf32> to vector<256xf32>
    %broadcast_in_dim3A_302 = vector.shape_cast %reduce_sum3A_301 : vector<256xf32> to vector<256x1xf32>
    %add3A_303 = arith.addf %broadcast_in_dim3A_302, %broadcast_in_dim3A_297 : vector<256x1xf32>
    %convert_element_type3A_304 = arith.fptosi %add3A_303 : vector<256x1xf32> to vector<256x1xi32>
    %swap3A_305 = arith.constant 1024 : index
    %swap3A_306 = arith.constant 0 : index
    %swap3A_307 = vector.load %arg1[%swap3A_305, %swap3A_306] : memref<4096x1xi32, #tpu.memory_space<vmem>>, vector<256x1xi32>
    tpu.vector_store %arg1[%swap3A_305, %swap3A_306], %convert_element_type3A_304 {strides = array<i32>} : memref<4096x1xi32, #tpu.memory_space<vmem>>, vector<256x1xi32>,
    %slice3A_308 = vector.extract_strided_slice %div3A_110 {offsets = [1024, 0], sizes = [256, 1], strides = [1, 1]} : vector<2048x1xf32> to vector<256x1xf32>
    %swap3A_309 = arith.constant 1024 : index
    %swap3A_310 = arith.constant 0 : index
    %swap3A_311 = vector.load %arg2[%swap3A_309, %swap3A_310] : memref<4096x1xf32, #tpu.memory_space<vmem>>, vector<256x1xf32>
    tpu.vector_store %arg2[%swap3A_309, %swap3A_310], %slice3A_308 {strides = array<i32>} : memref<4096x1xf32, #tpu.memory_space<vmem>>, vector<256x1xf32>,
    %reduce_sum3A_312 = arith.constant dense<0.000000e+00> : vector<8xf32>
    %reduce_sum3A_313 = vector.multi_reduction <add>, %slice3A_284, %reduce_sum3A_312 [0] : vector<256x8xf32> to vector<8xf32>
    %broadcast_in_dim3A_314 = vector.shape_cast %reduce_sum3A_313 : vector<8xf32> to vector<1x8xf32>
    %add3A_315 = arith.addf %add3A_283, %broadcast_in_dim3A_314 : vector<1x8xf32>
    %slice3A_316 = vector.extract_strided_slice %convert_element_type3A_115 {offsets = [1280, 0], sizes = [256, 8], strides = [1, 1]} : vector<2048x8xf32> to vector<256x8xf32>
    %convert_element_type3A_317 = arith.truncf %convert_element_type3A_155 : vector<256x256xf32> to vector<256x256xbf16>
    %convert_element_type3A_318 = arith.truncf %slice3A_316 : vector<256x8xf32> to vector<256x8xbf16>
    %dot_general3A_319 = arith.constant dense<0.000000e+00> : vector<256x8xf32>
    %dot_general3A_320 = tpu.matmul %convert_element_type3A_317, %convert_element_type3A_318, %dot_general3A_319 {dimension_numbers = #tpu.dot_dimension_numbers<[1], [0], [0], [1], [0, 0, 1, 1], [], []>, transpose_lhs_hint = false} : vector<256x256xbf16>, vector<256x8xbf16>, vector<256x8xf32> -> vector<256x8xf32>
    %add3A_321 = vector.broadcast %add3A_315 : vector<1x8xf32> to vector<256x8xf32>
    %add3A_322 = arith.addf %dot_general3A_320, %add3A_321 : vector<256x8xf32>
    %sub3A_323 = arith.constant 1.000000e+00 : f32
    %sub3A_324 = vector.broadcast %sub3A_323 : f32 to vector<256x8xf32>
    %sub3A_325 = arith.subf %add3A_322, %sub3A_324 : vector<256x8xf32>
    %mul3A_326 = arith.mulf %sub3A_325, %slice3A_316 : vector<256x8xf32>
    %reduce_sum3A_327 = arith.constant dense<0.000000e+00> : vector<256xf32>
    %reduce_sum3A_328 = vector.multi_reduction <add>, %mul3A_326, %reduce_sum3A_327 [1] : vector<256x8xf32> to vector<256xf32>
    %broadcast_in_dim3A_329 = vector.shape_cast %reduce_sum3A_328 : vector<256xf32> to vector<256x1xf32>
    %mul3A_330 = vector.broadcast %concatenate3A : vector<1x8xf32> to vector<256x8xf32>
    %mul3A_331 = arith.mulf %mul3A_330, %slice3A_316 : vector<256x8xf32>
    %reduce_sum3A_332 = arith.constant dense<0.000000e+00> : vector<256xf32>
    %reduce_sum3A_333 = vector.multi_reduction <add>, %mul3A_331, %reduce_sum3A_332 [1] : vector<256x8xf32> to vector<256xf32>
    %broadcast_in_dim3A_334 = vector.shape_cast %reduce_sum3A_333 : vector<256xf32> to vector<256x1xf32>
    %add3A_335 = arith.addf %broadcast_in_dim3A_334, %broadcast_in_dim3A_329 : vector<256x1xf32>
    %convert_element_type3A_336 = arith.fptosi %add3A_335 : vector<256x1xf32> to vector<256x1xi32>
    %swap3A_337 = arith.constant 1280 : index
    %swap3A_338 = arith.constant 0 : index
    %swap3A_339 = vector.load %arg1[%swap3A_337, %swap3A_338] : memref<4096x1xi32, #tpu.memory_space<vmem>>, vector<256x1xi32>
    tpu.vector_store %arg1[%swap3A_337, %swap3A_338], %convert_element_type3A_336 {strides = array<i32>} : memref<4096x1xi32, #tpu.memory_space<vmem>>, vector<256x1xi32>,
    %slice3A_340 = vector.extract_strided_slice %div3A_110 {offsets = [1280, 0], sizes = [256, 1], strides = [1, 1]} : vector<2048x1xf32> to vector<256x1xf32>
    %swap3A_341 = arith.constant 1280 : index
    %swap3A_342 = arith.constant 0 : index
    %swap3A_343 = vector.load %arg2[%swap3A_341, %swap3A_342] : memref<4096x1xf32, #tpu.memory_space<vmem>>, vector<256x1xf32>
    tpu.vector_store %arg2[%swap3A_341, %swap3A_342], %slice3A_340 {strides = array<i32>} : memref<4096x1xf32, #tpu.memory_space<vmem>>, vector<256x1xf32>,
    %reduce_sum3A_344 = arith.constant dense<0.000000e+00> : vector<8xf32>
    %reduce_sum3A_345 = vector.multi_reduction <add>, %slice3A_316, %reduce_sum3A_344 [0] : vector<256x8xf32> to vector<8xf32>
    %broadcast_in_dim3A_346 = vector.shape_cast %reduce_sum3A_345 : vector<8xf32> to vector<1x8xf32>
    %add3A_347 = arith.addf %add3A_315, %broadcast_in_dim3A_346 : vector<1x8xf32>
    %slice3A_348 = vector.extract_strided_slice %convert_element_type3A_115 {offsets = [1536, 0], sizes = [256, 8], strides = [1, 1]} : vector<2048x8xf32> to vector<256x8xf32>
    %convert_element_type3A_349 = arith.truncf %convert_element_type3A_155 : vector<256x256xf32> to vector<256x256xbf16>
    %convert_element_type3A_350 = arith.truncf %slice3A_348 : vector<256x8xf32> to vector<256x8xbf16>
    %dot_general3A_351 = arith.constant dense<0.000000e+00> : vector<256x8xf32>
    %dot_general3A_352 = tpu.matmul %convert_element_type3A_349, %convert_element_type3A_350, %dot_general3A_351 {dimension_numbers = #tpu.dot_dimension_numbers<[1], [0], [0], [1], [0, 0, 1, 1], [], []>, transpose_lhs_hint = false} : vector<256x256xbf16>, vector<256x8xbf16>, vector<256x8xf32> -> vector<256x8xf32>
    %add3A_353 = vector.broadcast %add3A_347 : vector<1x8xf32> to vector<256x8xf32>
    %add3A_354 = arith.addf %dot_general3A_352, %add3A_353 : vector<256x8xf32>
    %sub3A_355 = arith.constant 1.000000e+00 : f32
    %sub3A_356 = vector.broadcast %sub3A_355 : f32 to vector<256x8xf32>
    %sub3A_357 = arith.subf %add3A_354, %sub3A_356 : vector<256x8xf32>
    %mul3A_358 = arith.mulf %sub3A_357, %slice3A_348 : vector<256x8xf32>
    %reduce_sum3A_359 = arith.constant dense<0.000000e+00> : vector<256xf32>
    %reduce_sum3A_360 = vector.multi_reduction <add>, %mul3A_358, %reduce_sum3A_359 [1] : vector<256x8xf32> to vector<256xf32>
    %broadcast_in_dim3A_361 = vector.shape_cast %reduce_sum3A_360 : vector<256xf32> to vector<256x1xf32>
    %mul3A_362 = vector.broadcast %concatenate3A : vector<1x8xf32> to vector<256x8xf32>
    %mul3A_363 = arith.mulf %mul3A_362, %slice3A_348 : vector<256x8xf32>
    %reduce_sum3A_364 = arith.constant dense<0.000000e+00> : vector<256xf32>
    %reduce_sum3A_365 = vector.multi_reduction <add>, %mul3A_363, %reduce_sum3A_364 [1] : vector<256x8xf32> to vector<256xf32>
    %broadcast_in_dim3A_366 = vector.shape_cast %reduce_sum3A_365 : vector<256xf32> to vector<256x1xf32>
    %add3A_367 = arith.addf %broadcast_in_dim3A_366, %broadcast_in_dim3A_361 : vector<256x1xf32>
    %convert_element_type3A_368 = arith.fptosi %add3A_367 : vector<256x1xf32> to vector<256x1xi32>
    %swap3A_369 = arith.constant 1536 : index
    %swap3A_370 = arith.constant 0 : index
    %swap3A_371 = vector.load %arg1[%swap3A_369, %swap3A_370] : memref<4096x1xi32, #tpu.memory_space<vmem>>, vector<256x1xi32>
    tpu.vector_store %arg1[%swap3A_369, %swap3A_370], %convert_element_type3A_368 {strides = array<i32>} : memref<4096x1xi32, #tpu.memory_space<vmem>>, vector<256x1xi32>,
    %slice3A_372 = vector.extract_strided_slice %div3A_110 {offsets = [1536, 0], sizes = [256, 1], strides = [1, 1]} : vector<2048x1xf32> to vector<256x1xf32>
    %swap3A_373 = arith.constant 1536 : index
    %swap3A_374 = arith.constant 0 : index
    %swap3A_375 = vector.load %arg2[%swap3A_373, %swap3A_374] : memref<4096x1xf32, #tpu.memory_space<vmem>>, vector<256x1xf32>
    tpu.vector_store %arg2[%swap3A_373, %swap3A_374], %slice3A_372 {strides = array<i32>} : memref<4096x1xf32, #tpu.memory_space<vmem>>, vector<256x1xf32>,
    %reduce_sum3A_376 = arith.constant dense<0.000000e+00> : vector<8xf32>
    %reduce_sum3A_377 = vector.multi_reduction <add>, %slice3A_348, %reduce_sum3A_376 [0] : vector<256x8xf32> to vector<8xf32>
    %broadcast_in_dim3A_378 = vector.shape_cast %reduce_sum3A_377 : vector<8xf32> to vector<1x8xf32>
    %add3A_379 = arith.addf %add3A_347, %broadcast_in_dim3A_378 : vector<1x8xf32>
    %slice3A_380 = vector.extract_strided_slice %convert_element_type3A_115 {offsets = [1792, 0], sizes = [256, 8], strides = [1, 1]} : vector<2048x8xf32> to vector<256x8xf32>
    %convert_element_type3A_381 = arith.truncf %convert_element_type3A_155 : vector<256x256xf32> to vector<256x256xbf16>
    %convert_element_type3A_382 = arith.truncf %slice3A_380 : vector<256x8xf32> to vector<256x8xbf16>
    %dot_general3A_383 = arith.constant dense<0.000000e+00> : vector<256x8xf32>
    %dot_general3A_384 = tpu.matmul %convert_element_type3A_381, %convert_element_type3A_382, %dot_general3A_383 {dimension_numbers = #tpu.dot_dimension_numbers<[1], [0], [0], [1], [0, 0, 1, 1], [], []>, transpose_lhs_hint = false} : vector<256x256xbf16>, vector<256x8xbf16>, vector<256x8xf32> -> vector<256x8xf32>
    %add3A_385 = vector.broadcast %add3A_379 : vector<1x8xf32> to vector<256x8xf32>
    %add3A_386 = arith.addf %dot_general3A_384, %add3A_385 : vector<256x8xf32>
    %sub3A_387 = arith.constant 1.000000e+00 : f32
    %sub3A_388 = vector.broadcast %sub3A_387 : f32 to vector<256x8xf32>
    %sub3A_389 = arith.subf %add3A_386, %sub3A_388 : vector<256x8xf32>
    %mul3A_390 = arith.mulf %sub3A_389, %slice3A_380 : vector<256x8xf32>
    %reduce_sum3A_391 = arith.constant dense<0.000000e+00> : vector<256xf32>
    %reduce_sum3A_392 = vector.multi_reduction <add>, %mul3A_390, %reduce_sum3A_391 [1] : vector<256x8xf32> to vector<256xf32>
    %broadcast_in_dim3A_393 = vector.shape_cast %reduce_sum3A_392 : vector<256xf32> to vector<256x1xf32>
    %mul3A_394 = vector.broadcast %concatenate3A : vector<1x8xf32> to vector<256x8xf32>
    %mul3A_395 = arith.mulf %mul3A_394, %slice3A_380 : vector<256x8xf32>
    %reduce_sum3A_396 = arith.constant dense<0.000000e+00> : vector<256xf32>
    %reduce_sum3A_397 = vector.multi_reduction <add>, %mul3A_395, %reduce_sum3A_396 [1] : vector<256x8xf32> to vector<256xf32>
    %broadcast_in_dim3A_398 = vector.shape_cast %reduce_sum3A_397 : vector<256xf32> to vector<256x1xf32>
    %add3A_399 = arith.addf %broadcast_in_dim3A_398, %broadcast_in_dim3A_393 : vector<256x1xf32>
    %convert_element_type3A_400 = arith.fptosi %add3A_399 : vector<256x1xf32> to vector<256x1xi32>
    %swap3A_401 = arith.constant 1792 : index
    %swap3A_402 = arith.constant 0 : index
    %swap3A_403 = vector.load %arg1[%swap3A_401, %swap3A_402] : memref<4096x1xi32, #tpu.memory_space<vmem>>, vector<256x1xi32>
    tpu.vector_store %arg1[%swap3A_401, %swap3A_402], %convert_element_type3A_400 {strides = array<i32>} : memref<4096x1xi32, #tpu.memory_space<vmem>>, vector<256x1xi32>,
    %slice3A_404 = vector.extract_strided_slice %div3A_110 {offsets = [1792, 0], sizes = [256, 1], strides = [1, 1]} : vector<2048x1xf32> to vector<256x1xf32>
    %swap3A_405 = arith.constant 1792 : index
    %swap3A_406 = arith.constant 0 : index
    %swap3A_407 = vector.load %arg2[%swap3A_405, %swap3A_406] : memref<4096x1xf32, #tpu.memory_space<vmem>>, vector<256x1xf32>
    tpu.vector_store %arg2[%swap3A_405, %swap3A_406], %slice3A_404 {strides = array<i32>} : memref<4096x1xf32, #tpu.memory_space<vmem>>, vector<256x1xf32>,
    %reduce_sum3A_408 = arith.constant dense<0.000000e+00> : vector<8xf32>
    %reduce_sum3A_409 = vector.multi_reduction <add>, %slice3A_380, %reduce_sum3A_408 [0] : vector<256x8xf32> to vector<8xf32>
    %broadcast_in_dim3A_410 = vector.shape_cast %reduce_sum3A_409 : vector<8xf32> to vector<1x8xf32>
    %add3A_411 = arith.addf %add3A_379, %broadcast_in_dim3A_410 : vector<1x8xf32>
    %slice3A_412 = vector.extract_strided_slice %convert_element_type3A_120 {offsets = [0, 0], sizes = [256, 8], strides = [1, 1]} : vector<2048x8xf32> to vector<256x8xf32>
    %convert_element_type3A_413 = arith.truncf %convert_element_type3A_155 : vector<256x256xf32> to vector<256x256xbf16>
    %convert_element_type3A_414 = arith.truncf %slice3A_412 : vector<256x8xf32> to vector<256x8xbf16>
    %dot_general3A_415 = arith.constant dense<0.000000e+00> : vector<256x8xf32>
    %dot_general3A_416 = tpu.matmul %convert_element_type3A_413, %convert_element_type3A_414, %dot_general3A_415 {dimension_numbers = #tpu.dot_dimension_numbers<[1], [0], [0], [1], [0, 0, 1, 1], [], []>, transpose_lhs_hint = false} : vector<256x256xbf16>, vector<256x8xbf16>, vector<256x8xf32> -> vector<256x8xf32>
    %add3A_417 = vector.broadcast %add3A_411 : vector<1x8xf32> to vector<256x8xf32>
    %add3A_418 = arith.addf %dot_general3A_416, %add3A_417 : vector<256x8xf32>
    %sub3A_419 = arith.constant 1.000000e+00 : f32
    %sub3A_420 = vector.broadcast %sub3A_419 : f32 to vector<256x8xf32>
    %sub3A_421 = arith.subf %add3A_418, %sub3A_420 : vector<256x8xf32>
    %mul3A_422 = arith.mulf %sub3A_421, %slice3A_412 : vector<256x8xf32>
    %reduce_sum3A_423 = arith.constant dense<0.000000e+00> : vector<256xf32>
    %reduce_sum3A_424 = vector.multi_reduction <add>, %mul3A_422, %reduce_sum3A_423 [1] : vector<256x8xf32> to vector<256xf32>
    %broadcast_in_dim3A_425 = vector.shape_cast %reduce_sum3A_424 : vector<256xf32> to vector<256x1xf32>
    %mul3A_426 = vector.broadcast %concatenate3A : vector<1x8xf32> to vector<256x8xf32>
    %mul3A_427 = arith.mulf %mul3A_426, %slice3A_412 : vector<256x8xf32>
    %reduce_sum3A_428 = arith.constant dense<0.000000e+00> : vector<256xf32>
    %reduce_sum3A_429 = vector.multi_reduction <add>, %mul3A_427, %reduce_sum3A_428 [1] : vector<256x8xf32> to vector<256xf32>
    %broadcast_in_dim3A_430 = vector.shape_cast %reduce_sum3A_429 : vector<256xf32> to vector<256x1xf32>
    %add3A_431 = arith.addf %broadcast_in_dim3A_430, %broadcast_in_dim3A_425 : vector<256x1xf32>
    %convert_element_type3A_432 = arith.fptosi %add3A_431 : vector<256x1xf32> to vector<256x1xi32>
    %swap3A_433 = arith.constant 2048 : index
    %swap3A_434 = arith.constant 0 : index
    %swap3A_435 = vector.load %arg1[%swap3A_433, %swap3A_434] : memref<4096x1xi32, #tpu.memory_space<vmem>>, vector<256x1xi32>
    tpu.vector_store %arg1[%swap3A_433, %swap3A_434], %convert_element_type3A_432 {strides = array<i32>} : memref<4096x1xi32, #tpu.memory_space<vmem>>, vector<256x1xi32>,
    %slice3A_436 = vector.extract_strided_slice %div3A_111 {offsets = [0, 0], sizes = [256, 1], strides = [1, 1]} : vector<2048x1xf32> to vector<256x1xf32>
    %swap3A_437 = arith.constant 2048 : index
    %swap3A_438 = arith.constant 0 : index
    %swap3A_439 = vector.load %arg2[%swap3A_437, %swap3A_438] : memref<4096x1xf32, #tpu.memory_space<vmem>>, vector<256x1xf32>
    tpu.vector_store %arg2[%swap3A_437, %swap3A_438], %slice3A_436 {strides = array<i32>} : memref<4096x1xf32, #tpu.memory_space<vmem>>, vector<256x1xf32>,
    %reduce_sum3A_440 = arith.constant dense<0.000000e+00> : vector<8xf32>
    %reduce_sum3A_441 = vector.multi_reduction <add>, %slice3A_412, %reduce_sum3A_440 [0] : vector<256x8xf32> to vector<8xf32>
    %broadcast_in_dim3A_442 = vector.shape_cast %reduce_sum3A_441 : vector<8xf32> to vector<1x8xf32>
    %add3A_443 = arith.addf %add3A_411, %broadcast_in_dim3A_442 : vector<1x8xf32>
    %slice3A_444 = vector.extract_strided_slice %convert_element_type3A_120 {offsets = [256, 0], sizes = [256, 8], strides = [1, 1]} : vector<2048x8xf32> to vector<256x8xf32>
    %convert_element_type3A_445 = arith.truncf %convert_element_type3A_155 : vector<256x256xf32> to vector<256x256xbf16>
    %convert_element_type3A_446 = arith.truncf %slice3A_444 : vector<256x8xf32> to vector<256x8xbf16>
    %dot_general3A_447 = arith.constant dense<0.000000e+00> : vector<256x8xf32>
    %dot_general3A_448 = tpu.matmul %convert_element_type3A_445, %convert_element_type3A_446, %dot_general3A_447 {dimension_numbers = #tpu.dot_dimension_numbers<[1], [0], [0], [1], [0, 0, 1, 1], [], []>, transpose_lhs_hint = false} : vector<256x256xbf16>, vector<256x8xbf16>, vector<256x8xf32> -> vector<256x8xf32>
    %add3A_449 = vector.broadcast %add3A_443 : vector<1x8xf32> to vector<256x8xf32>
    %add3A_450 = arith.addf %dot_general3A_448, %add3A_449 : vector<256x8xf32>
    %sub3A_451 = arith.constant 1.000000e+00 : f32
    %sub3A_452 = vector.broadcast %sub3A_451 : f32 to vector<256x8xf32>
    %sub3A_453 = arith.subf %add3A_450, %sub3A_452 : vector<256x8xf32>
    %mul3A_454 = arith.mulf %sub3A_453, %slice3A_444 : vector<256x8xf32>
    %reduce_sum3A_455 = arith.constant dense<0.000000e+00> : vector<256xf32>
    %reduce_sum3A_456 = vector.multi_reduction <add>, %mul3A_454, %reduce_sum3A_455 [1] : vector<256x8xf32> to vector<256xf32>
    %broadcast_in_dim3A_457 = vector.shape_cast %reduce_sum3A_456 : vector<256xf32> to vector<256x1xf32>
    %mul3A_458 = vector.broadcast %concatenate3A : vector<1x8xf32> to vector<256x8xf32>
    %mul3A_459 = arith.mulf %mul3A_458, %slice3A_444 : vector<256x8xf32>
    %reduce_sum3A_460 = arith.constant dense<0.000000e+00> : vector<256xf32>
    %reduce_sum3A_461 = vector.multi_reduction <add>, %mul3A_459, %reduce_sum3A_460 [1] : vector<256x8xf32> to vector<256xf32>
    %broadcast_in_dim3A_462 = vector.shape_cast %reduce_sum3A_461 : vector<256xf32> to vector<256x1xf32>
    %add3A_463 = arith.addf %broadcast_in_dim3A_462, %broadcast_in_dim3A_457 : vector<256x1xf32>
    %convert_element_type3A_464 = arith.fptosi %add3A_463 : vector<256x1xf32> to vector<256x1xi32>
    %swap3A_465 = arith.constant 2304 : index
    %swap3A_466 = arith.constant 0 : index
    %swap3A_467 = vector.load %arg1[%swap3A_465, %swap3A_466] : memref<4096x1xi32, #tpu.memory_space<vmem>>, vector<256x1xi32>
    tpu.vector_store %arg1[%swap3A_465, %swap3A_466], %convert_element_type3A_464 {strides = array<i32>} : memref<4096x1xi32, #tpu.memory_space<vmem>>, vector<256x1xi32>,
    %slice3A_468 = vector.extract_strided_slice %div3A_111 {offsets = [256, 0], sizes = [256, 1], strides = [1, 1]} : vector<2048x1xf32> to vector<256x1xf32>
    %swap3A_469 = arith.constant 2304 : index
    %swap3A_470 = arith.constant 0 : index
    %swap3A_471 = vector.load %arg2[%swap3A_469, %swap3A_470] : memref<4096x1xf32, #tpu.memory_space<vmem>>, vector<256x1xf32>
    tpu.vector_store %arg2[%swap3A_469, %swap3A_470], %slice3A_468 {strides = array<i32>} : memref<4096x1xf32, #tpu.memory_space<vmem>>, vector<256x1xf32>,
    %reduce_sum3A_472 = arith.constant dense<0.000000e+00> : vector<8xf32>
    %reduce_sum3A_473 = vector.multi_reduction <add>, %slice3A_444, %reduce_sum3A_472 [0] : vector<256x8xf32> to vector<8xf32>
    %broadcast_in_dim3A_474 = vector.shape_cast %reduce_sum3A_473 : vector<8xf32> to vector<1x8xf32>
    %add3A_475 = arith.addf %add3A_443, %broadcast_in_dim3A_474 : vector<1x8xf32>
    %slice3A_476 = vector.extract_strided_slice %convert_element_type3A_120 {offsets = [512, 0], sizes = [256, 8], strides = [1, 1]} : vector<2048x8xf32> to vector<256x8xf32>
    %convert_element_type3A_477 = arith.truncf %convert_element_type3A_155 : vector<256x256xf32> to vector<256x256xbf16>
    %convert_element_type3A_478 = arith.truncf %slice3A_476 : vector<256x8xf32> to vector<256x8xbf16>
    %dot_general3A_479 = arith.constant dense<0.000000e+00> : vector<256x8xf32>
    %dot_general3A_480 = tpu.matmul %convert_element_type3A_477, %convert_element_type3A_478, %dot_general3A_479 {dimension_numbers = #tpu.dot_dimension_numbers<[1], [0], [0], [1], [0, 0, 1, 1], [], []>, transpose_lhs_hint = false} : vector<256x256xbf16>, vector<256x8xbf16>, vector<256x8xf32> -> vector<256x8xf32>
    %add3A_481 = vector.broadcast %add3A_475 : vector<1x8xf32> to vector<256x8xf32>
    %add3A_482 = arith.addf %dot_general3A_480, %add3A_481 : vector<256x8xf32>
    %sub3A_483 = arith.constant 1.000000e+00 : f32
    %sub3A_484 = vector.broadcast %sub3A_483 : f32 to vector<256x8xf32>
    %sub3A_485 = arith.subf %add3A_482, %sub3A_484 : vector<256x8xf32>
    %mul3A_486 = arith.mulf %sub3A_485, %slice3A_476 : vector<256x8xf32>
    %reduce_sum3A_487 = arith.constant dense<0.000000e+00> : vector<256xf32>
    %reduce_sum3A_488 = vector.multi_reduction <add>, %mul3A_486, %reduce_sum3A_487 [1] : vector<256x8xf32> to vector<256xf32>
    %broadcast_in_dim3A_489 = vector.shape_cast %reduce_sum3A_488 : vector<256xf32> to vector<256x1xf32>
    %mul3A_490 = vector.broadcast %concatenate3A : vector<1x8xf32> to vector<256x8xf32>
    %mul3A_491 = arith.mulf %mul3A_490, %slice3A_476 : vector<256x8xf32>
    %reduce_sum3A_492 = arith.constant dense<0.000000e+00> : vector<256xf32>
    %reduce_sum3A_493 = vector.multi_reduction <add>, %mul3A_491, %reduce_sum3A_492 [1] : vector<256x8xf32> to vector<256xf32>
    %broadcast_in_dim3A_494 = vector.shape_cast %reduce_sum3A_493 : vector<256xf32> to vector<256x1xf32>
    %add3A_495 = arith.addf %broadcast_in_dim3A_494, %broadcast_in_dim3A_489 : vector<256x1xf32>
    %convert_element_type3A_496 = arith.fptosi %add3A_495 : vector<256x1xf32> to vector<256x1xi32>
    %swap3A_497 = arith.constant 2560 : index
    %swap3A_498 = arith.constant 0 : index
    %swap3A_499 = vector.load %arg1[%swap3A_497, %swap3A_498] : memref<4096x1xi32, #tpu.memory_space<vmem>>, vector<256x1xi32>
    tpu.vector_store %arg1[%swap3A_497, %swap3A_498], %convert_element_type3A_496 {strides = array<i32>} : memref<4096x1xi32, #tpu.memory_space<vmem>>, vector<256x1xi32>,
    %slice3A_500 = vector.extract_strided_slice %div3A_111 {offsets = [512, 0], sizes = [256, 1], strides = [1, 1]} : vector<2048x1xf32> to vector<256x1xf32>
    %swap3A_501 = arith.constant 2560 : index
    %swap3A_502 = arith.constant 0 : index
    %swap3A_503 = vector.load %arg2[%swap3A_501, %swap3A_502] : memref<4096x1xf32, #tpu.memory_space<vmem>>, vector<256x1xf32>
    tpu.vector_store %arg2[%swap3A_501, %swap3A_502], %slice3A_500 {strides = array<i32>} : memref<4096x1xf32, #tpu.memory_space<vmem>>, vector<256x1xf32>,
    %reduce_sum3A_504 = arith.constant dense<0.000000e+00> : vector<8xf32>
    %reduce_sum3A_505 = vector.multi_reduction <add>, %slice3A_476, %reduce_sum3A_504 [0] : vector<256x8xf32> to vector<8xf32>
    %broadcast_in_dim3A_506 = vector.shape_cast %reduce_sum3A_505 : vector<8xf32> to vector<1x8xf32>
    %add3A_507 = arith.addf %add3A_475, %broadcast_in_dim3A_506 : vector<1x8xf32>
    %slice3A_508 = vector.extract_strided_slice %convert_element_type3A_120 {offsets = [768, 0], sizes = [256, 8], strides = [1, 1]} : vector<2048x8xf32> to vector<256x8xf32>
    %convert_element_type3A_509 = arith.truncf %convert_element_type3A_155 : vector<256x256xf32> to vector<256x256xbf16>
    %convert_element_type3A_510 = arith.truncf %slice3A_508 : vector<256x8xf32> to vector<256x8xbf16>
    %dot_general3A_511 = arith.constant dense<0.000000e+00> : vector<256x8xf32>
    %dot_general3A_512 = tpu.matmul %convert_element_type3A_509, %convert_element_type3A_510, %dot_general3A_511 {dimension_numbers = #tpu.dot_dimension_numbers<[1], [0], [0], [1], [0, 0, 1, 1], [], []>, transpose_lhs_hint = false} : vector<256x256xbf16>, vector<256x8xbf16>, vector<256x8xf32> -> vector<256x8xf32>
    %add3A_513 = vector.broadcast %add3A_507 : vector<1x8xf32> to vector<256x8xf32>
    %add3A_514 = arith.addf %dot_general3A_512, %add3A_513 : vector<256x8xf32>
    %sub3A_515 = arith.constant 1.000000e+00 : f32
    %sub3A_516 = vector.broadcast %sub3A_515 : f32 to vector<256x8xf32>
    %sub3A_517 = arith.subf %add3A_514, %sub3A_516 : vector<256x8xf32>
    %mul3A_518 = arith.mulf %sub3A_517, %slice3A_508 : vector<256x8xf32>
    %reduce_sum3A_519 = arith.constant dense<0.000000e+00> : vector<256xf32>
    %reduce_sum3A_520 = vector.multi_reduction <add>, %mul3A_518, %reduce_sum3A_519 [1] : vector<256x8xf32> to vector<256xf32>
    %broadcast_in_dim3A_521 = vector.shape_cast %reduce_sum3A_520 : vector<256xf32> to vector<256x1xf32>
    %mul3A_522 = vector.broadcast %concatenate3A : vector<1x8xf32> to vector<256x8xf32>
    %mul3A_523 = arith.mulf %mul3A_522, %slice3A_508 : vector<256x8xf32>
    %reduce_sum3A_524 = arith.constant dense<0.000000e+00> : vector<256xf32>
    %reduce_sum3A_525 = vector.multi_reduction <add>, %mul3A_523, %reduce_sum3A_524 [1] : vector<256x8xf32> to vector<256xf32>
    %broadcast_in_dim3A_526 = vector.shape_cast %reduce_sum3A_525 : vector<256xf32> to vector<256x1xf32>
    %add3A_527 = arith.addf %broadcast_in_dim3A_526, %broadcast_in_dim3A_521 : vector<256x1xf32>
    %convert_element_type3A_528 = arith.fptosi %add3A_527 : vector<256x1xf32> to vector<256x1xi32>
    %swap3A_529 = arith.constant 2816 : index
    %swap3A_530 = arith.constant 0 : index
    %swap3A_531 = vector.load %arg1[%swap3A_529, %swap3A_530] : memref<4096x1xi32, #tpu.memory_space<vmem>>, vector<256x1xi32>
    tpu.vector_store %arg1[%swap3A_529, %swap3A_530], %convert_element_type3A_528 {strides = array<i32>} : memref<4096x1xi32, #tpu.memory_space<vmem>>, vector<256x1xi32>,
    %slice3A_532 = vector.extract_strided_slice %div3A_111 {offsets = [768, 0], sizes = [256, 1], strides = [1, 1]} : vector<2048x1xf32> to vector<256x1xf32>
    %swap3A_533 = arith.constant 2816 : index
    %swap3A_534 = arith.constant 0 : index
    %swap3A_535 = vector.load %arg2[%swap3A_533, %swap3A_534] : memref<4096x1xf32, #tpu.memory_space<vmem>>, vector<256x1xf32>
    tpu.vector_store %arg2[%swap3A_533, %swap3A_534], %slice3A_532 {strides = array<i32>} : memref<4096x1xf32, #tpu.memory_space<vmem>>, vector<256x1xf32>,
    %reduce_sum3A_536 = arith.constant dense<0.000000e+00> : vector<8xf32>
    %reduce_sum3A_537 = vector.multi_reduction <add>, %slice3A_508, %reduce_sum3A_536 [0] : vector<256x8xf32> to vector<8xf32>
    %broadcast_in_dim3A_538 = vector.shape_cast %reduce_sum3A_537 : vector<8xf32> to vector<1x8xf32>
    %add3A_539 = arith.addf %add3A_507, %broadcast_in_dim3A_538 : vector<1x8xf32>
    %slice3A_540 = vector.extract_strided_slice %convert_element_type3A_120 {offsets = [1024, 0], sizes = [256, 8], strides = [1, 1]} : vector<2048x8xf32> to vector<256x8xf32>
    %convert_element_type3A_541 = arith.truncf %convert_element_type3A_155 : vector<256x256xf32> to vector<256x256xbf16>
    %convert_element_type3A_542 = arith.truncf %slice3A_540 : vector<256x8xf32> to vector<256x8xbf16>
    %dot_general3A_543 = arith.constant dense<0.000000e+00> : vector<256x8xf32>
    %dot_general3A_544 = tpu.matmul %convert_element_type3A_541, %convert_element_type3A_542, %dot_general3A_543 {dimension_numbers = #tpu.dot_dimension_numbers<[1], [0], [0], [1], [0, 0, 1, 1], [], []>, transpose_lhs_hint = false} : vector<256x256xbf16>, vector<256x8xbf16>, vector<256x8xf32> -> vector<256x8xf32>
    %add3A_545 = vector.broadcast %add3A_539 : vector<1x8xf32> to vector<256x8xf32>
    %add3A_546 = arith.addf %dot_general3A_544, %add3A_545 : vector<256x8xf32>
    %sub3A_547 = arith.constant 1.000000e+00 : f32
    %sub3A_548 = vector.broadcast %sub3A_547 : f32 to vector<256x8xf32>
    %sub3A_549 = arith.subf %add3A_546, %sub3A_548 : vector<256x8xf32>
    %mul3A_550 = arith.mulf %sub3A_549, %slice3A_540 : vector<256x8xf32>
    %reduce_sum3A_551 = arith.constant dense<0.000000e+00> : vector<256xf32>
    %reduce_sum3A_552 = vector.multi_reduction <add>, %mul3A_550, %reduce_sum3A_551 [1] : vector<256x8xf32> to vector<256xf32>
    %broadcast_in_dim3A_553 = vector.shape_cast %reduce_sum3A_552 : vector<256xf32> to vector<256x1xf32>
    %mul3A_554 = vector.broadcast %concatenate3A : vector<1x8xf32> to vector<256x8xf32>
    %mul3A_555 = arith.mulf %mul3A_554, %slice3A_540 : vector<256x8xf32>
    %reduce_sum3A_556 = arith.constant dense<0.000000e+00> : vector<256xf32>
    %reduce_sum3A_557 = vector.multi_reduction <add>, %mul3A_555, %reduce_sum3A_556 [1] : vector<256x8xf32> to vector<256xf32>
    %broadcast_in_dim3A_558 = vector.shape_cast %reduce_sum3A_557 : vector<256xf32> to vector<256x1xf32>
    %add3A_559 = arith.addf %broadcast_in_dim3A_558, %broadcast_in_dim3A_553 : vector<256x1xf32>
    %convert_element_type3A_560 = arith.fptosi %add3A_559 : vector<256x1xf32> to vector<256x1xi32>
    %swap3A_561 = arith.constant 3072 : index
    %swap3A_562 = arith.constant 0 : index
    %swap3A_563 = vector.load %arg1[%swap3A_561, %swap3A_562] : memref<4096x1xi32, #tpu.memory_space<vmem>>, vector<256x1xi32>
    tpu.vector_store %arg1[%swap3A_561, %swap3A_562], %convert_element_type3A_560 {strides = array<i32>} : memref<4096x1xi32, #tpu.memory_space<vmem>>, vector<256x1xi32>,
    %slice3A_564 = vector.extract_strided_slice %div3A_111 {offsets = [1024, 0], sizes = [256, 1], strides = [1, 1]} : vector<2048x1xf32> to vector<256x1xf32>
    %swap3A_565 = arith.constant 3072 : index
    %swap3A_566 = arith.constant 0 : index
    %swap3A_567 = vector.load %arg2[%swap3A_565, %swap3A_566] : memref<4096x1xf32, #tpu.memory_space<vmem>>, vector<256x1xf32>
    tpu.vector_store %arg2[%swap3A_565, %swap3A_566], %slice3A_564 {strides = array<i32>} : memref<4096x1xf32, #tpu.memory_space<vmem>>, vector<256x1xf32>,
    %reduce_sum3A_568 = arith.constant dense<0.000000e+00> : vector<8xf32>
    %reduce_sum3A_569 = vector.multi_reduction <add>, %slice3A_540, %reduce_sum3A_568 [0] : vector<256x8xf32> to vector<8xf32>
    %broadcast_in_dim3A_570 = vector.shape_cast %reduce_sum3A_569 : vector<8xf32> to vector<1x8xf32>
    %add3A_571 = arith.addf %add3A_539, %broadcast_in_dim3A_570 : vector<1x8xf32>
    %slice3A_572 = vector.extract_strided_slice %convert_element_type3A_120 {offsets = [1280, 0], sizes = [256, 8], strides = [1, 1]} : vector<2048x8xf32> to vector<256x8xf32>
    %convert_element_type3A_573 = arith.truncf %convert_element_type3A_155 : vector<256x256xf32> to vector<256x256xbf16>
    %convert_element_type3A_574 = arith.truncf %slice3A_572 : vector<256x8xf32> to vector<256x8xbf16>
    %dot_general3A_575 = arith.constant dense<0.000000e+00> : vector<256x8xf32>
    %dot_general3A_576 = tpu.matmul %convert_element_type3A_573, %convert_element_type3A_574, %dot_general3A_575 {dimension_numbers = #tpu.dot_dimension_numbers<[1], [0], [0], [1], [0, 0, 1, 1], [], []>, transpose_lhs_hint = false} : vector<256x256xbf16>, vector<256x8xbf16>, vector<256x8xf32> -> vector<256x8xf32>
    %add3A_577 = vector.broadcast %add3A_571 : vector<1x8xf32> to vector<256x8xf32>
    %add3A_578 = arith.addf %dot_general3A_576, %add3A_577 : vector<256x8xf32>
    %sub3A_579 = arith.constant 1.000000e+00 : f32
    %sub3A_580 = vector.broadcast %sub3A_579 : f32 to vector<256x8xf32>
    %sub3A_581 = arith.subf %add3A_578, %sub3A_580 : vector<256x8xf32>
    %mul3A_582 = arith.mulf %sub3A_581, %slice3A_572 : vector<256x8xf32>
    %reduce_sum3A_583 = arith.constant dense<0.000000e+00> : vector<256xf32>
    %reduce_sum3A_584 = vector.multi_reduction <add>, %mul3A_582, %reduce_sum3A_583 [1] : vector<256x8xf32> to vector<256xf32>
    %broadcast_in_dim3A_585 = vector.shape_cast %reduce_sum3A_584 : vector<256xf32> to vector<256x1xf32>
    %mul3A_586 = vector.broadcast %concatenate3A : vector<1x8xf32> to vector<256x8xf32>
    %mul3A_587 = arith.mulf %mul3A_586, %slice3A_572 : vector<256x8xf32>
    %reduce_sum3A_588 = arith.constant dense<0.000000e+00> : vector<256xf32>
    %reduce_sum3A_589 = vector.multi_reduction <add>, %mul3A_587, %reduce_sum3A_588 [1] : vector<256x8xf32> to vector<256xf32>
    %broadcast_in_dim3A_590 = vector.shape_cast %reduce_sum3A_589 : vector<256xf32> to vector<256x1xf32>
    %add3A_591 = arith.addf %broadcast_in_dim3A_590, %broadcast_in_dim3A_585 : vector<256x1xf32>
    %convert_element_type3A_592 = arith.fptosi %add3A_591 : vector<256x1xf32> to vector<256x1xi32>
    %swap3A_593 = arith.constant 3328 : index
    %swap3A_594 = arith.constant 0 : index
    %swap3A_595 = vector.load %arg1[%swap3A_593, %swap3A_594] : memref<4096x1xi32, #tpu.memory_space<vmem>>, vector<256x1xi32>
    tpu.vector_store %arg1[%swap3A_593, %swap3A_594], %convert_element_type3A_592 {strides = array<i32>} : memref<4096x1xi32, #tpu.memory_space<vmem>>, vector<256x1xi32>,
    %slice3A_596 = vector.extract_strided_slice %div3A_111 {offsets = [1280, 0], sizes = [256, 1], strides = [1, 1]} : vector<2048x1xf32> to vector<256x1xf32>
    %swap3A_597 = arith.constant 3328 : index
    %swap3A_598 = arith.constant 0 : index
    %swap3A_599 = vector.load %arg2[%swap3A_597, %swap3A_598] : memref<4096x1xf32, #tpu.memory_space<vmem>>, vector<256x1xf32>
    tpu.vector_store %arg2[%swap3A_597, %swap3A_598], %slice3A_596 {strides = array<i32>} : memref<4096x1xf32, #tpu.memory_space<vmem>>, vector<256x1xf32>,
    %reduce_sum3A_600 = arith.constant dense<0.000000e+00> : vector<8xf32>
    %reduce_sum3A_601 = vector.multi_reduction <add>, %slice3A_572, %reduce_sum3A_600 [0] : vector<256x8xf32> to vector<8xf32>
    %broadcast_in_dim3A_602 = vector.shape_cast %reduce_sum3A_601 : vector<8xf32> to vector<1x8xf32>
    %add3A_603 = arith.addf %add3A_571, %broadcast_in_dim3A_602 : vector<1x8xf32>
    %slice3A_604 = vector.extract_strided_slice %convert_element_type3A_120 {offsets = [1536, 0], sizes = [256, 8], strides = [1, 1]} : vector<2048x8xf32> to vector<256x8xf32>
    %convert_element_type3A_605 = arith.truncf %convert_element_type3A_155 : vector<256x256xf32> to vector<256x256xbf16>
    %convert_element_type3A_606 = arith.truncf %slice3A_604 : vector<256x8xf32> to vector<256x8xbf16>
    %dot_general3A_607 = arith.constant dense<0.000000e+00> : vector<256x8xf32>
    %dot_general3A_608 = tpu.matmul %convert_element_type3A_605, %convert_element_type3A_606, %dot_general3A_607 {dimension_numbers = #tpu.dot_dimension_numbers<[1], [0], [0], [1], [0, 0, 1, 1], [], []>, transpose_lhs_hint = false} : vector<256x256xbf16>, vector<256x8xbf16>, vector<256x8xf32> -> vector<256x8xf32>
    %add3A_609 = vector.broadcast %add3A_603 : vector<1x8xf32> to vector<256x8xf32>
    %add3A_610 = arith.addf %dot_general3A_608, %add3A_609 : vector<256x8xf32>
    %sub3A_611 = arith.constant 1.000000e+00 : f32
    %sub3A_612 = vector.broadcast %sub3A_611 : f32 to vector<256x8xf32>
    %sub3A_613 = arith.subf %add3A_610, %sub3A_612 : vector<256x8xf32>
    %mul3A_614 = arith.mulf %sub3A_613, %slice3A_604 : vector<256x8xf32>
    %reduce_sum3A_615 = arith.constant dense<0.000000e+00> : vector<256xf32>
    %reduce_sum3A_616 = vector.multi_reduction <add>, %mul3A_614, %reduce_sum3A_615 [1] : vector<256x8xf32> to vector<256xf32>
    %broadcast_in_dim3A_617 = vector.shape_cast %reduce_sum3A_616 : vector<256xf32> to vector<256x1xf32>
    %mul3A_618 = vector.broadcast %concatenate3A : vector<1x8xf32> to vector<256x8xf32>
    %mul3A_619 = arith.mulf %mul3A_618, %slice3A_604 : vector<256x8xf32>
    %reduce_sum3A_620 = arith.constant dense<0.000000e+00> : vector<256xf32>
    %reduce_sum3A_621 = vector.multi_reduction <add>, %mul3A_619, %reduce_sum3A_620 [1] : vector<256x8xf32> to vector<256xf32>
    %broadcast_in_dim3A_622 = vector.shape_cast %reduce_sum3A_621 : vector<256xf32> to vector<256x1xf32>
    %add3A_623 = arith.addf %broadcast_in_dim3A_622, %broadcast_in_dim3A_617 : vector<256x1xf32>
    %convert_element_type3A_624 = arith.fptosi %add3A_623 : vector<256x1xf32> to vector<256x1xi32>
    %swap3A_625 = arith.constant 3584 : index
    %swap3A_626 = arith.constant 0 : index
    %swap3A_627 = vector.load %arg1[%swap3A_625, %swap3A_626] : memref<4096x1xi32, #tpu.memory_space<vmem>>, vector<256x1xi32>
    tpu.vector_store %arg1[%swap3A_625, %swap3A_626], %convert_element_type3A_624 {strides = array<i32>} : memref<4096x1xi32, #tpu.memory_space<vmem>>, vector<256x1xi32>,
    %slice3A_628 = vector.extract_strided_slice %div3A_111 {offsets = [1536, 0], sizes = [256, 1], strides = [1, 1]} : vector<2048x1xf32> to vector<256x1xf32>
    %swap3A_629 = arith.constant 3584 : index
    %swap3A_630 = arith.constant 0 : index
    %swap3A_631 = vector.load %arg2[%swap3A_629, %swap3A_630] : memref<4096x1xf32, #tpu.memory_space<vmem>>, vector<256x1xf32>
    tpu.vector_store %arg2[%swap3A_629, %swap3A_630], %slice3A_628 {strides = array<i32>} : memref<4096x1xf32, #tpu.memory_space<vmem>>, vector<256x1xf32>,
    %reduce_sum3A_632 = arith.constant dense<0.000000e+00> : vector<8xf32>
    %reduce_sum3A_633 = vector.multi_reduction <add>, %slice3A_604, %reduce_sum3A_632 [0] : vector<256x8xf32> to vector<8xf32>
    %broadcast_in_dim3A_634 = vector.shape_cast %reduce_sum3A_633 : vector<8xf32> to vector<1x8xf32>
    %add3A_635 = arith.addf %add3A_603, %broadcast_in_dim3A_634 : vector<1x8xf32>
    %slice3A_636 = vector.extract_strided_slice %convert_element_type3A_120 {offsets = [1792, 0], sizes = [256, 8], strides = [1, 1]} : vector<2048x8xf32> to vector<256x8xf32>
    %convert_element_type3A_637 = arith.truncf %convert_element_type3A_155 : vector<256x256xf32> to vector<256x256xbf16>
    %convert_element_type3A_638 = arith.truncf %slice3A_636 : vector<256x8xf32> to vector<256x8xbf16>
    %dot_general3A_639 = arith.constant dense<0.000000e+00> : vector<256x8xf32>
    %dot_general3A_640 = tpu.matmul %convert_element_type3A_637, %convert_element_type3A_638, %dot_general3A_639 {dimension_numbers = #tpu.dot_dimension_numbers<[1], [0], [0], [1], [0, 0, 1, 1], [], []>, transpose_lhs_hint = false} : vector<256x256xbf16>, vector<256x8xbf16>, vector<256x8xf32> -> vector<256x8xf32>
    %add3A_641 = vector.broadcast %add3A_635 : vector<1x8xf32> to vector<256x8xf32>
    %add3A_642 = arith.addf %dot_general3A_640, %add3A_641 : vector<256x8xf32>
    %sub3A_643 = arith.constant 1.000000e+00 : f32
    %sub3A_644 = vector.broadcast %sub3A_643 : f32 to vector<256x8xf32>
    %sub3A_645 = arith.subf %add3A_642, %sub3A_644 : vector<256x8xf32>
    %mul3A_646 = arith.mulf %sub3A_645, %slice3A_636 : vector<256x8xf32>
    %reduce_sum3A_647 = arith.constant dense<0.000000e+00> : vector<256xf32>
    %reduce_sum3A_648 = vector.multi_reduction <add>, %mul3A_646, %reduce_sum3A_647 [1] : vector<256x8xf32> to vector<256xf32>
    %broadcast_in_dim3A_649 = vector.shape_cast %reduce_sum3A_648 : vector<256xf32> to vector<256x1xf32>
    %mul3A_650 = vector.broadcast %concatenate3A : vector<1x8xf32> to vector<256x8xf32>
    %mul3A_651 = arith.mulf %mul3A_650, %slice3A_636 : vector<256x8xf32>
    %reduce_sum3A_652 = arith.constant dense<0.000000e+00> : vector<256xf32>
    %reduce_sum3A_653 = vector.multi_reduction <add>, %mul3A_651, %reduce_sum3A_652 [1] : vector<256x8xf32> to vector<256xf32>
    %broadcast_in_dim3A_654 = vector.shape_cast %reduce_sum3A_653 : vector<256xf32> to vector<256x1xf32>
    %add3A_655 = arith.addf %broadcast_in_dim3A_654, %broadcast_in_dim3A_649 : vector<256x1xf32>
    %convert_element_type3A_656 = arith.fptosi %add3A_655 : vector<256x1xf32> to vector<256x1xi32>
    %swap3A_657 = arith.constant 3840 : index
    %swap3A_658 = arith.constant 0 : index
    %swap3A_659 = vector.load %arg1[%swap3A_657, %swap3A_658] : memref<4096x1xi32, #tpu.memory_space<vmem>>, vector<256x1xi32>
    tpu.vector_store %arg1[%swap3A_657, %swap3A_658], %convert_element_type3A_656 {strides = array<i32>} : memref<4096x1xi32, #tpu.memory_space<vmem>>, vector<256x1xi32>,
    %slice3A_660 = vector.extract_strided_slice %div3A_111 {offsets = [1792, 0], sizes = [256, 1], strides = [1, 1]} : vector<2048x1xf32> to vector<256x1xf32>
    %swap3A_661 = arith.constant 3840 : index
    %swap3A_662 = arith.constant 0 : index
    %swap3A_663 = vector.load %arg2[%swap3A_661, %swap3A_662] : memref<4096x1xf32, #tpu.memory_space<vmem>>, vector<256x1xf32>
    tpu.vector_store %arg2[%swap3A_661, %swap3A_662], %slice3A_660 {strides = array<i32>} : memref<4096x1xf32, #tpu.memory_space<vmem>>, vector<256x1xf32>,
    %iota3A_664 = tpu.iota {dimensions = array<i32: 1>} : vector<1x48xi32>
    %convert_element_type3A_665 = arith.sitofp %iota3A_664 : vector<1x48xi32> to vector<1x48xf32>
    %mul3A_666 = arith.constant 2.560000e+02 : f32
    %mul3A_667 = vector.broadcast %mul3A_666 : f32 to vector<1x48xf32>
    %mul3A_668 = arith.mulf %convert_element_type3A_665, %mul3A_667 : vector<1x48xf32>
    %broadcast_in_dim3A_669 = arith.constant 0.000000e+00 : f32
    %broadcast_in_dim3A_670 = vector.broadcast %broadcast_in_dim3A_669 : f32 to vector<1x48xf32>
    %slice3A_671 = vector.extract_strided_slice %concatenate3A {offsets = [0, 0], sizes = [1, 1], strides = [1, 1]} : vector<1x8xf32> to vector<1x1xf32>
    %ge3A_672 = vector.broadcast %slice3A_671 : vector<1x1xf32> to vector<1x48xf32>
    %ge3A_673 = arith.cmpf oge, %mul3A_668, %ge3A_672 : vector<1x48xf32>
    %convert_element_type3A_674 = arith.extui %ge3A_673 : vector<1x48xi1> to vector<1x48xi32>
    %convert_element_type3A_675 = arith.sitofp %convert_element_type3A_674 : vector<1x48xi32> to vector<1x48xf32>
    %add3A_676 = arith.addf %broadcast_in_dim3A_670, %convert_element_type3A_675 : vector<1x48xf32>
    %slice3A_677 = vector.extract_strided_slice %concatenate3A {offsets = [0, 1], sizes = [1, 1], strides = [1, 1]} : vector<1x8xf32> to vector<1x1xf32>
    %ge3A_678 = vector.broadcast %slice3A_677 : vector<1x1xf32> to vector<1x48xf32>
    %ge3A_679 = arith.cmpf oge, %mul3A_668, %ge3A_678 : vector<1x48xf32>
    %convert_element_type3A_680 = arith.extui %ge3A_679 : vector<1x48xi1> to vector<1x48xi32>
    %convert_element_type3A_681 = arith.sitofp %convert_element_type3A_680 : vector<1x48xi32> to vector<1x48xf32>
    %add3A_682 = arith.addf %add3A_676, %convert_element_type3A_681 : vector<1x48xf32>
    %slice3A_683 = vector.extract_strided_slice %concatenate3A {offsets = [0, 2], sizes = [1, 1], strides = [1, 1]} : vector<1x8xf32> to vector<1x1xf32>
    %ge3A_684 = vector.broadcast %slice3A_683 : vector<1x1xf32> to vector<1x48xf32>
    %ge3A_685 = arith.cmpf oge, %mul3A_668, %ge3A_684 : vector<1x48xf32>
    %convert_element_type3A_686 = arith.extui %ge3A_685 : vector<1x48xi1> to vector<1x48xi32>
    %convert_element_type3A_687 = arith.sitofp %convert_element_type3A_686 : vector<1x48xi32> to vector<1x48xf32>
    %add3A_688 = arith.addf %add3A_682, %convert_element_type3A_687 : vector<1x48xf32>
    %slice3A_689 = vector.extract_strided_slice %concatenate3A {offsets = [0, 3], sizes = [1, 1], strides = [1, 1]} : vector<1x8xf32> to vector<1x1xf32>
    %ge3A_690 = vector.broadcast %slice3A_689 : vector<1x1xf32> to vector<1x48xf32>
    %ge3A_691 = arith.cmpf oge, %mul3A_668, %ge3A_690 : vector<1x48xf32>
    %convert_element_type3A_692 = arith.extui %ge3A_691 : vector<1x48xi1> to vector<1x48xi32>
    %convert_element_type3A_693 = arith.sitofp %convert_element_type3A_692 : vector<1x48xi32> to vector<1x48xf32>
    %add3A_694 = arith.addf %add3A_688, %convert_element_type3A_693 : vector<1x48xf32>
    %slice3A_695 = vector.extract_strided_slice %concatenate3A {offsets = [0, 4], sizes = [1, 1], strides = [1, 1]} : vector<1x8xf32> to vector<1x1xf32>
    %ge3A_696 = vector.broadcast %slice3A_695 : vector<1x1xf32> to vector<1x48xf32>
    %ge3A_697 = arith.cmpf oge, %mul3A_668, %ge3A_696 : vector<1x48xf32>
    %convert_element_type3A_698 = arith.extui %ge3A_697 : vector<1x48xi1> to vector<1x48xi32>
    %convert_element_type3A_699 = arith.sitofp %convert_element_type3A_698 : vector<1x48xi32> to vector<1x48xf32>
    %add3A_700 = arith.addf %add3A_694, %convert_element_type3A_699 : vector<1x48xf32>
    %slice3A_701 = vector.extract_strided_slice %concatenate3A {offsets = [0, 5], sizes = [1, 1], strides = [1, 1]} : vector<1x8xf32> to vector<1x1xf32>
    %ge3A_702 = vector.broadcast %slice3A_701 : vector<1x1xf32> to vector<1x48xf32>
    %ge3A_703 = arith.cmpf oge, %mul3A_668, %ge3A_702 : vector<1x48xf32>
    %convert_element_type3A_704 = arith.extui %ge3A_703 : vector<1x48xi1> to vector<1x48xi32>
    %convert_element_type3A_705 = arith.sitofp %convert_element_type3A_704 : vector<1x48xi32> to vector<1x48xf32>
    %add3A_706 = arith.addf %add3A_700, %convert_element_type3A_705 : vector<1x48xf32>
    %slice3A_707 = vector.extract_strided_slice %concatenate3A {offsets = [0, 6], sizes = [1, 1], strides = [1, 1]} : vector<1x8xf32> to vector<1x1xf32>
    %ge3A_708 = vector.broadcast %slice3A_707 : vector<1x1xf32> to vector<1x48xf32>
    %ge3A_709 = arith.cmpf oge, %mul3A_668, %ge3A_708 : vector<1x48xf32>
    %convert_element_type3A_710 = arith.extui %ge3A_709 : vector<1x48xi1> to vector<1x48xi32>
    %convert_element_type3A_711 = arith.sitofp %convert_element_type3A_710 : vector<1x48xi32> to vector<1x48xf32>
    %add3A_712 = arith.addf %add3A_706, %convert_element_type3A_711 : vector<1x48xf32>
    %slice3A_713 = vector.extract_strided_slice %concatenate3A {offsets = [0, 7], sizes = [1, 1], strides = [1, 1]} : vector<1x8xf32> to vector<1x1xf32>
    %ge3A_714 = vector.broadcast %slice3A_713 : vector<1x1xf32> to vector<1x48xf32>
    %ge3A_715 = arith.cmpf oge, %mul3A_668, %ge3A_714 : vector<1x48xf32>
    %convert_element_type3A_716 = arith.extui %ge3A_715 : vector<1x48xi1> to vector<1x48xi32>
    %convert_element_type3A_717 = arith.sitofp %convert_element_type3A_716 : vector<1x48xi32> to vector<1x48xf32>
    %add3A_718 = arith.addf %add3A_712, %convert_element_type3A_717 : vector<1x48xf32>
    %sub3A_719 = arith.constant 1.000000e+00 : f32
    %sub3A_720 = vector.broadcast %sub3A_719 : f32 to vector<1x48xf32>
    %sub3A_721 = arith.subf %add3A_718, %sub3A_720 : vector<1x48xf32>
    %convert_element_type3A_722 = arith.fptosi %sub3A_721 : vector<1x48xf32> to vector<1x48xi32>
    %swap3A_723 = arith.constant 0 : index
    %swap3A_724 = arith.constant 0 : index
    %swap3A_725 = vector.load %arg3[%swap3A_723, %swap3A_724] : memref<1x48xi32, #tpu.memory_space<vmem>>, vector<1x48xi32>
    tpu.vector_store %arg3[%swap3A_723, %swap3A_724], %convert_element_type3A_722 {strides = array<i32>} : memref<1x48xi32, #tpu.memory_space<vmem>>, vector<1x48xi32>,
    return
  }
}

module attributes {stable_mosaic.version = 14 : i64} {
  func.func @_ffn_body(%arg0: i32, %arg1: memref<24xi32, #tpu.memory_space<smem>>, %arg2: memref<256x768xf32, #tpu.memory_space<vmem>>, %arg3: memref<1x768x3072xbf16, #tpu.memory_space<vmem>>, %arg4: memref<1x3072x768xbf16, #tpu.memory_space<vmem>>, %arg5: memref<256x768xf32, #tpu.memory_space<vmem>>) attributes {dimension_semantics = [#tpu.dimension_semantics<arbitrary>], iteration_bounds = array<i64: 24>, scalar_prefetch = 1 : i64, scratch_operands = 0 : i64, tpu.core_type = #tpu.core_type<tc>, window_params = [{transform_indices = @transform_0, window_bounds = array<i64: 256, 768>}, {transform_indices = @transform_1, window_bounds = array<i64: 1, 768, 3072>}, {transform_indices = @transform_2, window_bounds = array<i64: 1, 3072, 768>}, {transform_indices = @transform_3, window_bounds = array<i64: 256, 768>}]} {
    %get3A = arith.constant 0 : index
    %get3A_0 = arith.constant 0 : index
    %get3A_1 = vector.load %arg2[%get3A, %get3A_0] : memref<256x768xf32, #tpu.memory_space<vmem>>, vector<256x768xf32>
    %convert_element_type3A = arith.truncf %get3A_1 : vector<256x768xf32> to vector<256x768xbf16>
    %get3A_2 = arith.constant 0 : index
    %get3A_3 = arith.constant 0 : index
    %get3A_4 = arith.constant 0 : index
    %get3A_5 = vector.load %arg3[%get3A_2, %get3A_3, %get3A_4] : memref<1x768x3072xbf16, #tpu.memory_space<vmem>>, vector<1x768x3072xbf16>
    %get3A_6 = vector.shape_cast %get3A_5 : vector<1x768x3072xbf16> to vector<768x3072xbf16>
    %dot_general3A = arith.constant dense<0.000000e+00> : vector<256x3072xf32>
    %dot_general3A_7 = tpu.matmul %convert_element_type3A, %get3A_6, %dot_general3A {dimension_numbers = #tpu.dot_dimension_numbers<[1], [0], [0], [1], [0, 0, 1, 1], [], []>, transpose_lhs_hint = false} : vector<256x768xbf16>, vector<768x3072xbf16>, vector<256x3072xf32> -> vector<256x3072xf32>
    %integer_pow3A = arith.mulf %dot_general3A_7, %dot_general3A_7 : vector<256x3072xf32>
    %integer_pow3A_8 = arith.mulf %dot_general3A_7, %integer_pow3A : vector<256x3072xf32>
    %mul3A = arith.constant 4.471500e-02 : f32
    %mul3A_9 = vector.broadcast %mul3A : f32 to vector<256x3072xf32>
    %mul3A_10 = arith.mulf %mul3A_9, %integer_pow3A_8 : vector<256x3072xf32>
    %add3A = arith.addf %dot_general3A_7, %mul3A_10 : vector<256x3072xf32>
    %mul3A_11 = arith.constant 0.797884583 : f32
    %mul3A_12 = vector.broadcast %mul3A_11 : f32 to vector<256x3072xf32>
    %mul3A_13 = arith.mulf %mul3A_12, %add3A : vector<256x3072xf32>
    %tanh3A = math.tanh %mul3A_13 : vector<256x3072xf32>
    %add3A_14 = arith.constant 1.000000e+00 : f32
    %add3A_15 = vector.broadcast %add3A_14 : f32 to vector<256x3072xf32>
    %add3A_16 = arith.addf %add3A_15, %tanh3A : vector<256x3072xf32>
    %mul3A_17 = arith.constant 5.000000e-01 : f32
    %mul3A_18 = vector.broadcast %mul3A_17 : f32 to vector<256x3072xf32>
    %mul3A_19 = arith.mulf %mul3A_18, %add3A_16 : vector<256x3072xf32>
    %mul3A_20 = arith.mulf %dot_general3A_7, %mul3A_19 : vector<256x3072xf32>
    %convert_element_type3A_21 = arith.truncf %mul3A_20 : vector<256x3072xf32> to vector<256x3072xbf16>
    %get3A_22 = arith.constant 0 : index
    %get3A_23 = arith.constant 0 : index
    %get3A_24 = arith.constant 0 : index
    %get3A_25 = vector.load %arg4[%get3A_22, %get3A_23, %get3A_24] : memref<1x3072x768xbf16, #tpu.memory_space<vmem>>, vector<1x3072x768xbf16>
    %get3A_26 = vector.shape_cast %get3A_25 : vector<1x3072x768xbf16> to vector<3072x768xbf16>
    %dot_general3A_27 = arith.constant dense<0.000000e+00> : vector<256x768xf32>
    %dot_general3A_28 = tpu.matmul %convert_element_type3A_21, %get3A_26, %dot_general3A_27 {dimension_numbers = #tpu.dot_dimension_numbers<[1], [0], [0], [1], [0, 0, 1, 1], [], []>, transpose_lhs_hint = false} : vector<256x3072xbf16>, vector<3072x768xbf16>, vector<256x768xf32> -> vector<256x768xf32>
    %swap3A = arith.constant 0 : index
    %swap3A_29 = arith.constant 0 : index
    %swap3A_30 = vector.load %arg5[%swap3A, %swap3A_29] : memref<256x768xf32, #tpu.memory_space<vmem>>, vector<256x768xf32>
    tpu.vector_store %arg5[%swap3A, %swap3A_29], %dot_general3A_28 {strides = array<i32>} : memref<256x768xf32, #tpu.memory_space<vmem>>, vector<256x768xf32>,
    return
  }
  func.func @transform_0(%arg0: i32, %arg1: memref<24xi32, #tpu.memory_space<smem>>) -> (i32, i32) {
    %c0_i32 = arith.constant 0 : i32
    %c0_i32_0 = arith.constant 0 : i32
    return %arg0, %c0_i32 : i32, i32
  }
  func.func @transform_1(%arg0: i32, %arg1: memref<24xi32, #tpu.memory_space<smem>>) -> (i32, i32, i32) {
    %get3A = arith.index_cast %arg0 : i32 to index
    %get3A_0 = memref.load %arg1[%get3A] : memref<24xi32, #tpu.memory_space<smem>>
    %c0_i32 = arith.constant 0 : i32
    %c0_i32_1 = arith.constant 0 : i32
    %c0_i32_2 = arith.constant 0 : i32
    return %get3A_0, %c0_i32, %c0_i32_1 : i32, i32, i32
  }
  func.func @transform_2(%arg0: i32, %arg1: memref<24xi32, #tpu.memory_space<smem>>) -> (i32, i32, i32) {
    %get3A = arith.index_cast %arg0 : i32 to index
    %get3A_0 = memref.load %arg1[%get3A] : memref<24xi32, #tpu.memory_space<smem>>
    %c0_i32 = arith.constant 0 : i32
    %c0_i32_1 = arith.constant 0 : i32
    %c0_i32_2 = arith.constant 0 : i32
    return %get3A_0, %c0_i32, %c0_i32_1 : i32, i32, i32
  }
  func.func @transform_3(%arg0: i32, %arg1: memref<24xi32, #tpu.memory_space<smem>>) -> (i32, i32) {
    %c0_i32 = arith.constant 0 : i32
    %c0_i32_0 = arith.constant 0 : i32
    return %arg0, %c0_i32 : i32, i32
  }
}

module attributes {stable_mosaic.version = 14 : i64} {
  func.func @_combine_body(%arg0: i32, %arg1: memref<256x768xf32, #tpu.memory_space<vmem>>, %arg2: memref<256x768xf32, #tpu.memory_space<vmem>>, %arg3: memref<256x1xf32, #tpu.memory_space<vmem>>, %arg4: memref<256x1xf32, #tpu.memory_space<vmem>>, %arg5: memref<256x768xf32, #tpu.memory_space<vmem>>, %arg6: memref<256x768xf32, #tpu.memory_space<vmem>>) attributes {dimension_semantics = [#tpu.dimension_semantics<arbitrary>], iteration_bounds = array<i64: 8>, scalar_prefetch = 0 : i64, scratch_operands = 0 : i64, tpu.core_type = #tpu.core_type<tc>, window_params = [{transform_indices = @transform_0, window_bounds = array<i64: 256, 768>}, {transform_indices = @transform_1, window_bounds = array<i64: 256, 768>}, {transform_indices = @transform_2, window_bounds = array<i64: 256, 1>}, {transform_indices = @transform_3, window_bounds = array<i64: 256, 1>}, {transform_indices = @transform_4, window_bounds = array<i64: 256, 768>}, {transform_indices = @transform_5, window_bounds = array<i64: 256, 768>}]} {
    %get3A = arith.constant 0 : index
    %get3A_0 = arith.constant 0 : index
    %get3A_1 = vector.load %arg3[%get3A, %get3A_0] : memref<256x1xf32, #tpu.memory_space<vmem>>, vector<256x1xf32>
    %get3A_2 = arith.constant 0 : index
    %get3A_3 = arith.constant 0 : index
    %get3A_4 = vector.load %arg1[%get3A_2, %get3A_3] : memref<256x768xf32, #tpu.memory_space<vmem>>, vector<256x768xf32>
    %mul3A = vector.broadcast %get3A_1 : vector<256x1xf32> to vector<256x768xf32>
    %mul3A_5 = arith.mulf %mul3A, %get3A_4 : vector<256x768xf32>
    %get3A_6 = arith.constant 0 : index
    %get3A_7 = arith.constant 0 : index
    %get3A_8 = vector.load %arg4[%get3A_6, %get3A_7] : memref<256x1xf32, #tpu.memory_space<vmem>>, vector<256x1xf32>
    %get3A_9 = arith.constant 0 : index
    %get3A_10 = arith.constant 0 : index
    %get3A_11 = vector.load %arg2[%get3A_9, %get3A_10] : memref<256x768xf32, #tpu.memory_space<vmem>>, vector<256x768xf32>
    %mul3A_12 = vector.broadcast %get3A_8 : vector<256x1xf32> to vector<256x768xf32>
    %mul3A_13 = arith.mulf %mul3A_12, %get3A_11 : vector<256x768xf32>
    %add3A = arith.addf %mul3A_5, %mul3A_13 : vector<256x768xf32>
    %get3A_14 = arith.constant 0 : index
    %get3A_15 = arith.constant 0 : index
    %get3A_16 = vector.load %arg5[%get3A_14, %get3A_15] : memref<256x768xf32, #tpu.memory_space<vmem>>, vector<256x768xf32>
    %add3A_17 = arith.addf %add3A, %get3A_16 : vector<256x768xf32>
    %tanh3A = math.tanh %add3A_17 : vector<256x768xf32>
    %swap3A = arith.constant 0 : index
    %swap3A_18 = arith.constant 0 : index
    %swap3A_19 = vector.load %arg6[%swap3A, %swap3A_18] : memref<256x768xf32, #tpu.memory_space<vmem>>, vector<256x768xf32>
    tpu.vector_store %arg6[%swap3A, %swap3A_18], %tanh3A {strides = array<i32>} : memref<256x768xf32, #tpu.memory_space<vmem>>, vector<256x768xf32>,
    return
  }
  func.func @transform_0(%arg0: i32) -> (i32, i32) {
    %c0_i32 = arith.constant 0 : i32
    %c0_i32_0 = arith.constant 0 : i32
    return %arg0, %c0_i32 : i32, i32
  }
  func.func @transform_1(%arg0: i32) -> (i32, i32) {
    %c0_i32 = arith.constant 0 : i32
    %c0_i32_0 = arith.constant 0 : i32
    return %arg0, %c0_i32 : i32, i32
  }
  func.func @transform_2(%arg0: i32) -> (i32, i32) {
    %c0_i32 = arith.constant 0 : i32
    %c0_i32_0 = arith.constant 0 : i32
    return %arg0, %c0_i32 : i32, i32
  }
  func.func @transform_3(%arg0: i32) -> (i32, i32) {
    %c0_i32 = arith.constant 0 : i32
    %c0_i32_0 = arith.constant 0 : i32
    return %arg0, %c0_i32 : i32, i32
  }
  func.func @transform_4(%arg0: i32) -> (i32, i32) {
    %c0_i32 = arith.constant 0 : i32
    %c0_i32_0 = arith.constant 0 : i32
    return %arg0, %c0_i32 : i32, i32
  }
  func.func @transform_5(%arg0: i32) -> (i32, i32) {
    %c0_i32 = arith.constant 0 : i32
    %c0_i32_0 = arith.constant 0 : i32
    return %arg0, %c0_i32 : i32, i32
  }
}

</mosaic_0001>

<sc_bundles>
// kernel: kernel.10.cloned.1.call-start
scs
__scs_entry_jumppad:
0x0: {  	(pc) =	sbr.rel $0x88, $3  }
0x1: {  	(tag) =	ssettag $0x0;
	lr =	simm.s32 $0x1  }
0x2: {  	[smem:$0x3F95] =	sst lr;
	_ =	strace $0xD0000000  }
0x3: {  	_ = 	snop  }
0x4: {  	_ = 	snop  }
0x5: {  	_ = 	snop  }
0x6: {  	_ = 	snop  }
0x7: {  	_ = 	snop  }
__scs_overlays_trampoline_lowered:
0x8: {  	[smem:$0x3FA4] =	sst s0  }
0x9: {  	[smem:$0x3FA5] =	sst s1  }
0xa: {  	[smem:$0x3FA6] =	sst s2  }
0xb: {  	[smem:$0x3FA7] =	sst s3  }
0xc: {  	[smem:$0x3FA8] =	sst s4  }
0xd: {  	[smem:$0x3FA9] =	sst s5  }
0xe: {  	[smem:$0x3FAA] =	sst s6  }
0xf: {  	[smem:$0x3FAB] =	sst s7  }
0x10: {  	[smem:$0x3FAC] =	sst s8  }
0x11: {  	[smem:$0x3FAD] =	sst s9;
	s0 =	simm.s32 @!p0 $0x0  }
0x12: {  	s1 =	sld [smem:$0x3F93];
	s0 =	simm.s32 @p0 $0x1  }
0x13: {  	[smem:$0x3FAE] =	sst s0;
	s0 =	simm.s32 @!p1 $0x0  }
0x14: {  	s2 =	sld [smem:$0x3F92];
	s0 =	simm.s32 @p1 $0x1  }
0x15: {  	[smem:$0x3FAF] =	sst s0;
	s0 =	simm.s32 @!p2 $0x0  }
0x16: {  	s3 =	sld [smem:$0x3FDB];
	s0 =	simm.s32 @p2 $0x1  }
0x17: {  	s4 =	simm.s32 $0x1BF5;
	[smem:$0x3FB1] =	sst s0  }
0x18: {  	s0 =	sld [smem:$0x3F94];
	_ =	swait.ge [sflag:s4], $0x0  }
0x19: {  	s7 =	sld [smem:$0x3F95]  }
0x1a: {  	s8 =	sadd.s32 $0xFFFFE003, lr  }
0x1b: {  	s9 =	sadd.s32 $0xFFFFFEF7, lr;
	s5 =	simm.s32 $0xFFFFFFFF;
	p2 =	slt.u32 s8, $0xFFFFF086  }
0x1c: {  	p1 =	slt.u32 s9, $0xF7A;
	s5 =	simm.s32 @!p2 $0x0  }
0x1d: {  	s5 =	simm.s32 @p1 $0x1;
	p0 =	seq.s32 s7, s2  }
0x1e: {  	s7 =	smul.u32 @!p0 $0xF7A, s2;
	p2 =	seq.s32 @!p0 s5, $0x0  }
0x1f: {  	s9 =	smul.u32 $0xF7A, s1;
	s8 =	simm.s32 @!p0 $0x1BF5;
	p2 =	por !p2, p0  }
0x20: {  	[sflag:s8] =	ssyncset.s32 @!p0 $0xFFFFF086;
	s6 =	sadd.s32 @!p0 s3, s7;
	s7 =	simm.s32 @!p0 $0x108  }
0x21: {  	s3 =	sadd.s32 s3, s9;
	s6 =	sadd.s32 @!p0 $0x88, s6;
	s7 =	simm.s32 @p2 $0x1082  }
0x22: {  	[simem:s7], [sflag:s8] =	dma.local @!p0 [hbm:s6], $0xF7A  }
0x23: {  	s9 =	sor.u32 $0xD0000000, s2;
	s6 =	simm.s32 $0x108;
	_ =	swait.ge @!p0 [sflag:s8], $0x0  }
0x24: {  	s3 =	sadd.s32 $0x88, s3;
	s6 =	simm.s32 @!p1 $0x1082;
	[sflag:s4] =	ssyncset.s32 $0xFFFFF086  }
0x25: {  	[simem:s6], [sflag:s4] =	dma.local [hbm:s3], $0xF7A  }
0x26: {  	[smem:$0x3F95] =	sst s1;
	(tag) =	ssettag s2;
	_ =	strace s9  }
0x27: {  	s1 =	sld [smem:$0x3FA5]  }
0x28: {  	s2 =	sld [smem:$0x3FA6]  }
0x29: {  	s4 =	sld [smem:$0x3FA8]  }
0x2a: {  	p0 =	seq.s32 s5, $0x0;
	s5 =	sld [smem:$0x3FA9]  }
0x2b: {  	s6 =	sld [smem:$0x3FAA]  }
0x2c: {  	s7 =	sld [smem:$0x3FAB]  }
0x2d: {  	s3 =	simm.s32 $0x108;
	s8 =	sld [smem:$0x3FAC]  }
0x2e: {  	s3 =	simm.s32 @!p0 $0x1082;
	s9 =	sld [smem:$0x3FAD]  }
0x2f: {  	lr =	sadd.s32 s0, s3;
	s0 =	sld [smem:$0x3FA4]  }
0x30: {  	s3 =	sld [smem:$0x3FA7]  }
0x31: {  	[smem:$0x3FB0] =	sst s10  }
0x32: {  	s10 =	sld [smem:$0x3FAE];
	_ =	sdelay $0x3  }
0x33: {  	p0 =	seq.s32 s10, $0x1;
	s10 =	sld [smem:$0x3FB0];
	_ =	sdelay $0x3  }
0x34: {  	[smem:$0x3FB0] =	sst s10  }
0x35: {  	s10 =	sld [smem:$0x3FAF];
	_ =	sdelay $0x3  }
0x36: {  	p1 =	seq.s32 s10, $0x1;
	s10 =	sld [smem:$0x3FB0];
	_ =	sdelay $0x3  }
0x37: {  	[smem:$0x3FB0] =	sst s10  }
0x38: {  	s10 =	sld [smem:$0x3FB1]  }
0x39: {  	_ = 	snop;
	(pc) =	sbr.ind lr, $3  }
0x3a: {  	_ = 	snop  }
0x3b: {  	_ = 	snop  }
0x3c: {  	p2 =	seq.s32 s10, $0x1;
	s10 =	sld [smem:$0x3FB0]  }
0x3d: {  	_ =	shalt  }
0x3e: {  	_ =	shalt  }
0x3f: {  	_ =	shalt  }
0x40: {  	_ =	shalt  }
0x41: {  	_ =	shalt  }
0x42: {  	_ =	shalt  }
0x43: {  	_ =	shalt  }
0x44: {  	_ =	shalt  }
0x45: {  	_ =	shalt  }
0x46: {  	_ =	shalt  }
0x47: {  	_ =	shalt  }
0x48: {  	_ =	shalt  }
0x49: {  	_ =	shalt  }
0x4a: {  	_ =	shalt  }
0x4b: {  	_ =	shalt  }
0x4c: {  	_ =	shalt  }
0x4d: {  	_ =	shalt  }
0x4e: {  	_ =	shalt  }
0x4f: {  	_ =	shalt  }
0x50: {  	_ =	shalt  }
0x51: {  	_ =	shalt  }
0x52: {  	_ =	shalt  }
0x53: {  	_ =	shalt  }
0x54: {  	_ =	shalt  }
0x55: {  	_ =	shalt  }
0x56: {  	_ =	shalt  }
0x57: {  	_ =	shalt  }
0x58: {  	_ =	shalt  }
0x59: {  	_ =	shalt  }
0x5a: {  	_ =	shalt  }
0x5b: {  	_ =	shalt  }
0x5c: {  	_ =	shalt  }
0x5d: {  	_ =	shalt  }
0x5e: {  	_ =	shalt  }
0x5f: {  	_ =	shalt  }
0x60: {  	_ =	shalt  }
0x61: {  	_ =	shalt  }
0x62: {  	_ =	shalt  }
0x63: {  	_ =	shalt  }
0x64: {  	_ =	shalt  }
0x65: {  	_ =	shalt  }
0x66: {  	_ =	shalt  }
0x67: {  	_ =	shalt  }
0x68: {  	_ =	shalt  }
0x69: {  	_ =	shalt  }
0x6a: {  	_ =	shalt  }
0x6b: {  	_ =	shalt  }
0x6c: {  	_ =	shalt  }
0x6d: {  	_ =	shalt  }
0x6e: {  	_ =	shalt  }
0x6f: {  	_ =	shalt  }
0x70: {  	_ =	shalt  }
0x71: {  	_ =	shalt  }
0x72: {  	_ =	shalt  }
0x73: {  	_ =	shalt  }
0x74: {  	_ =	shalt  }
0x75: {  	_ =	shalt  }
0x76: {  	_ =	shalt  }
0x77: {  	_ =	shalt  }
0x78: {  	_ =	shalt  }
0x79: {  	_ =	shalt  }
0x7a: {  	_ =	shalt  }
0x7b: {  	_ =	shalt  }
0x7c: {  	_ =	shalt  }
0x7d: {  	_ =	shalt  }
0x7e: {  	_ =	shalt  }
0x7f: {  	_ =	shalt  }
0x80: {  	_ =	shalt  }
0x81: {  	_ =	shalt  }
0x82: {  	_ =	shalt  }
0x83: {  	_ =	shalt  }
0x84: {  	_ =	shalt  }
0x85: {  	_ =	shalt  }
0x86: {  	_ =	shalt  }
0x87: {  	_ =	shalt  }
.Lfunc_end0:
.L_simem_size_0:
called_computation_lowered:
.L_overlay_start_0:
0x88: {  	s2 =	sld [smem:$0x3FD9]  }
0x89: {  	s3 =	sld [smem:$0x3FFE];
	_ =	sdelay $0x1  }
0x8a: {  	s1 =	srdreg.scid  }
0x8b: {  	s0 =	sand.u32 $0x1, s1  }
0x8c: {  	s17 =	sshll.u32 s0, $0xA;
	s2 =	sadd.s32 s3, s2  }
0x8d: {  	s2 =	sadd.s32 s2, s17  }
0x8e: {  	[smem:$0x3FBC] =	sst s2  }
0x8f: {  	_ = 	snop  }
0x90: {  	s2 =	sld [smem:$0x3FD0];
	(tm) =	ssettm $0x1  }
0x91: {  	s18 =	sld [smem:$0x3FFB];
	_ =	sdelay $0x3  }
0x92: {  	_ =	strace s18  }
0x93: {  	s3 =	sld [smem:$0x3FFC];
	_ =	sdelay $0x3  }
0x94: {  	_ =	strace s3  }
0x95: {  	s3 =	sld [smem:$0x3FFD];
	_ =	sdelay $0x3  }
0x96: {  	_ =	strace s3  }
0x97: {  	_ =	strace $0x8FFFFFFF  }
0x98: {  	s19 =	sld [smem:$0x3FDB];
	_ =	sdelay $0x1  }
0x99: {  	s4 =	simm.s32 $_scs_section_size  }
0x9a: {  	s5 =	simm.s32 $_size__tile_overlayer_lowered;
	s6 =	simm.s32 $_tile_overlayer_lowered  }
0x9b: {  	s22 =	simm.s32 $0x1BFF;
	s21 =	sshll.u32 s6, $0x1;
	s3 =	sadd.s32 s4, s19  }
0x9c: {  	s7 =	simm.s32 $0x0;
	s20 =	sshll.u32 s5, $0x1;
	s5 =	sadd.s32 s21, s3  }
0x9d: {  	[timem:s7], [sflag:s22] =	dma.local [hbm:s5], s20  }
0x9e: {  	_ =	swait.ge [sflag:s22], s20  }
0x9f: {  	s4 =	ssub.s32 $0x0, s20;
	[sflag:s22] =	ssyncset.done $0x0  }
0xa0: {  	[sflag:s22] =	ssyncadd.s32 s4;
	_ =	sdelay $0x1  }
0xa1: {  	s23 =	simm.s32 $0x1B8B  }
0xa2: {  	_ =	swait.ge [sflag:s23], $0x1  }
0xa3: {  	[sflag:s23] =	ssyncset.done $0x0  }
0xa4: {  	s25 =	simm.s32 $0x1B8E;
	s24 =	sld [smem:$0x3FFE];
	[sflag:s23] =	ssyncadd.s32 $0xFFFFFFFF  }
0xa5: {  	s26 =	simm.s32 $execute0_lowered;
	[smem:$0x3FD2] =	sst s25  }
0xa6: {  	s5 =	sshll.u32 s26, $0x1;
	_ =	strace $0x80000046;
	[dreg:$0x1] =	wrdreg $0xFFFFFFFF  }
0xa7: {  	s28 =	simm.s32 $_size_execute0_lowered;
	s3 =	sadd.s32 s3, s5;
	[dreg:$0x0] =	wrdreg $0x0  }
0xa8: {  	s5 =	sshll.u32 s28, $0x1;
	[dreg:$0x2] =	wrdreg s3  }
0xa9: {  	[dreg:$0x3] =	wrdreg s5  }
0xaa: {  	[dreg:$0x4] =	wrdreg $0xC0  }
0xab: {  	_ =	task [dreg:s7], $0x5FFFF  }
0xac: {  	[dreg:$0x1] =	wrdreg $0xFFFFFFFF  }
0xad: {  	[dreg:$0x0] =	wrdreg $0x60  }
0xae: {  	[dreg:$0x2] =	wrdreg s2  }
0xaf: {  	[dreg:$0x3] =	wrdreg s24  }
0xb0: {  	[dreg:$0x4] =	wrdreg $0x9  }
0xb1: {  	_ =	task.clear_ibuf [dreg:s7], $0x5FFFF;
	_ =	strace $0x90000046  }
0xb2: {  	s29 =	simm.s32 $0x9;
	_ =	strace $0x80000048  }
0xb3: {  	_ =	swait.ge [sflag:s29], $0x1  }
0xb4: {  	[sflag:s29] =	ssyncadd.s32 $0xFFFFFFFF  }
0xb5: {  	_ =	strace $0x90000048  }
0xb6: {  	_ =	sfence  }
0xb7: {  	s30 =	sld [smem:$0x0];
	_ =	sdelay $0x2  }
0xb8: {  	s31 =	sshll.u32 s1, $0xD;
	s1 =	sshrl.u32 s1, $0x2  }
0xb9: {  	s3 =	sand.u32 $0x4000, s31;
	s1 =	sadd.s32 s1, s30  }
0xba: {  	s0 =	sor.u32 s3, s0;
	s1 =	sshll.u32 s1, $0x11  }
0xbb: {  	s0 =	sor.u32 s1, s0  }
0xbc: {  	s0 =	sadd.s32 $0x8F2B, s0  }
0xbd: {  	[sflag:s0] =	ssyncadd.remote.s32 $0x1  }
0xbe: {  	_ =	sfence.sel $0xFFFF  }
0xbf: {  	[dreg:$0x0] =	wrdreg $0xFFFFFFFF;
	(pc) =	sbr.abs _section_cstart, $3  }
0xc0: {  	[dreg:$0x1] =	wrdreg $0xFFFFFFFF  }
0xc1: {  	_ =	task.clear_ibuf [dreg:s7], $0x2FFFF;
	_ =	strace $0x9FFFFFFF  }
0xc2: {  	(tm) =	ssettm $0x7FFFFFFF  }
0xc3: {  	_ =	shalt  }
tec
execute0_lowered:
.L_overlay_start_1:
0x0: {  	(tag) =	ssettag $0x1  }
0x1: {  	s1 =	srdreg.scid  }
0x2: {  	s0 =	stileid.u32;
	s1 =	sand.u32 $0x1, s1  }
0x3: {  	s4 =	rddreg [dreg:$0x0];
	s2 =	sshll.u32 s0, $0x5;
	s3 =	sshll.u32 s1, $0x4  }
0x4: {  	s5 =	rddreg [dreg:$0x1];
	s3 =	sor.u32 s3, s2;
	s2 =	simm.s32 $0x0  }
0x5: {  	s25 =	simm.s32 $0x880;
	[smem:$0x7FF] =	sst s2  }
0x6: {  	s26 =	simm.s32 $0x1080;
	_ =	strace $0x80000047;
	[dreg:$0x5] =	wrdreg s25  }
0x7: {  	s0 =	simm.s32 $0x1880;
	[dreg:$0x6] =	wrdreg s26  }
0x8: {  	s7 =	simm.s32 $0x3080;
	[dreg:$0x7] =	wrdreg s0  }
0x9: {  	s8 =	simm.s32 $0x3880;
	[dreg:$0xa] =	wrdreg s7  }
0xa: {  	s9 =	simm.s32 $0x4080;
	[dreg:$0xb] =	wrdreg s8  }
0xb: {  	s10 =	simm.s32 $0x4880;
	[dreg:$0xc] =	wrdreg s9  }
0xc: {  	s11 =	simm.s32 $0x5080;
	s12 =	simm.s32 $0x5880;
	[dreg:$0xd] =	wrdreg s10  }
0xd: {  	s13 =	simm.s32 $0x6080;
	s14 =	simm.s32 $0x6880;
	[dreg:$0xe] =	wrdreg s11  }
0xe: {  	s15 =	simm.s32 $0x7080;
	s16 =	simm.s32 $0x7880;
	[dreg:$0xf] =	wrdreg s12  }
0xf: {  	s17 =	simm.s32 $0x8080;
	s18 =	simm.s32 $0x8880;
	[dreg:$0x10] =	wrdreg s13  }
0x10: {  	s19 =	simm.s32 $0x9080;
	s21 =	simm.s32 $0x9880;
	[dreg:$0x11] =	wrdreg s14  }
0x11: {  	s22 =	simm.s32 $0xA080;
	s23 =	simm.s32 $0xA880;
	[dreg:$0x12] =	wrdreg s15  }
0x12: {  	s24 =	simm.s32 $0xB880;
	s28 =	simm.s32 $0x16080;
	[dreg:$0x13] =	wrdreg s16  }
0x13: {  	s29 =	simm.s32 $0x16880;
	s30 =	simm.s32 $0x17080;
	[dreg:$0x14] =	wrdreg s17  }
0x14: {  	s31 =	simm.s32 $0x17880;
	s1 =	ssub.s32 $0x2, s1;
	[dreg:$0x15] =	wrdreg s18  }
0x15: {  	s20 =	sshrl.u32 s1, $0x1;
	s6 =	sand.u32 $0xF0, s3;
	[dreg:$0x16] =	wrdreg s19  }
0x16: {  	s3 =	sadd.s32 s3, s5;
	s1 =	ssub.s32 s1, s20;
	[dreg:$0x17] =	wrdreg s21  }
0x17: {  	s20 =	simm.s32 $0x12880;
	s6 =	smul.u32 $0x300, s6;
	[dreg:$0x18] =	wrdreg s22  }
0x18: {  	s3 =	sadd.s32 $0x12A00, s3;
	[dreg:$0x19] =	wrdreg s23;
	s7 =	simm.s32 $0xB080  }
0x19: {  	[dreg:$0x1b] =	wrdreg s24;
	s25 =	simm.s32 $0xC080;
	s8 =	simm.s32 $0x2  }
0x1a: {  	s26 =	simm.s32 $0xC880;
	s10 =	simm.s32 $0xD880;
	s11 =	simm.s32 $0xE080  }
0x1b: {  	s12 =	simm.s32 $0xE880;
	s13 =	simm.s32 $0xF080;
	s14 =	simm.s32 $0xF880  }
0x1c: {  	s15 =	simm.s32 $0x10080;
	s16 =	simm.s32 $0x10880;
	s17 =	simm.s32 $0x11080  }
0x1d: {  	s18 =	simm.s32 $0x11880;
	s19 =	simm.s32 $0x12080;
	[dreg:$0x4] =	wrdreg s3  }
0x1e: {  	s21 =	simm.s32 $0x13080;
	s22 =	simm.s32 $0x13880;
	[dreg:$0x1a] =	wrdreg s7  }
0x1f: {  	s23 =	simm.s32 $0x14080;
	s24 =	simm.s32 $0x14880;
	[dreg:$0x1c] =	wrdreg s25  }
0x20: {  	s3 =	sadd.s32 $0x12C00, s5;
	s7 =	simm.s32 $0x80;
	[dreg:$0x1d] =	wrdreg s26  }
0x21: {  	s25 =	simm.s32 $0x15080;
	s26 =	simm.s32 $0x15880;
	s4 =	sadd.s32 s4, s6  }
0x22: {  	v2 =	vlaneseq.u32;
	s6 =	simm.s32 $0x2880;
	[dreg:$0x3] =	wrdreg s4;
	s4 =	simm.s32 $0x2080  }
0x23: {  	vm0 =	vmmov $0xffff;
	v1 =	vshrl.u32 v2, $0x3;
	[dreg:$0x9] =	wrdreg s6;
	s6 =	smax.u32 s1, $0x1;
	s1 =	simm.s32 $0x1  }
0x24: {  	v0 =	vand.u32 $0x7, v2;
	v2 =	vor.u32 $0x8, v2;
	v1 =	vmul.u32 $0x8, v1;
	[dreg:$0x8] =	wrdreg s4;
	s4 =	sadd.s32 $0x12D00, s5;
	s5 =	sadd.s32 $0x12E00, s5  }
.LBB2_1:
0x25: {  	s0 =	rddreg [dreg:$0x3]  }
0x26: {  	[tilespmem:s7], [sflag:$0x2] =	stream.linear.gather [hbm4b:s0+s2], $0x18000, $0x38;
	[tilespmem:$0x18080] =	vst v63  }
0x27: {  	_ =	swait.ge [sflag:s8], $0x18000  }
0x28: {  	[sflag:s8] =	ssyncset.done $0x0  }
0x29: {  	s9 =	rddreg [dreg:$0x4];
	[sflag:s8] =	ssyncadd.s32 $0xFFFE8000  }
0x2a: {  	[tilespmem:s2], [sflag:$0x2] =	stream.linear.gather [hbm4b:s9+s2], $0x80, $0x38;
	[tilespmem:$0x18080] =	vst v63  }
0x2b: {  	_ =	swait.ge [sflag:s8], $0x80  }
0x2c: {  	[sflag:s8] =	ssyncset.done $0x0  }
0x2d: {  	[sflag:s8] =	ssyncadd.s32 $0xFFFFFF80  }
0x2e: {  	v3 =	vld [tilespmem:$0x0];
	_ =	sdelay $0x4  }
0x2f: {  	v4 =	vshrl.u32 v3, $0x3  }
0x30: {  	v4 =	vmul.u32 $0x30, v4  }
0x31: {  	v3 =	vand.u32 $0x7, v3  }
0x32: {  	v3 =	vor.u32 v3, v4  }
0x33: {  	v4 =	vperm.xlane v3, v0;
	_ =	sdelay $0x1  }
0x34: {  	v4 =	vadd.s32 v1, v4;
	_ =	sdelay $0x3  }
0x35: {  	v3 =	vperm.xlane v3, v2  }
0x36: {  	[hbm4b:s3+s2] =	stream.indirect_vreg.scatter [tilespmem:s7], [sflag:$0x1], $0x80, v4, vm0, $0xb8;
	[tilespmem:$0x18080] =	vst v63  }
0x37: {  	s0 =	rddreg [dreg:$0x5];
	v3 =	vadd.s32 v1, v3  }
0x38: {  	[hbm4b:s4+s2] =	stream.indirect_vreg.scatter [tilespmem:s0], [sflag:$0x1], $0x80, v4, vm0, $0xb8;
	[tilespmem:$0x18080] =	vst v63  }
0x39: {  	s9 =	rddreg [dreg:$0x6]  }
0x3a: {  	[hbm4b:s5+s2] =	stream.indirect_vreg.scatter [tilespmem:s9], [sflag:$0x1], $0x80, v4, vm0, $0xb8;
	[tilespmem:$0x18080] =	vst v63  }
0x3b: {  	s0 =	rddreg [dreg:$0x7]  }
0x3c: {  	[hbm4b:s3+s2] =	stream.indirect_vreg.scatter [tilespmem:s0], [sflag:$0x1], $0x80, v3, vm0, $0xb8;
	[tilespmem:$0x18080] =	vst v63  }
0x3d: {  	s9 =	rddreg [dreg:$0x8]  }
0x3e: {  	[hbm4b:s4+s2] =	stream.indirect_vreg.scatter [tilespmem:s9], [sflag:$0x1], $0x80, v3, vm0, $0xb8;
	[tilespmem:$0x18080] =	vst v63  }
0x3f: {  	s0 =	rddreg [dreg:$0x9]  }
0x40: {  	[hbm4b:s5+s2] =	stream.indirect_vreg.scatter [tilespmem:s0], [sflag:$0x1], $0x80, v3, vm0, $0xb8;
	[tilespmem:$0x18080] =	vst v63  }
0x41: {  	v3 =	vld [tilespmem:$0x10];
	_ =	sdelay $0x4  }
0x42: {  	v57 =	vshrl.u32 v3, $0x3  }
0x43: {  	v4 =	vmul.u32 $0x30, v57  }
0x44: {  	v3 =	vand.u32 $0x7, v3  }
0x45: {  	v3 =	vor.u32 v3, v4  }
0x46: {  	v4 =	vperm.xlane v3, v0;
	_ =	sdelay $0x1  }
0x47: {  	v4 =	vadd.s32 v1, v4;
	_ =	sdelay $0x3  }
0x48: {  	s0 =	rddreg [dreg:$0xa];
	v3 =	vperm.xlane v3, v2  }
0x49: {  	[hbm4b:s3+s2] =	stream.indirect_vreg.scatter [tilespmem:s0], [sflag:$0x1], $0x80, v4, vm0, $0xb8;
	[tilespmem:$0x18080] =	vst v63  }
0x4a: {  	s9 =	rddreg [dreg:$0xb];
	v3 =	vadd.s32 v1, v3  }
0x4b: {  	[hbm4b:s4+s2] =	stream.indirect_vreg.scatter [tilespmem:s9], [sflag:$0x1], $0x80, v4, vm0, $0xb8;
	[tilespmem:$0x18080] =	vst v63  }
0x4c: {  	s0 =	rddreg [dreg:$0xc]  }
0x4d: {  	[hbm4b:s5+s2] =	stream.indirect_vreg.scatter [tilespmem:s0], [sflag:$0x1], $0x80, v4, vm0, $0xb8;
	[tilespmem:$0x18080] =	vst v63  }
0x4e: {  	s9 =	rddreg [dreg:$0xd]  }
0x4f: {  	[hbm4b:s3+s2] =	stream.indirect_vreg.scatter [tilespmem:s9], [sflag:$0x1], $0x80, v3, vm0, $0xb8;
	[tilespmem:$0x18080] =	vst v63  }
0x50: {  	s0 =	rddreg [dreg:$0xe]  }
0x51: {  	[hbm4b:s4+s2] =	stream.indirect_vreg.scatter [tilespmem:s0], [sflag:$0x1], $0x80, v3, vm0, $0xb8;
	[tilespmem:$0x18080] =	vst v63  }
0x52: {  	s9 =	rddreg [dreg:$0xf]  }
0x53: {  	[hbm4b:s5+s2] =	stream.indirect_vreg.scatter [tilespmem:s9], [sflag:$0x1], $0x80, v3, vm0, $0xb8;
	[tilespmem:$0x18080] =	vst v63  }
0x54: {  	v3 =	vld [tilespmem:$0x20];
	_ =	sdelay $0x4  }
0x55: {  	v58 =	vshrl.u32 v3, $0x3  }
0x56: {  	v4 =	vmul.u32 $0x30, v58  }
0x57: {  	v3 =	vand.u32 $0x7, v3  }
0x58: {  	v3 =	vor.u32 v3, v4  }
0x59: {  	v4 =	vperm.xlane v3, v0;
	_ =	sdelay $0x1  }
0x5a: {  	v4 =	vadd.s32 v1, v4;
	_ =	sdelay $0x3  }
0x5b: {  	s0 =	rddreg [dreg:$0x10];
	v3 =	vperm.xlane v3, v2  }
0x5c: {  	[hbm4b:s3+s2] =	stream.indirect_vreg.scatter [tilespmem:s0], [sflag:$0x1], $0x80, v4, vm0, $0xb8;
	[tilespmem:$0x18080] =	vst v63  }
0x5d: {  	s9 =	rddreg [dreg:$0x11];
	v3 =	vadd.s32 v1, v3  }
0x5e: {  	[hbm4b:s4+s2] =	stream.indirect_vreg.scatter [tilespmem:s9], [sflag:$0x1], $0x80, v4, vm0, $0xb8;
	[tilespmem:$0x18080] =	vst v63  }
0x5f: {  	s0 =	rddreg [dreg:$0x12]  }
0x60: {  	[hbm4b:s5+s2] =	stream.indirect_vreg.scatter [tilespmem:s0], [sflag:$0x1], $0x80, v4, vm0, $0xb8;
	[tilespmem:$0x18080] =	vst v63  }
0x61: {  	s9 =	rddreg [dreg:$0x13]  }
0x62: {  	[hbm4b:s3+s2] =	stream.indirect_vreg.scatter [tilespmem:s9], [sflag:$0x1], $0x80, v3, vm0, $0xb8;
	[tilespmem:$0x18080] =	vst v63  }
0x63: {  	s0 =	rddreg [dreg:$0x14]  }
0x64: {  	[hbm4b:s4+s2] =	stream.indirect_vreg.scatter [tilespmem:s0], [sflag:$0x1], $0x80, v3, vm0, $0xb8;
	[tilespmem:$0x18080] =	vst v63  }
0x65: {  	s9 =	rddreg [dreg:$0x15]  }
0x66: {  	[hbm4b:s5+s2] =	stream.indirect_vreg.scatter [tilespmem:s9], [sflag:$0x1], $0x80, v3, vm0, $0xb8;
	[tilespmem:$0x18080] =	vst v63  }
0x67: {  	v3 =	vld [tilespmem:$0x30];
	_ =	sdelay $0x4  }
0x68: {  	v59 =	vshrl.u32 v3, $0x3  }
0x69: {  	v4 =	vmul.u32 $0x30, v59  }
0x6a: {  	v3 =	vand.u32 $0x7, v3  }
0x6b: {  	v3 =	vor.u32 v3, v4  }
0x6c: {  	v4 =	vperm.xlane v3, v0;
	_ =	sdelay $0x1  }
0x6d: {  	v4 =	vadd.s32 v1, v4;
	_ =	sdelay $0x3  }
0x6e: {  	s0 =	rddreg [dreg:$0x16];
	v3 =	vperm.xlane v3, v2  }
0x6f: {  	[hbm4b:s3+s2] =	stream.indirect_vreg.scatter [tilespmem:s0], [sflag:$0x1], $0x80, v4, vm0, $0xb8;
	[tilespmem:$0x18080] =	vst v63  }
0x70: {  	s9 =	rddreg [dreg:$0x17];
	v3 =	vadd.s32 v1, v3  }
0x71: {  	[hbm4b:s4+s2] =	stream.indirect_vreg.scatter [tilespmem:s9], [sflag:$0x1], $0x80, v4, vm0, $0xb8;
	[tilespmem:$0x18080] =	vst v63  }
0x72: {  	s0 =	rddreg [dreg:$0x18]  }
0x73: {  	[hbm4b:s5+s2] =	stream.indirect_vreg.scatter [tilespmem:s0], [sflag:$0x1], $0x80, v4, vm0, $0xb8;
	[tilespmem:$0x18080] =	vst v63  }
0x74: {  	s9 =	rddreg [dreg:$0x19]  }
0x75: {  	[hbm4b:s3+s2] =	stream.indirect_vreg.scatter [tilespmem:s9], [sflag:$0x1], $0x80, v3, vm0, $0xb8;
	[tilespmem:$0x18080] =	vst v63  }
0x76: {  	s0 =	rddreg [dreg:$0x1a]  }
0x77: {  	[hbm4b:s4+s2] =	stream.indirect_vreg.scatter [tilespmem:s0], [sflag:$0x1], $0x80, v3, vm0, $0xb8;
	[tilespmem:$0x18080] =	vst v63  }
0x78: {  	s9 =	rddreg [dreg:$0x1b]  }
0x79: {  	[hbm4b:s5+s2] =	stream.indirect_vreg.scatter [tilespmem:s9], [sflag:$0x1], $0x80, v3, vm0, $0xb8;
	[tilespmem:$0x18080] =	vst v63  }
0x7a: {  	v3 =	vld [tilespmem:$0x40];
	_ =	sdelay $0x4  }
0x7b: {  	v60 =	vshrl.u32 v3, $0x3  }
0x7c: {  	v4 =	vmul.u32 $0x30, v60  }
0x7d: {  	v3 =	vand.u32 $0x7, v3  }
0x7e: {  	v3 =	vor.u32 v3, v4  }
0x7f: {  	v4 =	vperm.xlane v3, v0;
	_ =	sdelay $0x1  }
0x80: {  	v4 =	vadd.s32 v1, v4;
	_ =	sdelay $0x3  }
0x81: {  	s0 =	rddreg [dreg:$0x1c];
	v3 =	vperm.xlane v3, v2  }
0x82: {  	[hbm4b:s3+s2] =	stream.indirect_vreg.scatter [tilespmem:s0], [sflag:$0x1], $0x80, v4, vm0, $0xb8;
	[tilespmem:$0x18080] =	vst v63  }
0x83: {  	s9 =	rddreg [dreg:$0x1d];
	v3 =	vadd.s32 v1, v3  }
0x84: {  	[hbm4b:s4+s2] =	stream.indirect_vreg.scatter [tilespmem:s9], [sflag:$0x1], $0x80, v4, vm0, $0xb8;
	[tilespmem:$0x18080] =	vst v63  }
0x85: {  	s9 =	simm.s32 $0xD080  }
0x86: {  	[hbm4b:s5+s2] =	stream.indirect_vreg.scatter [tilespmem:s9], [sflag:$0x1], $0x80, v4, vm0, $0xb8;
	[tilespmem:$0x18080] =	vst v63  }
0x87: {  	_ = 	snop  }
0x88: {  	[hbm4b:s3+s2] =	stream.indirect_vreg.scatter [tilespmem:s10], [sflag:$0x1], $0x80, v3, vm0, $0xb8;
	[tilespmem:$0x18080] =	vst v63  }
0x89: {  	_ = 	snop  }
0x8a: {  	[hbm4b:s4+s2] =	stream.indirect_vreg.scatter [tilespmem:s11], [sflag:$0x1], $0x80, v3, vm0, $0xb8;
	[tilespmem:$0x18080] =	vst v63  }
0x8b: {  	_ = 	snop  }
0x8c: {  	[hbm4b:s5+s2] =	stream.indirect_vreg.scatter [tilespmem:s12], [sflag:$0x1], $0x80, v3, vm0, $0xb8;
	[tilespmem:$0x18080] =	vst v63  }
0x8d: {  	v3 =	vld [tilespmem:$0x50];
	_ =	sdelay $0x4  }
0x8e: {  	v61 =	vshrl.u32 v3, $0x3  }
0x8f: {  	v4 =	vmul.u32 $0x30, v61  }
0x90: {  	v3 =	vand.u32 $0x7, v3  }
0x91: {  	v3 =	vor.u32 v3, v4  }
0x92: {  	v4 =	vperm.xlane v3, v0;
	_ =	sdelay $0x1  }
0x93: {  	v4 =	vadd.s32 v1, v4;
	_ =	sdelay $0x3  }
0x94: {  	v3 =	vperm.xlane v3, v2  }
0x95: {  	[hbm4b:s3+s2] =	stream.indirect_vreg.scatter [tilespmem:s13], [sflag:$0x1], $0x80, v4, vm0, $0xb8;
	[tilespmem:$0x18080] =	vst v63  }
0x96: {  	v3 =	vadd.s32 v1, v3  }
0x97: {  	[hbm4b:s4+s2] =	stream.indirect_vreg.scatter [tilespmem:s14], [sflag:$0x1], $0x80, v4, vm0, $0xb8;
	[tilespmem:$0x18080] =	vst v63  }
0x98: {  	_ = 	snop  }
0x99: {  	[hbm4b:s5+s2] =	stream.indirect_vreg.scatter [tilespmem:s15], [sflag:$0x1], $0x80, v4, vm0, $0xb8;
	[tilespmem:$0x18080] =	vst v63  }
0x9a: {  	_ = 	snop  }
0x9b: {  	[hbm4b:s3+s2] =	stream.indirect_vreg.scatter [tilespmem:s16], [sflag:$0x1], $0x80, v3, vm0, $0xb8;
	[tilespmem:$0x18080] =	vst v63  }
0x9c: {  	_ = 	snop  }
0x9d: {  	[hbm4b:s4+s2] =	stream.indirect_vreg.scatter [tilespmem:s17], [sflag:$0x1], $0x80, v3, vm0, $0xb8;
	[tilespmem:$0x18080] =	vst v63  }
0x9e: {  	_ = 	snop  }
0x9f: {  	[hbm4b:s5+s2] =	stream.indirect_vreg.scatter [tilespmem:s18], [sflag:$0x1], $0x80, v3, vm0, $0xb8;
	[tilespmem:$0x18080] =	vst v63  }
0xa0: {  	v3 =	vld [tilespmem:$0x60];
	_ =	sdelay $0x4  }
0xa1: {  	v62 =	vshrl.u32 v3, $0x3  }
0xa2: {  	v4 =	vmul.u32 $0x30, v62  }
0xa3: {  	v3 =	vand.u32 $0x7, v3  }
0xa4: {  	v3 =	vor.u32 v3, v4  }
0xa5: {  	v4 =	vperm.xlane v3, v0;
	_ =	sdelay $0x1  }
0xa6: {  	v4 =	vadd.s32 v1, v4;
	_ =	sdelay $0x3  }
0xa7: {  	v3 =	vperm.xlane v3, v2  }
0xa8: {  	[hbm4b:s3+s2] =	stream.indirect_vreg.scatter [tilespmem:s19], [sflag:$0x1], $0x80, v4, vm0, $0xb8;
	[tilespmem:$0x18080] =	vst v63  }
0xa9: {  	v3 =	vadd.s32 v1, v3  }
0xaa: {  	[hbm4b:s4+s2] =	stream.indirect_vreg.scatter [tilespmem:s20], [sflag:$0x1], $0x80, v4, vm0, $0xb8;
	[tilespmem:$0x18080] =	vst v63  }
0xab: {  	_ = 	snop  }
0xac: {  	[hbm4b:s5+s2] =	stream.indirect_vreg.scatter [tilespmem:s21], [sflag:$0x1], $0x80, v4, vm0, $0xb8;
	[tilespmem:$0x18080] =	vst v63  }
0xad: {  	_ = 	snop  }
0xae: {  	[hbm4b:s3+s2] =	stream.indirect_vreg.scatter [tilespmem:s22], [sflag:$0x1], $0x80, v3, vm0, $0xb8;
	[tilespmem:$0x18080] =	vst v63  }
0xaf: {  	_ = 	snop  }
0xb0: {  	[hbm4b:s4+s2] =	stream.indirect_vreg.scatter [tilespmem:s23], [sflag:$0x1], $0x80, v3, vm0, $0xb8;
	[tilespmem:$0x18080] =	vst v63  }
0xb1: {  	_ = 	snop  }
0xb2: {  	[hbm4b:s5+s2] =	stream.indirect_vreg.scatter [tilespmem:s24], [sflag:$0x1], $0x80, v3, vm0, $0xb8;
	[tilespmem:$0x18080] =	vst v63  }
0xb3: {  	v3 =	vld [tilespmem:$0x70];
	_ =	sdelay $0x4  }
0xb4: {  	v63 =	vshrl.u32 v3, $0x3  }
0xb5: {  	v4 =	vmul.u32 $0x30, v63  }
0xb6: {  	v3 =	vand.u32 $0x7, v3  }
0xb7: {  	v3 =	vor.u32 v3, v4  }
0xb8: {  	v4 =	vperm.xlane v3, v0;
	_ =	sdelay $0x1  }
0xb9: {  	v4 =	vadd.s32 v1, v4;
	_ =	sdelay $0x3  }
0xba: {  	v3 =	vperm.xlane v3, v2  }
0xbb: {  	[hbm4b:s3+s2] =	stream.indirect_vreg.scatter [tilespmem:s25], [sflag:$0x1], $0x80, v4, vm0, $0xb8;
	[tilespmem:$0x18080] =	vst v63  }
0xbc: {  	v3 =	vadd.s32 v1, v3  }
0xbd: {  	[hbm4b:s4+s2] =	stream.indirect_vreg.scatter [tilespmem:s26], [sflag:$0x1], $0x80, v4, vm0, $0xb8;
	[tilespmem:$0x18080] =	vst v63  }
0xbe: {  	_ = 	snop  }
0xbf: {  	[hbm4b:s5+s2] =	stream.indirect_vreg.scatter [tilespmem:s28], [sflag:$0x1], $0x80, v4, vm0, $0xb8;
	[tilespmem:$0x18080] =	vst v63  }
0xc0: {  	_ = 	snop  }
0xc1: {  	[hbm4b:s3+s2] =	stream.indirect_vreg.scatter [tilespmem:s29], [sflag:$0x1], $0x80, v3, vm0, $0xb8;
	[tilespmem:$0x18080] =	vst v63  }
0xc2: {  	p0 =	sne.s32 s6, $0x1  }
0xc3: {  	[hbm4b:s4+s2] =	stream.indirect_vreg.scatter [tilespmem:s30], [sflag:$0x1], $0x80, v3, vm0, $0xb8;
	[tilespmem:$0x18080] =	vst v63  }
.Ltmp0:
0xc4: {  	_ = 	snop;
	(pc) =	sbr.rel @p0 .LBB2_1-.Ltmp0, $4  }
0xc5: {  	[hbm4b:s5+s2] =	stream.indirect_vreg.scatter [tilespmem:s31], [sflag:$0x1], $0x80, v3, vm0, $0xb8;
	[tilespmem:$0x18080] =	vst v63  }
0xc6: {  	_ =	swait.ge [sflag:s1], $0x18000  }
0xc7: {  	[sflag:s1] =	ssyncset.done $0x0  }
0xc8: {  	s6 =	sadd.s32 $0xFFFFFFFF, s6;
	[sflag:s1] =	ssyncadd.s32 $0xFFFE8000  }
0xc9: {  	_ =	sfence.sel $0x180000  }
0xca: {  	[bflag:$0x0] =	sbarrier.arrive $0xFFFF  }
0xcb: {  	_ =	strace $0x90000047  }
0xcc: {  	s0 =	stileid.u32;
	[bflag:$0x2] =	sbarrier.arrive $0xFFFF  }
0xcd: {  	p0 =	sne.s32 s0, $0x0;
	s0 =	rddreg [dreg:$0x2]  }
0xce: {  	s0 =	sadd.s32 @!p0 $0x100000, s0  }
0xcf: {  	[sflag:s0] =	ssyncadd.tile.s32 @!p0 $0x1;
	_ =	shalt  }
.Lfunc_end2:
_tile_overlayer_lowered:
.L_overlay_start_2:
0xd0: {  	(tag) =	ssettag $0x2  }
0xd1: {  	s0 =	rddreg [dreg:$0x0];
	s2 =	stileid.u32  }
0xd2: {  	s1 =	rddreg [dreg:$0x1];
	p0 =	sne.s32 s2, $0x0  }
0xd3: {  	s3 =	rddreg [dreg:$0x2];
	[bflag:$0x3] =	sbarrier.arrive $0xFFFF;
	s2 =	simm.s32 @!p0 $0x1C02  }
0xd4: {  	[timem:s3], [sflag:s2] =	dma.local @!p0 [hbm:s0], s1  }
0xd5: {  	s0 =	simm.s32 @!p0 $0x2  }
0xd6: {  	_ =	swait.ge @!p0 [sflag:s0], s1  }
0xd7: {  	s1 =	ssub.s32 @!p0 $0x0, s1;
	[sflag:s0] =	ssyncset.done @!p0 $0x0  }
0xd8: {  	[sflag:s0] =	ssyncadd.s32 @!p0 s1  }
0xd9: {  	[bflag:$0x3] =	sbarrier.arrive $0xFFFF  }
0xda: {  	_ =	shalt  }

// kernel: kernel.13.cloned.1.call-start
scs
__scs_entry_jumppad:
0x0: {  	(pc) =	sbr.rel $0x88, $3  }
0x1: {  	(tag) =	ssettag $0x0;
	lr =	simm.s32 $0x1  }
0x2: {  	[smem:$0x3F95] =	sst lr;
	_ =	strace $0xD0000000  }
0x3: {  	_ = 	snop  }
0x4: {  	_ = 	snop  }
0x5: {  	_ = 	snop  }
0x6: {  	_ = 	snop  }
0x7: {  	_ = 	snop  }
__scs_overlays_trampoline_lowered:
0x8: {  	[smem:$0x3FA4] =	sst s0  }
0x9: {  	[smem:$0x3FA5] =	sst s1  }
0xa: {  	[smem:$0x3FA6] =	sst s2  }
0xb: {  	[smem:$0x3FA7] =	sst s3  }
0xc: {  	[smem:$0x3FA8] =	sst s4  }
0xd: {  	[smem:$0x3FA9] =	sst s5  }
0xe: {  	[smem:$0x3FAA] =	sst s6  }
0xf: {  	[smem:$0x3FAB] =	sst s7  }
0x10: {  	[smem:$0x3FAC] =	sst s8  }
0x11: {  	[smem:$0x3FAD] =	sst s9;
	s0 =	simm.s32 @!p0 $0x0  }
0x12: {  	s1 =	sld [smem:$0x3F93];
	s0 =	simm.s32 @p0 $0x1  }
0x13: {  	[smem:$0x3FAE] =	sst s0;
	s0 =	simm.s32 @!p1 $0x0  }
0x14: {  	s2 =	sld [smem:$0x3F92];
	s0 =	simm.s32 @p1 $0x1  }
0x15: {  	[smem:$0x3FAF] =	sst s0;
	s0 =	simm.s32 @!p2 $0x0  }
0x16: {  	s3 =	sld [smem:$0x3FDB];
	s0 =	simm.s32 @p2 $0x1  }
0x17: {  	s4 =	simm.s32 $0x1BF5;
	[smem:$0x3FB1] =	sst s0  }
0x18: {  	s0 =	sld [smem:$0x3F94];
	_ =	swait.ge [sflag:s4], $0x0  }
0x19: {  	s7 =	sld [smem:$0x3F95]  }
0x1a: {  	s8 =	sadd.s32 $0xFFFFE003, lr  }
0x1b: {  	s9 =	sadd.s32 $0xFFFFFEF7, lr;
	s5 =	simm.s32 $0xFFFFFFFF;
	p2 =	slt.u32 s8, $0xFFFFF086  }
0x1c: {  	p1 =	slt.u32 s9, $0xF7A;
	s5 =	simm.s32 @!p2 $0x0  }
0x1d: {  	s5 =	simm.s32 @p1 $0x1;
	p0 =	seq.s32 s7, s2  }
0x1e: {  	s7 =	smul.u32 @!p0 $0xF7A, s2;
	p2 =	seq.s32 @!p0 s5, $0x0  }
0x1f: {  	s9 =	smul.u32 $0xF7A, s1;
	s8 =	simm.s32 @!p0 $0x1BF5;
	p2 =	por !p2, p0  }
0x20: {  	[sflag:s8] =	ssyncset.s32 @!p0 $0xFFFFF086;
	s6 =	sadd.s32 @!p0 s3, s7;
	s7 =	simm.s32 @!p0 $0x108  }
0x21: {  	s3 =	sadd.s32 s3, s9;
	s6 =	sadd.s32 @!p0 $0x88, s6;
	s7 =	simm.s32 @p2 $0x1082  }
0x22: {  	[simem:s7], [sflag:s8] =	dma.local @!p0 [hbm:s6], $0xF7A  }
0x23: {  	s9 =	sor.u32 $0xD0000000, s2;
	s6 =	simm.s32 $0x108;
	_ =	swait.ge @!p0 [sflag:s8], $0x0  }
0x24: {  	s3 =	sadd.s32 $0x88, s3;
	s6 =	simm.s32 @!p1 $0x1082;
	[sflag:s4] =	ssyncset.s32 $0xFFFFF086  }
0x25: {  	[simem:s6], [sflag:s4] =	dma.local [hbm:s3], $0xF7A  }
0x26: {  	[smem:$0x3F95] =	sst s1;
	(tag) =	ssettag s2;
	_ =	strace s9  }
0x27: {  	s1 =	sld [smem:$0x3FA5]  }
0x28: {  	s2 =	sld [smem:$0x3FA6]  }
0x29: {  	s4 =	sld [smem:$0x3FA8]  }
0x2a: {  	p0 =	seq.s32 s5, $0x0;
	s5 =	sld [smem:$0x3FA9]  }
0x2b: {  	s6 =	sld [smem:$0x3FAA]  }
0x2c: {  	s7 =	sld [smem:$0x3FAB]  }
0x2d: {  	s3 =	simm.s32 $0x108;
	s8 =	sld [smem:$0x3FAC]  }
0x2e: {  	s3 =	simm.s32 @!p0 $0x1082;
	s9 =	sld [smem:$0x3FAD]  }
0x2f: {  	lr =	sadd.s32 s0, s3;
	s0 =	sld [smem:$0x3FA4]  }
0x30: {  	s3 =	sld [smem:$0x3FA7]  }
0x31: {  	[smem:$0x3FB0] =	sst s10  }
0x32: {  	s10 =	sld [smem:$0x3FAE];
	_ =	sdelay $0x3  }
0x33: {  	p0 =	seq.s32 s10, $0x1;
	s10 =	sld [smem:$0x3FB0];
	_ =	sdelay $0x3  }
0x34: {  	[smem:$0x3FB0] =	sst s10  }
0x35: {  	s10 =	sld [smem:$0x3FAF];
	_ =	sdelay $0x3  }
0x36: {  	p1 =	seq.s32 s10, $0x1;
	s10 =	sld [smem:$0x3FB0];
	_ =	sdelay $0x3  }
0x37: {  	[smem:$0x3FB0] =	sst s10  }
0x38: {  	s10 =	sld [smem:$0x3FB1]  }
0x39: {  	_ = 	snop;
	(pc) =	sbr.ind lr, $3  }
0x3a: {  	_ = 	snop  }
0x3b: {  	_ = 	snop  }
0x3c: {  	p2 =	seq.s32 s10, $0x1;
	s10 =	sld [smem:$0x3FB0]  }
0x3d: {  	_ =	shalt  }
0x3e: {  	_ =	shalt  }
0x3f: {  	_ =	shalt  }
0x40: {  	_ =	shalt  }
0x41: {  	_ =	shalt  }
0x42: {  	_ =	shalt  }
0x43: {  	_ =	shalt  }
0x44: {  	_ =	shalt  }
0x45: {  	_ =	shalt  }
0x46: {  	_ =	shalt  }
0x47: {  	_ =	shalt  }
0x48: {  	_ =	shalt  }
0x49: {  	_ =	shalt  }
0x4a: {  	_ =	shalt  }
0x4b: {  	_ =	shalt  }
0x4c: {  	_ =	shalt  }
0x4d: {  	_ =	shalt  }
0x4e: {  	_ =	shalt  }
0x4f: {  	_ =	shalt  }
0x50: {  	_ =	shalt  }
0x51: {  	_ =	shalt  }
0x52: {  	_ =	shalt  }
0x53: {  	_ =	shalt  }
0x54: {  	_ =	shalt  }
0x55: {  	_ =	shalt  }
0x56: {  	_ =	shalt  }
0x57: {  	_ =	shalt  }
0x58: {  	_ =	shalt  }
0x59: {  	_ =	shalt  }
0x5a: {  	_ =	shalt  }
0x5b: {  	_ =	shalt  }
0x5c: {  	_ =	shalt  }
0x5d: {  	_ =	shalt  }
0x5e: {  	_ =	shalt  }
0x5f: {  	_ =	shalt  }
0x60: {  	_ =	shalt  }
0x61: {  	_ =	shalt  }
0x62: {  	_ =	shalt  }
0x63: {  	_ =	shalt  }
0x64: {  	_ =	shalt  }
0x65: {  	_ =	shalt  }
0x66: {  	_ =	shalt  }
0x67: {  	_ =	shalt  }
0x68: {  	_ =	shalt  }
0x69: {  	_ =	shalt  }
0x6a: {  	_ =	shalt  }
0x6b: {  	_ =	shalt  }
0x6c: {  	_ =	shalt  }
0x6d: {  	_ =	shalt  }
0x6e: {  	_ =	shalt  }
0x6f: {  	_ =	shalt  }
0x70: {  	_ =	shalt  }
0x71: {  	_ =	shalt  }
0x72: {  	_ =	shalt  }
0x73: {  	_ =	shalt  }
0x74: {  	_ =	shalt  }
0x75: {  	_ =	shalt  }
0x76: {  	_ =	shalt  }
0x77: {  	_ =	shalt  }
0x78: {  	_ =	shalt  }
0x79: {  	_ =	shalt  }
0x7a: {  	_ =	shalt  }
0x7b: {  	_ =	shalt  }
0x7c: {  	_ =	shalt  }
0x7d: {  	_ =	shalt  }
0x7e: {  	_ =	shalt  }
0x7f: {  	_ =	shalt  }
0x80: {  	_ =	shalt  }
0x81: {  	_ =	shalt  }
0x82: {  	_ =	shalt  }
0x83: {  	_ =	shalt  }
0x84: {  	_ =	shalt  }
0x85: {  	_ =	shalt  }
0x86: {  	_ =	shalt  }
0x87: {  	_ =	shalt  }
.Lfunc_end0:
.L_simem_size_0:
called_computation.1_lowered:
.L_overlay_start_0:
0x88: {  	s2 =	sld [smem:$0x3FD9]  }
0x89: {  	s3 =	sld [smem:$0x3FFE];
	_ =	sdelay $0x1  }
0x8a: {  	s1 =	srdreg.scid  }
0x8b: {  	s0 =	sand.u32 $0x1, s1  }
0x8c: {  	s16 =	sshll.u32 s0, $0xA;
	s2 =	sadd.s32 s3, s2  }
0x8d: {  	s2 =	sadd.s32 s2, s16  }
0x8e: {  	[smem:$0x3FBC] =	sst s2  }
0x8f: {  	_ = 	snop  }
0x90: {  	(tm) =	ssettm $0x1  }
0x91: {  	s17 =	sld [smem:$0x3FFB];
	_ =	sdelay $0x3  }
0x92: {  	_ =	strace s17  }
0x93: {  	s2 =	sld [smem:$0x3FFC];
	_ =	sdelay $0x3  }
0x94: {  	_ =	strace s2  }
0x95: {  	s2 =	sld [smem:$0x3FFD];
	_ =	sdelay $0x3  }
0x96: {  	_ =	strace s2  }
0x97: {  	_ =	strace $0x8FFFFFFF  }
0x98: {  	s18 =	sld [smem:$0x3FDB];
	_ =	sdelay $0x1  }
0x99: {  	s19 =	simm.s32 $_scs_section_size  }
0x9a: {  	s4 =	simm.s32 $_size__tile_overlayer_lowered;
	s5 =	simm.s32 $_tile_overlayer_lowered  }
0x9b: {  	s22 =	simm.s32 $0x1BFF;
	s21 =	sshll.u32 s5, $0x1;
	s2 =	sadd.s32 s19, s18  }
0x9c: {  	s6 =	simm.s32 $0x0;
	s20 =	sshll.u32 s4, $0x1;
	s4 =	sadd.s32 s21, s2  }
0x9d: {  	[timem:s6], [sflag:s22] =	dma.local [hbm:s4], s20  }
0x9e: {  	_ =	swait.ge [sflag:s22], s20  }
0x9f: {  	s3 =	ssub.s32 $0x0, s20;
	[sflag:s22] =	ssyncset.done $0x0  }
0xa0: {  	[sflag:s22] =	ssyncadd.s32 s3;
	_ =	sdelay $0x1  }
0xa1: {  	s23 =	simm.s32 $0x1B8B  }
0xa2: {  	_ =	swait.ge [sflag:s23], $0x1  }
0xa3: {  	[sflag:s23] =	ssyncset.done $0x0  }
0xa4: {  	s25 =	simm.s32 $0x1B8E;
	s24 =	sld [smem:$0x3FFE];
	[sflag:s23] =	ssyncadd.s32 $0xFFFFFFFF  }
0xa5: {  	s26 =	simm.s32 $execute0_lowered;
	[smem:$0x3FD2] =	sst s25  }
0xa6: {  	s4 =	sshll.u32 s26, $0x1;
	_ =	strace $0x80000049;
	[dreg:$0x1] =	wrdreg $0xFFFFFFFF  }
0xa7: {  	s28 =	simm.s32 $_size_execute0_lowered;
	s2 =	sadd.s32 s2, s4;
	[dreg:$0x0] =	wrdreg $0x0  }
0xa8: {  	s4 =	sshll.u32 s28, $0x1;
	[dreg:$0x2] =	wrdreg s2  }
0xa9: {  	[dreg:$0x3] =	wrdreg s4  }
0xaa: {  	[dreg:$0x4] =	wrdreg $0xC0  }
0xab: {  	_ =	task [dreg:s6], $0x5FFFF  }
0xac: {  	[dreg:$0x1] =	wrdreg $0xFFFFFFFF  }
0xad: {  	[dreg:$0x0] =	wrdreg $0x60  }
0xae: {  	[dreg:$0x2] =	wrdreg s24  }
0xaf: {  	[dreg:$0x3] =	wrdreg $0x9  }
0xb0: {  	_ =	task.clear_ibuf [dreg:s6], $0x4FFFF;
	_ =	strace $0x90000049  }
0xb1: {  	s29 =	simm.s32 $0x9;
	_ =	strace $0x8000004B  }
0xb2: {  	_ =	swait.ge [sflag:s29], $0x1  }
0xb3: {  	[sflag:s29] =	ssyncadd.s32 $0xFFFFFFFF  }
0xb4: {  	_ =	strace $0x9000004B  }
0xb5: {  	_ =	sfence  }
0xb6: {  	s30 =	sld [smem:$0x0];
	_ =	sdelay $0x2  }
0xb7: {  	s31 =	sshll.u32 s1, $0xD;
	s1 =	sshrl.u32 s1, $0x2  }
0xb8: {  	s3 =	sand.u32 $0x4000, s31;
	s1 =	sadd.s32 s1, s30  }
0xb9: {  	s0 =	sor.u32 s3, s0;
	s1 =	sshll.u32 s1, $0x11  }
0xba: {  	s0 =	sor.u32 s1, s0  }
0xbb: {  	s0 =	sadd.s32 $0x8F2B, s0  }
0xbc: {  	[sflag:s0] =	ssyncadd.remote.s32 $0x1  }
0xbd: {  	_ =	sfence.sel $0xFFFF  }
0xbe: {  	[dreg:$0x0] =	wrdreg $0xFFFFFFFF;
	(pc) =	sbr.abs _section_cstart, $3  }
0xbf: {  	[dreg:$0x1] =	wrdreg $0xFFFFFFFF  }
0xc0: {  	_ =	task.clear_ibuf [dreg:s6], $0x2FFFF;
	_ =	strace $0x9FFFFFFF  }
0xc1: {  	(tm) =	ssettm $0x7FFFFFFF  }
tec
execute0_lowered:
.L_overlay_start_1:
0x0: {  	(tag) =	ssettag $0x1  }
0x1: {  	s0 =	srdreg.scid  }
0x2: {  	s2 =	stileid.u32;
	s1 =	rddreg [dreg:$0x0];
	s10 =	simm.s32 $0x880  }
0x3: {  	s11 =	simm.s32 $0x1080;
	s12 =	simm.s32 $0x1880;
	s13 =	simm.s32 $0x2080  }
0x4: {  	s14 =	simm.s32 $0x2880;
	s15 =	simm.s32 $0x3080;
	s16 =	simm.s32 $0x3880  }
0x5: {  	s17 =	simm.s32 $0x4080;
	s18 =	simm.s32 $0x4880;
	s19 =	simm.s32 $0x5080  }
0x6: {  	s20 =	simm.s32 $0x5880;
	s21 =	simm.s32 $0x6080;
	s22 =	simm.s32 $0x6880  }
0x7: {  	s23 =	simm.s32 $0x7080;
	s24 =	simm.s32 $0x7880;
	s28 =	simm.s32 $0x9080  }
0x8: {  	s29 =	simm.s32 $0x9880;
	s30 =	simm.s32 $0xA080;
	s31 =	simm.s32 $0xA880  }
0x9: {  	s0 =	sand.u32 $0x1, s0;
	s3 =	sshll.u32 s2, $0x4;
	s2 =	simm.s32 $0x0  }
0xa: {  	s4 =	sshll.u32 s0, $0x3;
	[smem:$0x7FF] =	sst s2;
	s0 =	ssub.s32 $0x2, s0  }
0xb: {  	s3 =	sor.u32 s4, s3;
	_ =	strace $0x8000004A;
	s7 =	sshrl.u32 s0, $0x1  }
0xc: {  	s4 =	smul.u32 $0x300, s3;
	s5 =	sadd.s32 s3, s1;
	s3 =	sadd.s32 $0x12A00, s1  }
0xd: {  	s0 =	ssub.s32 s0, s7;
	s7 =	simm.s32 $0x2;
	s6 =	sadd.s32 $0x2E2E00, s5  }
0xe: {  	s5 =	sadd.s32 $0xA2C00, s5;
	s4 =	sadd.s32 s4, s1;
	[dreg:$0x2] =	wrdreg s6  }
0xf: {  	[dreg:$0x4] =	wrdreg s5;
	s5 =	sadd.s32 $0x12C00, s1;
	s6 =	smax.u32 s0, $0x1  }
0x10: {  	v2 =	vlaneseq.u32;
	s0 =	simm.s32 $0x1;
	s25 =	sadd.s32 $0xA2E00, s4;
	s26 =	sadd.s32 $0xD2E00, s4  }
0x11: {  	vm0 =	vmmov $0xffff;
	v1 =	vshrl.u32 v2, $0x3;
	s4 =	sadd.s32 $0x12B00, s1;
	s1 =	simm.s32 $0x80;
	[dreg:$0x3] =	wrdreg s25  }
0x12: {  	v0 =	vand.u32 $0x7, v2;
	v2 =	vor.u32 $0x8, v2;
	v1 =	vmul.u32 $0x8, v1;
	[dreg:$0x5] =	wrdreg s26;
	s25 =	simm.s32 $0x8080;
	s26 =	simm.s32 $0x8880  }
.LBB2_1:
0x13: {  	s9 =	rddreg [dreg:$0x2]  }
0x14: {  	[tilespmem:s2], [sflag:$0x2] =	stream.linear.gather [hbm4b:s9+s2], $0x40, $0x38;
	[tilespmem:$0xC080] =	vst v63  }
0x15: {  	_ =	swait.ge [sflag:s7], $0x40  }
0x16: {  	[sflag:s7] =	ssyncset.done $0x0  }
0x17: {  	[sflag:s7] =	ssyncadd.s32 $0xFFFFFFC0  }
0x18: {  	v3 =	vld [tilespmem:$0x0];
	_ =	sdelay $0x4  }
0x19: {  	v4 =	vshrl.u32 v3, $0x3  }
0x1a: {  	v4 =	vmul.u32 $0x30, v4  }
0x1b: {  	v3 =	vand.u32 $0x7, v3  }
0x1c: {  	v3 =	vor.u32 v3, v4  }
0x1d: {  	v4 =	vperm.xlane v3, v0;
	_ =	sdelay $0x1  }
0x1e: {  	v4 =	vadd.s32 v1, v4;
	_ =	sdelay $0x3  }
0x1f: {  	v3 =	vperm.xlane v3, v2  }
0x20: {  	[tilespmem:s1], [sflag:$0x1] =	stream.indirect_vreg.gather [hbm4b:s3+s2], $0x80, v4, vm0, $0xb8;
	[tilespmem:$0xC080] =	vst v63  }
0x21: {  	v3 =	vadd.s32 v1, v3  }
0x22: {  	[tilespmem:s10], [sflag:$0x1] =	stream.indirect_vreg.gather [hbm4b:s4+s2], $0x80, v4, vm0, $0xb8;
	[tilespmem:$0xC080] =	vst v63  }
0x23: {  	_ = 	snop  }
0x24: {  	[tilespmem:s11], [sflag:$0x1] =	stream.indirect_vreg.gather [hbm4b:s5+s2], $0x80, v4, vm0, $0xb8;
	[tilespmem:$0xC080] =	vst v63  }
0x25: {  	_ = 	snop  }
0x26: {  	[tilespmem:s12], [sflag:$0x1] =	stream.indirect_vreg.gather [hbm4b:s3+s2], $0x80, v3, vm0, $0xb8;
	[tilespmem:$0xC080] =	vst v63  }
0x27: {  	_ = 	snop  }
0x28: {  	[tilespmem:s13], [sflag:$0x1] =	stream.indirect_vreg.gather [hbm4b:s4+s2], $0x80, v3, vm0, $0xb8;
	[tilespmem:$0xC080] =	vst v63  }
0x29: {  	_ = 	snop  }
0x2a: {  	[tilespmem:s14], [sflag:$0x1] =	stream.indirect_vreg.gather [hbm4b:s5+s2], $0x80, v3, vm0, $0xb8;
	[tilespmem:$0xC080] =	vst v63  }
0x2b: {  	v3 =	vld [tilespmem:$0x10];
	_ =	sdelay $0x4  }
0x2c: {  	v57 =	vshrl.u32 v3, $0x3  }
0x2d: {  	v4 =	vmul.u32 $0x30, v57  }
0x2e: {  	v3 =	vand.u32 $0x7, v3  }
0x2f: {  	v3 =	vor.u32 v3, v4  }
0x30: {  	v4 =	vperm.xlane v3, v0;
	_ =	sdelay $0x1  }
0x31: {  	v4 =	vadd.s32 v1, v4;
	_ =	sdelay $0x3  }
0x32: {  	v3 =	vperm.xlane v3, v2  }
0x33: {  	[tilespmem:s15], [sflag:$0x1] =	stream.indirect_vreg.gather [hbm4b:s3+s2], $0x80, v4, vm0, $0xb8;
	[tilespmem:$0xC080] =	vst v63  }
0x34: {  	v3 =	vadd.s32 v1, v3  }
0x35: {  	[tilespmem:s16], [sflag:$0x1] =	stream.indirect_vreg.gather [hbm4b:s4+s2], $0x80, v4, vm0, $0xb8;
	[tilespmem:$0xC080] =	vst v63  }
0x36: {  	_ = 	snop  }
0x37: {  	[tilespmem:s17], [sflag:$0x1] =	stream.indirect_vreg.gather [hbm4b:s5+s2], $0x80, v4, vm0, $0xb8;
	[tilespmem:$0xC080] =	vst v63  }
0x38: {  	_ = 	snop  }
0x39: {  	[tilespmem:s18], [sflag:$0x1] =	stream.indirect_vreg.gather [hbm4b:s3+s2], $0x80, v3, vm0, $0xb8;
	[tilespmem:$0xC080] =	vst v63  }
0x3a: {  	_ = 	snop  }
0x3b: {  	[tilespmem:s19], [sflag:$0x1] =	stream.indirect_vreg.gather [hbm4b:s4+s2], $0x80, v3, vm0, $0xb8;
	[tilespmem:$0xC080] =	vst v63  }
0x3c: {  	_ = 	snop  }
0x3d: {  	[tilespmem:s20], [sflag:$0x1] =	stream.indirect_vreg.gather [hbm4b:s5+s2], $0x80, v3, vm0, $0xb8;
	[tilespmem:$0xC080] =	vst v63  }
0x3e: {  	v3 =	vld [tilespmem:$0x20];
	_ =	sdelay $0x4  }
0x3f: {  	v58 =	vshrl.u32 v3, $0x3  }
0x40: {  	v4 =	vmul.u32 $0x30, v58  }
0x41: {  	v3 =	vand.u32 $0x7, v3  }
0x42: {  	v3 =	vor.u32 v3, v4  }
0x43: {  	v4 =	vperm.xlane v3, v0;
	_ =	sdelay $0x1  }
0x44: {  	v4 =	vadd.s32 v1, v4;
	_ =	sdelay $0x3  }
0x45: {  	v3 =	vperm.xlane v3, v2  }
0x46: {  	[tilespmem:s21], [sflag:$0x1] =	stream.indirect_vreg.gather [hbm4b:s3+s2], $0x80, v4, vm0, $0xb8;
	[tilespmem:$0xC080] =	vst v63  }
0x47: {  	v3 =	vadd.s32 v1, v3  }
0x48: {  	[tilespmem:s22], [sflag:$0x1] =	stream.indirect_vreg.gather [hbm4b:s4+s2], $0x80, v4, vm0, $0xb8;
	[tilespmem:$0xC080] =	vst v63  }
0x49: {  	_ = 	snop  }
0x4a: {  	[tilespmem:s23], [sflag:$0x1] =	stream.indirect_vreg.gather [hbm4b:s5+s2], $0x80, v4, vm0, $0xb8;
	[tilespmem:$0xC080] =	vst v63  }
0x4b: {  	_ = 	snop  }
0x4c: {  	[tilespmem:s24], [sflag:$0x1] =	stream.indirect_vreg.gather [hbm4b:s3+s2], $0x80, v3, vm0, $0xb8;
	[tilespmem:$0xC080] =	vst v63  }
0x4d: {  	_ = 	snop  }
0x4e: {  	[tilespmem:s25], [sflag:$0x1] =	stream.indirect_vreg.gather [hbm4b:s4+s2], $0x80, v3, vm0, $0xb8;
	[tilespmem:$0xC080] =	vst v63  }
0x4f: {  	_ = 	snop  }
0x50: {  	[tilespmem:s26], [sflag:$0x1] =	stream.indirect_vreg.gather [hbm4b:s5+s2], $0x80, v3, vm0, $0xb8;
	[tilespmem:$0xC080] =	vst v63  }
0x51: {  	v3 =	vld [tilespmem:$0x30];
	_ =	sdelay $0x4  }
0x52: {  	v59 =	vshrl.u32 v3, $0x3  }
0x53: {  	v4 =	vmul.u32 $0x30, v59  }
0x54: {  	v3 =	vand.u32 $0x7, v3  }
0x55: {  	v3 =	vor.u32 v3, v4  }
0x56: {  	v4 =	vperm.xlane v3, v0;
	_ =	sdelay $0x1  }
0x57: {  	v4 =	vadd.s32 v1, v4;
	_ =	sdelay $0x3  }
0x58: {  	v3 =	vperm.xlane v3, v2  }
0x59: {  	[tilespmem:s28], [sflag:$0x1] =	stream.indirect_vreg.gather [hbm4b:s3+s2], $0x80, v4, vm0, $0xb8;
	[tilespmem:$0xC080] =	vst v63  }
0x5a: {  	v3 =	vadd.s32 v1, v3  }
0x5b: {  	[tilespmem:s29], [sflag:$0x1] =	stream.indirect_vreg.gather [hbm4b:s4+s2], $0x80, v4, vm0, $0xb8;
	[tilespmem:$0xC080] =	vst v63  }
0x5c: {  	_ = 	snop  }
0x5d: {  	[tilespmem:s30], [sflag:$0x1] =	stream.indirect_vreg.gather [hbm4b:s5+s2], $0x80, v4, vm0, $0xb8;
	[tilespmem:$0xC080] =	vst v63  }
0x5e: {  	_ = 	snop  }
0x5f: {  	[tilespmem:s31], [sflag:$0x1] =	stream.indirect_vreg.gather [hbm4b:s3+s2], $0x80, v3, vm0, $0xb8;
	[tilespmem:$0xC080] =	vst v63  }
0x60: {  	s8 =	simm.s32 $0xB080  }
0x61: {  	[tilespmem:s8], [sflag:$0x1] =	stream.indirect_vreg.gather [hbm4b:s4+s2], $0x80, v3, vm0, $0xb8;
	[tilespmem:$0xC080] =	vst v63  }
0x62: {  	s8 =	simm.s32 $0xB880  }
0x63: {  	[tilespmem:s8], [sflag:$0x1] =	stream.indirect_vreg.gather [hbm4b:s5+s2], $0x80, v3, vm0, $0xb8;
	[tilespmem:$0xC080] =	vst v63  }
0x64: {  	_ =	swait.ge [sflag:s0], $0xC000  }
0x65: {  	[sflag:s0] =	ssyncset.done $0x0  }
0x66: {  	s9 =	rddreg [dreg:$0x3];
	[sflag:s0] =	ssyncadd.s32 $0xFFFF4000  }
0x67: {  	[hbm4b:s9+s2] =	stream.linear.scatter [tilespmem:s1], [sflag:$0x2], $0xC000, $0x38;
	[tilespmem:$0xC080] =	vst v63  }
0x68: {  	_ =	swait.ge [sflag:s7], $0xC000  }
0x69: {  	[sflag:s7] =	ssyncset.done $0x0  }
0x6a: {  	s9 =	rddreg [dreg:$0x4];
	[sflag:s7] =	ssyncadd.s32 $0xFFFF4000  }
0x6b: {  	[tilespmem:s2], [sflag:$0x2] =	stream.linear.gather [hbm4b:s9+s2], $0x40, $0x38;
	[tilespmem:$0xC080] =	vst v63  }
0x6c: {  	_ =	swait.ge [sflag:s7], $0x40  }
0x6d: {  	[sflag:s7] =	ssyncset.done $0x0  }
0x6e: {  	[sflag:s7] =	ssyncadd.s32 $0xFFFFFFC0  }
0x6f: {  	v3 =	vld [tilespmem:$0x0];
	_ =	sdelay $0x4  }
0x70: {  	v60 =	vshrl.u32 v3, $0x3  }
0x71: {  	v4 =	vmul.u32 $0x30, v60  }
0x72: {  	v3 =	vand.u32 $0x7, v3  }
0x73: {  	v3 =	vor.u32 v3, v4  }
0x74: {  	v4 =	vperm.xlane v3, v0;
	_ =	sdelay $0x1  }
0x75: {  	v4 =	vadd.s32 v1, v4;
	_ =	sdelay $0x3  }
0x76: {  	v3 =	vperm.xlane v3, v2  }
0x77: {  	[tilespmem:s1], [sflag:$0x1] =	stream.indirect_vreg.gather [hbm4b:s3+s2], $0x80, v4, vm0, $0xb8;
	[tilespmem:$0xC080] =	vst v63  }
0x78: {  	v3 =	vadd.s32 v1, v3  }
0x79: {  	[tilespmem:s10], [sflag:$0x1] =	stream.indirect_vreg.gather [hbm4b:s4+s2], $0x80, v4, vm0, $0xb8;
	[tilespmem:$0xC080] =	vst v63  }
0x7a: {  	_ = 	snop  }
0x7b: {  	[tilespmem:s11], [sflag:$0x1] =	stream.indirect_vreg.gather [hbm4b:s5+s2], $0x80, v4, vm0, $0xb8;
	[tilespmem:$0xC080] =	vst v63  }
0x7c: {  	_ = 	snop  }
0x7d: {  	[tilespmem:s12], [sflag:$0x1] =	stream.indirect_vreg.gather [hbm4b:s3+s2], $0x80, v3, vm0, $0xb8;
	[tilespmem:$0xC080] =	vst v63  }
0x7e: {  	_ = 	snop  }
0x7f: {  	[tilespmem:s13], [sflag:$0x1] =	stream.indirect_vreg.gather [hbm4b:s4+s2], $0x80, v3, vm0, $0xb8;
	[tilespmem:$0xC080] =	vst v63  }
0x80: {  	_ = 	snop  }
0x81: {  	[tilespmem:s14], [sflag:$0x1] =	stream.indirect_vreg.gather [hbm4b:s5+s2], $0x80, v3, vm0, $0xb8;
	[tilespmem:$0xC080] =	vst v63  }
0x82: {  	v3 =	vld [tilespmem:$0x10];
	_ =	sdelay $0x4  }
0x83: {  	v61 =	vshrl.u32 v3, $0x3  }
0x84: {  	v4 =	vmul.u32 $0x30, v61  }
0x85: {  	v3 =	vand.u32 $0x7, v3  }
0x86: {  	v3 =	vor.u32 v3, v4  }
0x87: {  	v4 =	vperm.xlane v3, v0;
	_ =	sdelay $0x1  }
0x88: {  	v4 =	vadd.s32 v1, v4;
	_ =	sdelay $0x3  }
0x89: {  	v3 =	vperm.xlane v3, v2  }
0x8a: {  	[tilespmem:s15], [sflag:$0x1] =	stream.indirect_vreg.gather [hbm4b:s3+s2], $0x80, v4, vm0, $0xb8;
	[tilespmem:$0xC080] =	vst v63  }
0x8b: {  	v3 =	vadd.s32 v1, v3  }
0x8c: {  	[tilespmem:s16], [sflag:$0x1] =	stream.indirect_vreg.gather [hbm4b:s4+s2], $0x80, v4, vm0, $0xb8;
	[tilespmem:$0xC080] =	vst v63  }
0x8d: {  	_ = 	snop  }
0x8e: {  	[tilespmem:s17], [sflag:$0x1] =	stream.indirect_vreg.gather [hbm4b:s5+s2], $0x80, v4, vm0, $0xb8;
	[tilespmem:$0xC080] =	vst v63  }
0x8f: {  	_ = 	snop  }
0x90: {  	[tilespmem:s18], [sflag:$0x1] =	stream.indirect_vreg.gather [hbm4b:s3+s2], $0x80, v3, vm0, $0xb8;
	[tilespmem:$0xC080] =	vst v63  }
0x91: {  	_ = 	snop  }
0x92: {  	[tilespmem:s19], [sflag:$0x1] =	stream.indirect_vreg.gather [hbm4b:s4+s2], $0x80, v3, vm0, $0xb8;
	[tilespmem:$0xC080] =	vst v63  }
0x93: {  	_ = 	snop  }
0x94: {  	[tilespmem:s20], [sflag:$0x1] =	stream.indirect_vreg.gather [hbm4b:s5+s2], $0x80, v3, vm0, $0xb8;
	[tilespmem:$0xC080] =	vst v63  }
0x95: {  	v3 =	vld [tilespmem:$0x20];
	_ =	sdelay $0x4  }
0x96: {  	v62 =	vshrl.u32 v3, $0x3  }
0x97: {  	v4 =	vmul.u32 $0x30, v62  }
0x98: {  	v3 =	vand.u32 $0x7, v3  }
0x99: {  	v3 =	vor.u32 v3, v4  }
0x9a: {  	v4 =	vperm.xlane v3, v0;
	_ =	sdelay $0x1  }
0x9b: {  	v4 =	vadd.s32 v1, v4;
	_ =	sdelay $0x3  }
0x9c: {  	v3 =	vperm.xlane v3, v2  }
0x9d: {  	[tilespmem:s21], [sflag:$0x1] =	stream.indirect_vreg.gather [hbm4b:s3+s2], $0x80, v4, vm0, $0xb8;
	[tilespmem:$0xC080] =	vst v63  }
0x9e: {  	v3 =	vadd.s32 v1, v3  }
0x9f: {  	[tilespmem:s22], [sflag:$0x1] =	stream.indirect_vreg.gather [hbm4b:s4+s2], $0x80, v4, vm0, $0xb8;
	[tilespmem:$0xC080] =	vst v63  }
0xa0: {  	_ = 	snop  }
0xa1: {  	[tilespmem:s23], [sflag:$0x1] =	stream.indirect_vreg.gather [hbm4b:s5+s2], $0x80, v4, vm0, $0xb8;
	[tilespmem:$0xC080] =	vst v63  }
0xa2: {  	_ = 	snop  }
0xa3: {  	[tilespmem:s24], [sflag:$0x1] =	stream.indirect_vreg.gather [hbm4b:s3+s2], $0x80, v3, vm0, $0xb8;
	[tilespmem:$0xC080] =	vst v63  }
0xa4: {  	_ = 	snop  }
0xa5: {  	[tilespmem:s25], [sflag:$0x1] =	stream.indirect_vreg.gather [hbm4b:s4+s2], $0x80, v3, vm0, $0xb8;
	[tilespmem:$0xC080] =	vst v63  }
0xa6: {  	_ = 	snop  }
0xa7: {  	[tilespmem:s26], [sflag:$0x1] =	stream.indirect_vreg.gather [hbm4b:s5+s2], $0x80, v3, vm0, $0xb8;
	[tilespmem:$0xC080] =	vst v63  }
0xa8: {  	v3 =	vld [tilespmem:$0x30];
	_ =	sdelay $0x4  }
0xa9: {  	v63 =	vshrl.u32 v3, $0x3  }
0xaa: {  	v4 =	vmul.u32 $0x30, v63  }
0xab: {  	v3 =	vand.u32 $0x7, v3  }
0xac: {  	v3 =	vor.u32 v3, v4  }
0xad: {  	v4 =	vperm.xlane v3, v0;
	_ =	sdelay $0x1  }
0xae: {  	v4 =	vadd.s32 v1, v4;
	_ =	sdelay $0x3  }
0xaf: {  	v3 =	vperm.xlane v3, v2  }
0xb0: {  	[tilespmem:s28], [sflag:$0x1] =	stream.indirect_vreg.gather [hbm4b:s3+s2], $0x80, v4, vm0, $0xb8;
	[tilespmem:$0xC080] =	vst v63  }
0xb1: {  	v3 =	vadd.s32 v1, v3  }
0xb2: {  	[tilespmem:s29], [sflag:$0x1] =	stream.indirect_vreg.gather [hbm4b:s4+s2], $0x80, v4, vm0, $0xb8;
	[tilespmem:$0xC080] =	vst v63  }
0xb3: {  	_ = 	snop  }
0xb4: {  	[tilespmem:s30], [sflag:$0x1] =	stream.indirect_vreg.gather [hbm4b:s5+s2], $0x80, v4, vm0, $0xb8;
	[tilespmem:$0xC080] =	vst v63  }
0xb5: {  	_ = 	snop  }
0xb6: {  	[tilespmem:s31], [sflag:$0x1] =	stream.indirect_vreg.gather [hbm4b:s3+s2], $0x80, v3, vm0, $0xb8;
	[tilespmem:$0xC080] =	vst v63  }
0xb7: {  	s9 =	simm.s32 $0xB080  }
0xb8: {  	[tilespmem:s9], [sflag:$0x1] =	stream.indirect_vreg.gather [hbm4b:s4+s2], $0x80, v3, vm0, $0xb8;
	[tilespmem:$0xC080] =	vst v63  }
0xb9: {  	_ = 	snop  }
0xba: {  	[tilespmem:s8], [sflag:$0x1] =	stream.indirect_vreg.gather [hbm4b:s5+s2], $0x80, v3, vm0, $0xb8;
	[tilespmem:$0xC080] =	vst v63  }
0xbb: {  	_ =	swait.ge [sflag:s0], $0xC000  }
0xbc: {  	p0 =	sne.s32 s6, $0x1;
	[sflag:s0] =	ssyncset.done $0x0  }
.Ltmp0:
0xbd: {  	s8 =	rddreg [dreg:$0x5];
	[sflag:s0] =	ssyncadd.s32 $0xFFFF4000;
	(pc) =	sbr.rel @p0 .LBB2_1-.Ltmp0, $4  }
0xbe: {  	[hbm4b:s8+s2] =	stream.linear.scatter [tilespmem:s1], [sflag:$0x2], $0xC000, $0x38;
	[tilespmem:$0xC080] =	vst v63  }
0xbf: {  	_ =	swait.ge [sflag:s7], $0xC000  }
0xc0: {  	[sflag:s7] =	ssyncset.done $0x0  }
0xc1: {  	s6 =	sadd.s32 $0xFFFFFFFF, s6;
	[sflag:s7] =	ssyncadd.s32 $0xFFFF4000  }
0xc2: {  	_ =	sfence.sel $0x180000  }
0xc3: {  	[bflag:$0x0] =	sbarrier.arrive $0xFFFF  }
0xc4: {  	_ =	strace $0x9000004A  }
0xc5: {  	s0 =	stileid.u32;
	[bflag:$0x2] =	sbarrier.arrive $0xFFFF  }
0xc6: {  	p0 =	sne.s32 s0, $0x0;
	s0 =	rddreg [dreg:$0x1]  }
0xc7: {  	s0 =	sadd.s32 @!p0 $0x100000, s0  }
0xc8: {  	[sflag:s0] =	ssyncadd.tile.s32 @!p0 $0x1;
	_ =	shalt  }
.Lfunc_end2:
_tile_overlayer_lowered:
.L_overlay_start_2:
0xc9: {  	(tag) =	ssettag $0x2  }
0xca: {  	s0 =	rddreg [dreg:$0x0];
	s2 =	stileid.u32  }
0xcb: {  	s1 =	rddreg [dreg:$0x1];
	p0 =	sne.s32 s2, $0x0  }
0xcc: {  	s3 =	rddreg [dreg:$0x2];
	[bflag:$0x3] =	sbarrier.arrive $0xFFFF;
	s2 =	simm.s32 @!p0 $0x1C02  }
0xcd: {  	[timem:s3], [sflag:s2] =	dma.local @!p0 [hbm:s0], s1  }
0xce: {  	s0 =	simm.s32 @!p0 $0x2  }
0xcf: {  	_ =	swait.ge @!p0 [sflag:s0], s1  }
0xd0: {  	s1 =	ssub.s32 @!p0 $0x0, s1;
	[sflag:s0] =	ssyncset.done @!p0 $0x0  }
0xd1: {  	[sflag:s0] =	ssyncadd.s32 @!p0 s1  }
0xd2: {  	[bflag:$0x3] =	sbarrier.arrive $0xFFFF  }
0xd3: {  	_ =	shalt  }

</sc_bundles>
